<compile_context>
chip_gen: v7x
topology: tpu7x:2x2x1
jax: 0.10.2.dev20260603
libtpu: 0.0.44.dev20260713+nightly
codegen_flags: <defaults>
</compile_context>

<pallas_src>
import functools

import jax
import jax.numpy as jnp
from jax import lax
from jax.experimental import pallas as pl
from jax.experimental.pallas import tpu as pltpu
from jax.experimental.pallas import tpu_sc as plsc

N_PTS = 524288
D = 8
N_GRID = 1024
NC = 2
NS = 16
L = 16
NW = NC * NS
PER_W = N_PTS // NW
BLK = 4096
NBLK = PER_W // BLK
GRPS = BLK // L

_MAGIC = 0x5F3759DF


def _interp_body(xt_hbm, params_hbm, grid_hbm, knn_hbm, slopes_hbm, out_hbm,
                 xv0, xv1, ov0, ov1, gv, kv, sv, av, bv, pv, isem, osem):
    wid = lax.axis_index("s") * NC + lax.axis_index("c")
    base_pt = wid * PER_W
    xvs, ovs, isems, osems = (xv0, xv1), (ov0, ov1), isem, osem

    pltpu.async_copy(xt_hbm.at[:, pl.ds(base_pt, BLK)], xv0, isems[0])

    pltpu.sync_copy(grid_hbm, gv)
    pltpu.sync_copy(knn_hbm, kv)
    pltpu.sync_copy(slopes_hbm, sv)
    pltpu.sync_copy(params_hbm, pv.at[pl.ds(0, 2)])

    one_v = jnp.full((L,), 1.0, jnp.float32)
    pvec = pv[pl.ds(0, L)]
    sig2 = pvec[0]
    ell = pvec[1]
    ell2 = ell * ell
    inv_ell_v = (one_v * ell) / (one_v * ell2)
    scale = ell2 * sig2
    bscale = ell * sig2
    gvec = gv[pl.ds(0, L)]
    h = gvec[1] - gvec[0]
    inv_h = (one_v / (one_v * h)) * inv_ell_v

    @plsc.parallel_loop(0, N_GRID // L, unroll=4)
    def tab_body(i):
        c = i * L
        gvi = gv[pl.ds(c, L)]
        kvi = kv[pl.ds(c, L)]
        svi = sv[pl.ds(c, L)]
        av[pl.ds(c, L)] = (kvi - svi * gvi) * scale
        bv[pl.ds(c, L)] = svi * bscale

    half = jnp.full((L,), 0.5, jnp.float32)
    three_half = jnp.full((L,), 1.5, jnp.float32)
    tiny = jnp.full((L,), 1e-30, jnp.float32)
    last = jnp.full((L,), N_GRID - 1, jnp.int32)
    zero_i = jnp.full((L,), 0, jnp.int32)
    zero_f = jnp.full((L,), 0.0, jnp.float32)
    magic = jnp.full((L,), _MAGIC, jnp.int32)

    def do_block(xv, ov):
        @plsc.parallel_loop(0, GRPS, unroll=8)
        def grp_body(g):
            c = g * L
            s = zero_f
            for j in range(D):
                col = xv[j, pl.ds(c, L)]
                s = s + col * col
            ss = jnp.maximum(s, tiny)
            bits = lax.bitcast_convert_type(ss, jnp.int32)
            y = lax.bitcast_convert_type(magic - (bits >> 1), jnp.float32)
            hs = half * ss
            y = y * (three_half - hs * y * y)
            y = y * (three_half - hs * y * y)
            d = ss * y
            k = (d * inv_h).astype(jnp.int32)
            k = jnp.minimum(k, last)
            k = jnp.where(s > 0.0, k, last)
            a = plsc.load_gather(av, [k])
            b2 = plsc.load_gather(bv, [k])
            ov[pl.ds(c, L)] = a + b2 * d

    for b in range(NBLK):
        cur, nxt = b % 2, (b + 1) % 2
        if b + 1 < NBLK:
            pltpu.async_copy(
                xt_hbm.at[:, pl.ds(base_pt + (b + 1) * BLK, BLK)],
                xvs[nxt], isems[nxt])
        pltpu.make_async_copy(
            xt_hbm.at[:, pl.ds(base_pt + b * BLK, BLK)],
            xvs[cur], isems[cur]).wait()
        if b >= 2:
            pltpu.make_async_copy(
                ovs[cur], out_hbm.at[pl.ds(base_pt + (b - 2) * BLK, BLK)],
                osems[cur]).wait()
        do_block(xvs[cur], ovs[cur])
        pltpu.async_copy(
            ovs[cur], out_hbm.at[pl.ds(base_pt + b * BLK, BLK)], osems[cur])
    for b in (NBLK - 2, NBLK - 1):
        cur = b % 2
        pltpu.make_async_copy(
            ovs[cur], out_hbm.at[pl.ds(base_pt + b * BLK, BLK)],
            osems[cur]).wait()


@jax.jit
def _interp(xt, params, grid, knn, slopes):
    call = pl.kernel(
        _interp_body,
        out_type=jax.ShapeDtypeStruct((N_PTS,), jnp.float32),
        mesh=plsc.VectorSubcoreMesh(core_axis_name="c", subcore_axis_name="s",
                                    num_cores=NC, num_subcores=NS),
        scratch_types=[
            pltpu.VMEM((D, BLK), jnp.float32),
            pltpu.VMEM((D, BLK), jnp.float32),
            pltpu.VMEM((BLK,), jnp.float32),
            pltpu.VMEM((BLK,), jnp.float32),
            pltpu.VMEM((N_GRID,), jnp.float32),
            pltpu.VMEM((N_GRID,), jnp.float32),
            pltpu.VMEM((N_GRID,), jnp.float32),
            pltpu.VMEM((N_GRID,), jnp.float32),
            pltpu.VMEM((N_GRID,), jnp.float32),
            pltpu.VMEM((L,), jnp.float32),
            [pltpu.SemaphoreType.DMA, pltpu.SemaphoreType.DMA],
            [pltpu.SemaphoreType.DMA, pltpu.SemaphoreType.DMA],
        ],
        compiler_params=pltpu.CompilerParams(needs_layout_passes=False),
    )
    return call(xt, params, grid, knn, slopes)


def kernel(x, params, distance_grid, knn, slopes):
    return _interp(x.T, params, distance_grid, knn, slopes)

# --- scband reference (transcript-rebuilt; emitter-appended) ---
"""Pipeline reference for scband-kernel-doubly-diag-interpolator-75728863363461 (READ-ONLY COPY).

The authoritative reference and input builder live on the scoring server;
editing this copy changes nothing except your own understanding.
"""

import jax, jax.numpy as jnp
import numpy as np

N_GRID = 1024
DMAX = 5.0
N_PTS = 524288
D = 8


def setup_inputs(seed: int = 0) -> dict:
    key = jax.random.key(seed)
    k1, k2 = jax.random.split(key, 2)
    x = jax.random.uniform(k1, (N_PTS, D), dtype=jnp.float32)
    params = jnp.ones((2,), dtype=jnp.float32)  # (sig2, ell)
    # Buffers computed in __init__ via scipy dblquad in the original module.
    # Here we materialize a faithful stand-in: a smooth monotone doubly-integrated
    # diagonal curve knn(d) ~ c*d^2 plus small jitter, with matching piecewise slopes.
    dgrid = jnp.linspace(0.0, DMAX, N_GRID, dtype=jnp.float32)
    knn = 0.25 * dgrid ** 2 + 0.01 * jax.random.uniform(k2, (N_GRID,), dtype=jnp.float32)
    s = (knn[1:] - knn[:-1]) / (dgrid[1:] - dgrid[:-1])
    slopes = jnp.concatenate([s, s[-1:]])
    return {"x": x, "params": params, "distance_grid": dgrid, "knn": knn, "slopes": slopes}


def reference(x, params, distance_grid, knn, slopes):
    sig2 = params[0]
    ell = params[1]
    dists = jnp.sqrt(jnp.sum((x / ell) ** 2, axis=-1))
    # bin search implemented exactly as in the torch forward: broadcast compare + sum
    lower_i = jnp.sum((dists[:, None] > distance_grid[None, :]).astype(jnp.int32), axis=-1) - 1
    diff = dists - distance_grid[lower_i]
    ivals = knn[lower_i] + slopes[lower_i] * diff
    return ell * ell * sig2 * ivals

if __name__ == "__main__":
    import jax
    _d = setup_inputs()
    print(jax.jit(kernel)(*tuple(_d.values())))

</pallas_src>

<mosaic_0001>
#map = affine_map<(d0, d1) -> (0, 0)>
#map1 = affine_map<(d0, d1) -> (0)>
module attributes {stable_mosaic.version = 14 : i64} {
  func.func @_interp_body(%arg0: i32, %arg1: i32, %arg2: memref<8x524288xf32, #tpu.memory_space<hbm>>, %arg3: memref<2xf32, #tpu.memory_space<hbm>>, %arg4: memref<1024xf32, #tpu.memory_space<hbm>>, %arg5: memref<1024xf32, #tpu.memory_space<hbm>>, %arg6: memref<1024xf32, #tpu.memory_space<hbm>>, %arg7: memref<524288xf32, #tpu.memory_space<hbm>>, %arg8: memref<8x4096xf32, #tpu.memory_space<vmem>>, %arg9: memref<8x4096xf32, #tpu.memory_space<vmem>>, %arg10: memref<4096xf32, #tpu.memory_space<vmem>>, %arg11: memref<4096xf32, #tpu.memory_space<vmem>>, %arg12: memref<1024xf32, #tpu.memory_space<vmem>>, %arg13: memref<1024xf32, #tpu.memory_space<vmem>>, %arg14: memref<1024xf32, #tpu.memory_space<vmem>>, %arg15: memref<1024xf32, #tpu.memory_space<vmem>>, %arg16: memref<1024xf32, #tpu.memory_space<vmem>>, %arg17: memref<16xf32, #tpu.memory_space<vmem>>, %arg18: memref<!tpu.dma_semaphore, #tpu.memory_space<semaphore_mem>>, %arg19: memref<!tpu.dma_semaphore, #tpu.memory_space<semaphore_mem>>, %arg20: memref<!tpu.dma_semaphore, #tpu.memory_space<semaphore_mem>>, %arg21: memref<!tpu.dma_semaphore, #tpu.memory_space<semaphore_mem>>) attributes {dimension_semantics = [#tpu.dimension_semantics<core_parallel>, #tpu.dimension_semantics<subcore_parallel>], iteration_bounds = array<i64: 2, 16>, scalar_prefetch = 0 : i64, scratch_operands = 14 : i64, tpu.core_type = #tpu.core_type<sc_vector_subcore>, window_params = [{transform_indices = #map}, {transform_indices = #map1}, {transform_indices = #map1}, {transform_indices = #map1}, {transform_indices = #map1}, {transform_indices = #map1}]} {
    %mul3A = arith.constant 2 : i32
    %mul3A_0 = arith.muli %arg1, %mul3A : i32
    %add3A = arith.addi %mul3A_0, %arg0 : i32
    %mul3A_1 = arith.constant 16384 : i32
    %mul3A_2 = arith.muli %add3A, %mul3A_1 : i32
    %dma_start3A = arith.constant 0 : i32
    %dma_start3A_3 = tpu.memref_slice %arg2[%dma_start3A, %mul3A_2] : memref<8x524288xf32, #tpu.memory_space<hbm>> -> memref<8x4096xf32, #tpu.memory_space<hbm>>
    %dma_start3A_4 = arith.constant 0 : i32
    %dma_start3A_5 = tpu.memref_slice %arg2[%dma_start3A_4, %mul3A_2] : memref<8x524288xf32, #tpu.memory_space<hbm>> -> memref<8x4096xf32, #tpu.memory_space<hbm>>
    tpu.enqueue_dma source(%dma_start3A_5 : memref<8x4096xf32, #tpu.memory_space<hbm>>) target(%arg8 : memref<8x4096xf32, #tpu.memory_space<vmem>>) target_semaphore(%arg18 : memref<!tpu.dma_semaphore, #tpu.memory_space<semaphore_mem>>)
    "tpu.region"() ({
      %run_scoped3A = tpu.sem_alloc : memref<!tpu.dma_semaphore, #tpu.memory_space<semaphore_mem>>
      tpu.enqueue_dma source(%arg4 : memref<1024xf32, #tpu.memory_space<hbm>>) target(%arg12 : memref<1024xf32, #tpu.memory_space<vmem>>) target_semaphore(%run_scoped3A : memref<!tpu.dma_semaphore, #tpu.memory_space<semaphore_mem>>)
      tpu.wait_dma2 semaphore(%run_scoped3A : memref<!tpu.dma_semaphore, #tpu.memory_space<semaphore_mem>>) src(%arg4 : memref<1024xf32, #tpu.memory_space<hbm>>) dst(%arg12 : memref<1024xf32, #tpu.memory_space<vmem>>)
      tpu.yield
    }) : () -> ()
    "tpu.region"() ({
      %run_scoped3A = tpu.sem_alloc : memref<!tpu.dma_semaphore, #tpu.memory_space<semaphore_mem>>
      tpu.enqueue_dma source(%arg5 : memref<1024xf32, #tpu.memory_space<hbm>>) target(%arg13 : memref<1024xf32, #tpu.memory_space<vmem>>) target_semaphore(%run_scoped3A : memref<!tpu.dma_semaphore, #tpu.memory_space<semaphore_mem>>)
      tpu.wait_dma2 semaphore(%run_scoped3A : memref<!tpu.dma_semaphore, #tpu.memory_space<semaphore_mem>>) src(%arg5 : memref<1024xf32, #tpu.memory_space<hbm>>) dst(%arg13 : memref<1024xf32, #tpu.memory_space<vmem>>)
      tpu.yield
    }) : () -> ()
    "tpu.region"() ({
      %run_scoped3A = tpu.sem_alloc : memref<!tpu.dma_semaphore, #tpu.memory_space<semaphore_mem>>
      tpu.enqueue_dma source(%arg6 : memref<1024xf32, #tpu.memory_space<hbm>>) target(%arg14 : memref<1024xf32, #tpu.memory_space<vmem>>) target_semaphore(%run_scoped3A : memref<!tpu.dma_semaphore, #tpu.memory_space<semaphore_mem>>)
      tpu.wait_dma2 semaphore(%run_scoped3A : memref<!tpu.dma_semaphore, #tpu.memory_space<semaphore_mem>>) src(%arg6 : memref<1024xf32, #tpu.memory_space<hbm>>) dst(%arg14 : memref<1024xf32, #tpu.memory_space<vmem>>)
      tpu.yield
    }) : () -> ()
    "tpu.region"() ({
      %run_scoped3A = tpu.sem_alloc : memref<!tpu.dma_semaphore, #tpu.memory_space<semaphore_mem>>
      %dma_start3A_128 = arith.constant 0 : i32
      %dma_start3A_129 = tpu.memref_slice %arg17[%dma_start3A_128] : memref<16xf32, #tpu.memory_space<vmem>> -> memref<2xf32, #tpu.memory_space<vmem>>
      %dma_start3A_130 = arith.constant 0 : i32
      %dma_start3A_131 = tpu.memref_slice %arg17[%dma_start3A_130] : memref<16xf32, #tpu.memory_space<vmem>> -> memref<2xf32, #tpu.memory_space<vmem>>
      tpu.enqueue_dma source(%arg3 : memref<2xf32, #tpu.memory_space<hbm>>) target(%dma_start3A_131 : memref<2xf32, #tpu.memory_space<vmem>>) target_semaphore(%run_scoped3A : memref<!tpu.dma_semaphore, #tpu.memory_space<semaphore_mem>>)
      %dma_wait3A_132 = arith.constant 0 : i32
      %dma_wait3A_133 = tpu.memref_slice %arg17[%dma_wait3A_132] : memref<16xf32, #tpu.memory_space<vmem>> -> memref<2xf32, #tpu.memory_space<vmem>>
      %dma_wait3A_134 = arith.constant 0 : i32
      %dma_wait3A_135 = tpu.memref_slice %arg17[%dma_wait3A_134] : memref<16xf32, #tpu.memory_space<vmem>> -> memref<2xf32, #tpu.memory_space<vmem>>
      tpu.wait_dma2 semaphore(%run_scoped3A : memref<!tpu.dma_semaphore, #tpu.memory_space<semaphore_mem>>) src(%arg3 : memref<2xf32, #tpu.memory_space<hbm>>) dst(%dma_wait3A_135 : memref<2xf32, #tpu.memory_space<vmem>>)
      tpu.yield
    }) : () -> ()
    %broadcast_in_dim3A = arith.constant 1.000000e+00 : f32
    %broadcast_in_dim3A_6 = vector.broadcast %broadcast_in_dim3A : f32 to vector<16xf32>
    %get3A = arith.constant 0 : index
    %get3A_7 = tpu.vector_load %arg17[%get3A] {strides = array<i32>} : memref<16xf32, #tpu.memory_space<vmem>>, vector<16xf32>,
    %slice3A = vector.extract_strided_slice %get3A_7 {offsets = [0], sizes = [1], strides = [1]} : vector<16xf32> to vector<1xf32>
    %squeeze3A = vector.extract %slice3A[0] : f32 from vector<1xf32>
    %slice3A_8 = vector.extract_strided_slice %get3A_7 {offsets = [1], sizes = [1], strides = [1]} : vector<16xf32> to vector<1xf32>
    %squeeze3A_9 = vector.extract %slice3A_8[0] : f32 from vector<1xf32>
    %mul3A_10 = arith.mulf %squeeze3A_9, %squeeze3A_9 : f32
    %mul3A_11 = vector.broadcast %squeeze3A_9 : f32 to vector<16xf32>
    %mul3A_12 = arith.mulf %broadcast_in_dim3A_6, %mul3A_11 : vector<16xf32>
    %mul3A_13 = vector.broadcast %mul3A_10 : f32 to vector<16xf32>
    %mul3A_14 = arith.mulf %broadcast_in_dim3A_6, %mul3A_13 : vector<16xf32>
    %div3A = arith.divf %mul3A_12, %mul3A_14 : vector<16xf32>
    %mul3A_15 = arith.mulf %mul3A_10, %squeeze3A : f32
    %mul3A_16 = arith.mulf %squeeze3A_9, %squeeze3A : f32
    %get3A_17 = arith.constant 0 : index
    %get3A_18 = tpu.vector_load %arg12[%get3A_17] {strides = array<i32>} : memref<1024xf32, #tpu.memory_space<vmem>>, vector<16xf32>,
    %slice3A_19 = vector.extract_strided_slice %get3A_18 {offsets = [1], sizes = [1], strides = [1]} : vector<16xf32> to vector<1xf32>
    %squeeze3A_20 = vector.extract %slice3A_19[0] : f32 from vector<1xf32>
    %slice3A_21 = vector.extract_strided_slice %get3A_18 {offsets = [0], sizes = [1], strides = [1]} : vector<16xf32> to vector<1xf32>
    %squeeze3A_22 = vector.extract %slice3A_21[0] : f32 from vector<1xf32>
    %sub3A = arith.subf %squeeze3A_20, %squeeze3A_22 : f32
    %mul3A_23 = vector.broadcast %sub3A : f32 to vector<16xf32>
    %mul3A_24 = arith.mulf %broadcast_in_dim3A_6, %mul3A_23 : vector<16xf32>
    %div3A_25 = arith.divf %broadcast_in_dim3A_6, %mul3A_24 : vector<16xf32>
    %mul3A_26 = arith.mulf %div3A_25, %div3A : vector<16xf32>
    %parallel_loop3A = arith.constant 0 : i32
    %parallel_loop3A_27 = arith.constant 64 : i32
    %parallel_loop3A_28 = arith.constant 1 : i32
    scf.for %parallel_loop3A_128 = %parallel_loop3A to %parallel_loop3A_27 step %parallel_loop3A_28  : i32 {
      %parallel_loop3A_129 = arith.constant 16 : i32
      %parallel_loop3A_130 = arith.muli %parallel_loop3A_128, %parallel_loop3A_129 : i32
      %parallel_loop3A_131 = arith.index_cast %parallel_loop3A_130 : i32 to index
      %parallel_loop3A_132 = tpu.vector_load %arg12[%parallel_loop3A_131] {strides = array<i32>} : memref<1024xf32, #tpu.memory_space<vmem>>, vector<16xf32>,
      %parallel_loop3A_133 = arith.index_cast %parallel_loop3A_130 : i32 to index
      %parallel_loop3A_134 = tpu.vector_load %arg13[%parallel_loop3A_133] {strides = array<i32>} : memref<1024xf32, #tpu.memory_space<vmem>>, vector<16xf32>,
      %parallel_loop3A_135 = arith.index_cast %parallel_loop3A_130 : i32 to index
      %parallel_loop3A_136 = tpu.vector_load %arg14[%parallel_loop3A_135] {strides = array<i32>} : memref<1024xf32, #tpu.memory_space<vmem>>, vector<16xf32>,
      %parallel_loop3A_137 = arith.mulf %parallel_loop3A_136, %parallel_loop3A_132 : vector<16xf32>
      %parallel_loop3A_138 = arith.subf %parallel_loop3A_134, %parallel_loop3A_137 : vector<16xf32>
      %parallel_loop3A_139 = vector.broadcast %mul3A_15 : f32 to vector<16xf32>
      %parallel_loop3A_140 = arith.mulf %parallel_loop3A_138, %parallel_loop3A_139 : vector<16xf32>
      %parallel_loop3A_141 = arith.index_cast %parallel_loop3A_130 : i32 to index
      %parallel_loop3A_142 = tpu.vector_load %arg15[%parallel_loop3A_141] {strides = array<i32>} : memref<1024xf32, #tpu.memory_space<vmem>>, vector<16xf32>,
      tpu.vector_store %arg15[%parallel_loop3A_141], %parallel_loop3A_140 {strides = array<i32>} : memref<1024xf32, #tpu.memory_space<vmem>>, vector<16xf32>,
      %parallel_loop3A_143 = vector.broadcast %mul3A_16 : f32 to vector<16xf32>
      %parallel_loop3A_144 = arith.mulf %parallel_loop3A_136, %parallel_loop3A_143 : vector<16xf32>
      %parallel_loop3A_145 = arith.index_cast %parallel_loop3A_130 : i32 to index
      %parallel_loop3A_146 = tpu.vector_load %arg16[%parallel_loop3A_145] {strides = array<i32>} : memref<1024xf32, #tpu.memory_space<vmem>>, vector<16xf32>,
      tpu.vector_store %arg16[%parallel_loop3A_145], %parallel_loop3A_144 {strides = array<i32>} : memref<1024xf32, #tpu.memory_space<vmem>>, vector<16xf32>,
    } {sc.loop_unroll_factor = 4 : i64, sc.parallel_access}
    %broadcast_in_dim3A_29 = arith.constant 5.000000e-01 : f32
    %broadcast_in_dim3A_30 = vector.broadcast %broadcast_in_dim3A_29 : f32 to vector<16xf32>
    %broadcast_in_dim3A_31 = arith.constant 1.500000e+00 : f32
    %broadcast_in_dim3A_32 = vector.broadcast %broadcast_in_dim3A_31 : f32 to vector<16xf32>
    %broadcast_in_dim3A_33 = arith.constant 1.000000e-30 : f32
    %broadcast_in_dim3A_34 = vector.broadcast %broadcast_in_dim3A_33 : f32 to vector<16xf32>
    %broadcast_in_dim3A_35 = arith.constant 1023 : i32
    %broadcast_in_dim3A_36 = vector.broadcast %broadcast_in_dim3A_35 : i32 to vector<16xi32>
    %broadcast_in_dim3A_37 = arith.constant 0 : i32
    %broadcast_in_dim3A_38 = vector.broadcast %broadcast_in_dim3A_37 : i32 to vector<16xi32>
    %broadcast_in_dim3A_39 = arith.constant 0.000000e+00 : f32
    %broadcast_in_dim3A_40 = vector.broadcast %broadcast_in_dim3A_39 : f32 to vector<16xf32>
    %broadcast_in_dim3A_41 = arith.constant 1597463007 : i32
    %broadcast_in_dim3A_42 = vector.broadcast %broadcast_in_dim3A_41 : i32 to vector<16xi32>
    %add3A_43 = arith.constant 4096 : i32
    %add3A_44 = arith.addi %mul3A_2, %add3A_43 : i32
    %dma_start3A_45 = arith.constant 0 : i32
    %dma_start3A_46 = tpu.memref_slice %arg2[%dma_start3A_45, %add3A_44] : memref<8x524288xf32, #tpu.memory_space<hbm>> -> memref<8x4096xf32, #tpu.memory_space<hbm>>
    %dma_start3A_47 = arith.constant 0 : i32
    %dma_start3A_48 = tpu.memref_slice %arg2[%dma_start3A_47, %add3A_44] : memref<8x524288xf32, #tpu.memory_space<hbm>> -> memref<8x4096xf32, #tpu.memory_space<hbm>>
    tpu.enqueue_dma source(%dma_start3A_48 : memref<8x4096xf32, #tpu.memory_space<hbm>>) target(%arg9 : memref<8x4096xf32, #tpu.memory_space<vmem>>) target_semaphore(%arg19 : memref<!tpu.dma_semaphore, #tpu.memory_space<semaphore_mem>>)
    %add3A_49 = arith.constant 0 : i32
    %add3A_50 = arith.addi %mul3A_2, %add3A_49 : i32
    %dma_wait3A = arith.constant 0 : i32
    %dma_wait3A_51 = tpu.memref_slice %arg2[%dma_wait3A, %add3A_50] : memref<8x524288xf32, #tpu.memory_space<hbm>> -> memref<8x4096xf32, #tpu.memory_space<hbm>>
    %dma_wait3A_52 = arith.constant 0 : i32
    %dma_wait3A_53 = tpu.memref_slice %arg2[%dma_wait3A_52, %add3A_50] : memref<8x524288xf32, #tpu.memory_space<hbm>> -> memref<8x4096xf32, #tpu.memory_space<hbm>>
    tpu.wait_dma2 semaphore(%arg18 : memref<!tpu.dma_semaphore, #tpu.memory_space<semaphore_mem>>) src(%dma_wait3A_53 : memref<8x4096xf32, #tpu.memory_space<hbm>>) dst(%arg8 : memref<8x4096xf32, #tpu.memory_space<vmem>>)
    %parallel_loop3A_54 = arith.constant 0 : i32
    %parallel_loop3A_55 = arith.constant 256 : i32
    %parallel_loop3A_56 = arith.constant 1 : i32
    scf.for %parallel_loop3A_128 = %parallel_loop3A_54 to %parallel_loop3A_55 step %parallel_loop3A_56  : i32 {
      %parallel_loop3A_129 = arith.constant 16 : i32
      %parallel_loop3A_130 = arith.muli %parallel_loop3A_128, %parallel_loop3A_129 : i32
      %parallel_loop3A_131 = arith.constant 0 : i32
      %parallel_loop3A_132 = arith.index_cast %parallel_loop3A_131 : i32 to index
      %parallel_loop3A_133 = arith.index_cast %parallel_loop3A_130 : i32 to index
      %parallel_loop3A_134 = tpu.vector_load %arg8[%parallel_loop3A_132, %parallel_loop3A_133] {strides = array<i32>} : memref<8x4096xf32, #tpu.memory_space<vmem>>, vector<16xf32>,
      %parallel_loop3A_135 = arith.mulf %parallel_loop3A_134, %parallel_loop3A_134 : vector<16xf32>
      %parallel_loop3A_136 = arith.addf %broadcast_in_dim3A_40, %parallel_loop3A_135 : vector<16xf32>
      %parallel_loop3A_137 = arith.constant 1 : i32
      %parallel_loop3A_138 = arith.index_cast %parallel_loop3A_137 : i32 to index
      %parallel_loop3A_139 = arith.index_cast %parallel_loop3A_130 : i32 to index
      %parallel_loop3A_140 = tpu.vector_load %arg8[%parallel_loop3A_138, %parallel_loop3A_139] {strides = array<i32>} : memref<8x4096xf32, #tpu.memory_space<vmem>>, vector<16xf32>,
      %parallel_loop3A_141 = arith.mulf %parallel_loop3A_140, %parallel_loop3A_140 : vector<16xf32>
      %parallel_loop3A_142 = arith.addf %parallel_loop3A_136, %parallel_loop3A_141 : vector<16xf32>
      %parallel_loop3A_143 = arith.constant 2 : i32
      %parallel_loop3A_144 = arith.index_cast %parallel_loop3A_143 : i32 to index
      %parallel_loop3A_145 = arith.index_cast %parallel_loop3A_130 : i32 to index
      %parallel_loop3A_146 = tpu.vector_load %arg8[%parallel_loop3A_144, %parallel_loop3A_145] {strides = array<i32>} : memref<8x4096xf32, #tpu.memory_space<vmem>>, vector<16xf32>,
      %parallel_loop3A_147 = arith.mulf %parallel_loop3A_146, %parallel_loop3A_146 : vector<16xf32>
      %parallel_loop3A_148 = arith.addf %parallel_loop3A_142, %parallel_loop3A_147 : vector<16xf32>
      %parallel_loop3A_149 = arith.constant 3 : i32
      %parallel_loop3A_150 = arith.index_cast %parallel_loop3A_149 : i32 to index
      %parallel_loop3A_151 = arith.index_cast %parallel_loop3A_130 : i32 to index
      %parallel_loop3A_152 = tpu.vector_load %arg8[%parallel_loop3A_150, %parallel_loop3A_151] {strides = array<i32>} : memref<8x4096xf32, #tpu.memory_space<vmem>>, vector<16xf32>,
      %parallel_loop3A_153 = arith.mulf %parallel_loop3A_152, %parallel_loop3A_152 : vector<16xf32>
      %parallel_loop3A_154 = arith.addf %parallel_loop3A_148, %parallel_loop3A_153 : vector<16xf32>
      %parallel_loop3A_155 = arith.constant 4 : i32
      %parallel_loop3A_156 = arith.index_cast %parallel_loop3A_155 : i32 to index
      %parallel_loop3A_157 = arith.index_cast %parallel_loop3A_130 : i32 to index
      %parallel_loop3A_158 = tpu.vector_load %arg8[%parallel_loop3A_156, %parallel_loop3A_157] {strides = array<i32>} : memref<8x4096xf32, #tpu.memory_space<vmem>>, vector<16xf32>,
      %parallel_loop3A_159 = arith.mulf %parallel_loop3A_158, %parallel_loop3A_158 : vector<16xf32>
      %parallel_loop3A_160 = arith.addf %parallel_loop3A_154, %parallel_loop3A_159 : vector<16xf32>
      %parallel_loop3A_161 = arith.constant 5 : i32
      %parallel_loop3A_162 = arith.index_cast %parallel_loop3A_161 : i32 to index
      %parallel_loop3A_163 = arith.index_cast %parallel_loop3A_130 : i32 to index
      %parallel_loop3A_164 = tpu.vector_load %arg8[%parallel_loop3A_162, %parallel_loop3A_163] {strides = array<i32>} : memref<8x4096xf32, #tpu.memory_space<vmem>>, vector<16xf32>,
      %parallel_loop3A_165 = arith.mulf %parallel_loop3A_164, %parallel_loop3A_164 : vector<16xf32>
      %parallel_loop3A_166 = arith.addf %parallel_loop3A_160, %parallel_loop3A_165 : vector<16xf32>
      %parallel_loop3A_167 = arith.constant 6 : i32
      %parallel_loop3A_168 = arith.index_cast %parallel_loop3A_167 : i32 to index
      %parallel_loop3A_169 = arith.index_cast %parallel_loop3A_130 : i32 to index
      %parallel_loop3A_170 = tpu.vector_load %arg8[%parallel_loop3A_168, %parallel_loop3A_169] {strides = array<i32>} : memref<8x4096xf32, #tpu.memory_space<vmem>>, vector<16xf32>,
      %parallel_loop3A_171 = arith.mulf %parallel_loop3A_170, %parallel_loop3A_170 : vector<16xf32>
      %parallel_loop3A_172 = arith.addf %parallel_loop3A_166, %parallel_loop3A_171 : vector<16xf32>
      %parallel_loop3A_173 = arith.constant 7 : i32
      %parallel_loop3A_174 = arith.index_cast %parallel_loop3A_173 : i32 to index
      %parallel_loop3A_175 = arith.index_cast %parallel_loop3A_130 : i32 to index
      %parallel_loop3A_176 = tpu.vector_load %arg8[%parallel_loop3A_174, %parallel_loop3A_175] {strides = array<i32>} : memref<8x4096xf32, #tpu.memory_space<vmem>>, vector<16xf32>,
      %parallel_loop3A_177 = arith.mulf %parallel_loop3A_176, %parallel_loop3A_176 : vector<16xf32>
      %parallel_loop3A_178 = arith.addf %parallel_loop3A_172, %parallel_loop3A_177 : vector<16xf32>
      %parallel_loop3A_179 = arith.maximumf %parallel_loop3A_178, %broadcast_in_dim3A_34 : vector<16xf32>
      %parallel_loop3A_180 = tpu.bitcast %parallel_loop3A_179 : vector<16xf32> -> vector<16xi32>
      %parallel_loop3A_181 = arith.constant 1 : i32
      %parallel_loop3A_182 = vector.broadcast %parallel_loop3A_181 : i32 to vector<16xi32>
      %parallel_loop3A_183 = arith.shrsi %parallel_loop3A_180, %parallel_loop3A_182 : vector<16xi32>
      %parallel_loop3A_184 = arith.subi %broadcast_in_dim3A_42, %parallel_loop3A_183 : vector<16xi32>
      %parallel_loop3A_185 = tpu.bitcast %parallel_loop3A_184 : vector<16xi32> -> vector<16xf32>
      %parallel_loop3A_186 = arith.mulf %broadcast_in_dim3A_30, %parallel_loop3A_179 : vector<16xf32>
      %parallel_loop3A_187 = arith.mulf %parallel_loop3A_186, %parallel_loop3A_185 : vector<16xf32>
      %parallel_loop3A_188 = arith.mulf %parallel_loop3A_187, %parallel_loop3A_185 : vector<16xf32>
      %parallel_loop3A_189 = arith.subf %broadcast_in_dim3A_32, %parallel_loop3A_188 : vector<16xf32>
      %parallel_loop3A_190 = arith.mulf %parallel_loop3A_185, %parallel_loop3A_189 : vector<16xf32>
      %parallel_loop3A_191 = arith.mulf %parallel_loop3A_186, %parallel_loop3A_190 : vector<16xf32>
      %parallel_loop3A_192 = arith.mulf %parallel_loop3A_191, %parallel_loop3A_190 : vector<16xf32>
      %parallel_loop3A_193 = arith.subf %broadcast_in_dim3A_32, %parallel_loop3A_192 : vector<16xf32>
      %parallel_loop3A_194 = arith.mulf %parallel_loop3A_190, %parallel_loop3A_193 : vector<16xf32>
      %parallel_loop3A_195 = arith.mulf %parallel_loop3A_179, %parallel_loop3A_194 : vector<16xf32>
      %parallel_loop3A_196 = arith.mulf %parallel_loop3A_195, %mul3A_26 : vector<16xf32>
      %parallel_loop3A_197 = arith.fptosi %parallel_loop3A_196 : vector<16xf32> to vector<16xi32>
      %parallel_loop3A_198 = arith.minsi %parallel_loop3A_197, %broadcast_in_dim3A_36 : vector<16xi32>
      %parallel_loop3A_199 = arith.constant 0.000000e+00 : f32
      %parallel_loop3A_200 = vector.broadcast %parallel_loop3A_199 : f32 to vector<16xf32>
      %parallel_loop3A_201 = arith.cmpf ogt, %parallel_loop3A_178, %parallel_loop3A_200 : vector<16xf32>
      %parallel_loop3A_202 = arith.select %parallel_loop3A_201, %parallel_loop3A_198, %broadcast_in_dim3A_36 : vector<16xi1>, vector<16xi32>
      %parallel_loop3A_203 = tpu.vector_load_idx %arg15[%parallel_loop3A_202] : memref<1024xf32, #tpu.memory_space<vmem>>[vector<16xi32>], vector<16xf32>,
      %parallel_loop3A_204 = tpu.vector_load_idx %arg16[%parallel_loop3A_202] : memref<1024xf32, #tpu.memory_space<vmem>>[vector<16xi32>], vector<16xf32>,
      %parallel_loop3A_205 = arith.mulf %parallel_loop3A_204, %parallel_loop3A_195 : vector<16xf32>
      %parallel_loop3A_206 = arith.addf %parallel_loop3A_203, %parallel_loop3A_205 : vector<16xf32>
      %parallel_loop3A_207 = arith.index_cast %parallel_loop3A_130 : i32 to index
      %parallel_loop3A_208 = tpu.vector_load %arg10[%parallel_loop3A_207] {strides = array<i32>} : memref<4096xf32, #tpu.memory_space<vmem>>, vector<16xf32>,
      tpu.vector_store %arg10[%parallel_loop3A_207], %parallel_loop3A_206 {strides = array<i32>} : memref<4096xf32, #tpu.memory_space<vmem>>, vector<16xf32>,
    } {sc.loop_unroll_factor = 8 : i64, sc.parallel_access}
    %add3A_57 = arith.constant 0 : i32
    %add3A_58 = arith.addi %mul3A_2, %add3A_57 : i32
    %dma_start3A_59 = tpu.memref_slice %arg7[%add3A_58] : memref<524288xf32, #tpu.memory_space<hbm>> -> memref<4096xf32, #tpu.memory_space<hbm>>
    %dma_start3A_60 = tpu.memref_slice %arg7[%add3A_58] : memref<524288xf32, #tpu.memory_space<hbm>> -> memref<4096xf32, #tpu.memory_space<hbm>>
    tpu.enqueue_dma source(%arg10 : memref<4096xf32, #tpu.memory_space<vmem>>) target(%dma_start3A_60 : memref<4096xf32, #tpu.memory_space<hbm>>) target_semaphore(%arg20 : memref<!tpu.dma_semaphore, #tpu.memory_space<semaphore_mem>>)
    %add3A_61 = arith.constant 8192 : i32
    %add3A_62 = arith.addi %mul3A_2, %add3A_61 : i32
    %dma_start3A_63 = arith.constant 0 : i32
    %dma_start3A_64 = tpu.memref_slice %arg2[%dma_start3A_63, %add3A_62] : memref<8x524288xf32, #tpu.memory_space<hbm>> -> memref<8x4096xf32, #tpu.memory_space<hbm>>
    %dma_start3A_65 = arith.constant 0 : i32
    %dma_start3A_66 = tpu.memref_slice %arg2[%dma_start3A_65, %add3A_62] : memref<8x524288xf32, #tpu.memory_space<hbm>> -> memref<8x4096xf32, #tpu.memory_space<hbm>>
    tpu.enqueue_dma source(%dma_start3A_66 : memref<8x4096xf32, #tpu.memory_space<hbm>>) target(%arg8 : memref<8x4096xf32, #tpu.memory_space<vmem>>) target_semaphore(%arg18 : memref<!tpu.dma_semaphore, #tpu.memory_space<semaphore_mem>>)
    %add3A_67 = arith.constant 4096 : i32
    %add3A_68 = arith.addi %mul3A_2, %add3A_67 : i32
    %dma_wait3A_69 = arith.constant 0 : i32
    %dma_wait3A_70 = tpu.memref_slice %arg2[%dma_wait3A_69, %add3A_68] : memref<8x524288xf32, #tpu.memory_space<hbm>> -> memref<8x4096xf32, #tpu.memory_space<hbm>>
    %dma_wait3A_71 = arith.constant 0 : i32
    %dma_wait3A_72 = tpu.memref_slice %arg2[%dma_wait3A_71, %add3A_68] : memref<8x524288xf32, #tpu.memory_space<hbm>> -> memref<8x4096xf32, #tpu.memory_space<hbm>>
    tpu.wait_dma2 semaphore(%arg19 : memref<!tpu.dma_semaphore, #tpu.memory_space<semaphore_mem>>) src(%dma_wait3A_72 : memref<8x4096xf32, #tpu.memory_space<hbm>>) dst(%arg9 : memref<8x4096xf32, #tpu.memory_space<vmem>>)
    %parallel_loop3A_73 = arith.constant 0 : i32
    %parallel_loop3A_74 = arith.constant 256 : i32
    %parallel_loop3A_75 = arith.constant 1 : i32
    scf.for %parallel_loop3A_128 = %parallel_loop3A_73 to %parallel_loop3A_74 step %parallel_loop3A_75  : i32 {
      %parallel_loop3A_129 = arith.constant 16 : i32
      %parallel_loop3A_130 = arith.muli %parallel_loop3A_128, %parallel_loop3A_129 : i32
      %parallel_loop3A_131 = arith.constant 0 : i32
      %parallel_loop3A_132 = arith.index_cast %parallel_loop3A_131 : i32 to index
      %parallel_loop3A_133 = arith.index_cast %parallel_loop3A_130 : i32 to index
      %parallel_loop3A_134 = tpu.vector_load %arg9[%parallel_loop3A_132, %parallel_loop3A_133] {strides = array<i32>} : memref<8x4096xf32, #tpu.memory_space<vmem>>, vector<16xf32>,
      %parallel_loop3A_135 = arith.mulf %parallel_loop3A_134, %parallel_loop3A_134 : vector<16xf32>
      %parallel_loop3A_136 = arith.addf %broadcast_in_dim3A_40, %parallel_loop3A_135 : vector<16xf32>
      %parallel_loop3A_137 = arith.constant 1 : i32
      %parallel_loop3A_138 = arith.index_cast %parallel_loop3A_137 : i32 to index
      %parallel_loop3A_139 = arith.index_cast %parallel_loop3A_130 : i32 to index
      %parallel_loop3A_140 = tpu.vector_load %arg9[%parallel_loop3A_138, %parallel_loop3A_139] {strides = array<i32>} : memref<8x4096xf32, #tpu.memory_space<vmem>>, vector<16xf32>,
      %parallel_loop3A_141 = arith.mulf %parallel_loop3A_140, %parallel_loop3A_140 : vector<16xf32>
      %parallel_loop3A_142 = arith.addf %parallel_loop3A_136, %parallel_loop3A_141 : vector<16xf32>
      %parallel_loop3A_143 = arith.constant 2 : i32
      %parallel_loop3A_144 = arith.index_cast %parallel_loop3A_143 : i32 to index
      %parallel_loop3A_145 = arith.index_cast %parallel_loop3A_130 : i32 to index
      %parallel_loop3A_146 = tpu.vector_load %arg9[%parallel_loop3A_144, %parallel_loop3A_145] {strides = array<i32>} : memref<8x4096xf32, #tpu.memory_space<vmem>>, vector<16xf32>,
      %parallel_loop3A_147 = arith.mulf %parallel_loop3A_146, %parallel_loop3A_146 : vector<16xf32>
      %parallel_loop3A_148 = arith.addf %parallel_loop3A_142, %parallel_loop3A_147 : vector<16xf32>
      %parallel_loop3A_149 = arith.constant 3 : i32
      %parallel_loop3A_150 = arith.index_cast %parallel_loop3A_149 : i32 to index
      %parallel_loop3A_151 = arith.index_cast %parallel_loop3A_130 : i32 to index
      %parallel_loop3A_152 = tpu.vector_load %arg9[%parallel_loop3A_150, %parallel_loop3A_151] {strides = array<i32>} : memref<8x4096xf32, #tpu.memory_space<vmem>>, vector<16xf32>,
      %parallel_loop3A_153 = arith.mulf %parallel_loop3A_152, %parallel_loop3A_152 : vector<16xf32>
      %parallel_loop3A_154 = arith.addf %parallel_loop3A_148, %parallel_loop3A_153 : vector<16xf32>
      %parallel_loop3A_155 = arith.constant 4 : i32
      %parallel_loop3A_156 = arith.index_cast %parallel_loop3A_155 : i32 to index
      %parallel_loop3A_157 = arith.index_cast %parallel_loop3A_130 : i32 to index
      %parallel_loop3A_158 = tpu.vector_load %arg9[%parallel_loop3A_156, %parallel_loop3A_157] {strides = array<i32>} : memref<8x4096xf32, #tpu.memory_space<vmem>>, vector<16xf32>,
      %parallel_loop3A_159 = arith.mulf %parallel_loop3A_158, %parallel_loop3A_158 : vector<16xf32>
      %parallel_loop3A_160 = arith.addf %parallel_loop3A_154, %parallel_loop3A_159 : vector<16xf32>
      %parallel_loop3A_161 = arith.constant 5 : i32
      %parallel_loop3A_162 = arith.index_cast %parallel_loop3A_161 : i32 to index
      %parallel_loop3A_163 = arith.index_cast %parallel_loop3A_130 : i32 to index
      %parallel_loop3A_164 = tpu.vector_load %arg9[%parallel_loop3A_162, %parallel_loop3A_163] {strides = array<i32>} : memref<8x4096xf32, #tpu.memory_space<vmem>>, vector<16xf32>,
      %parallel_loop3A_165 = arith.mulf %parallel_loop3A_164, %parallel_loop3A_164 : vector<16xf32>
      %parallel_loop3A_166 = arith.addf %parallel_loop3A_160, %parallel_loop3A_165 : vector<16xf32>
      %parallel_loop3A_167 = arith.constant 6 : i32
      %parallel_loop3A_168 = arith.index_cast %parallel_loop3A_167 : i32 to index
      %parallel_loop3A_169 = arith.index_cast %parallel_loop3A_130 : i32 to index
      %parallel_loop3A_170 = tpu.vector_load %arg9[%parallel_loop3A_168, %parallel_loop3A_169] {strides = array<i32>} : memref<8x4096xf32, #tpu.memory_space<vmem>>, vector<16xf32>,
      %parallel_loop3A_171 = arith.mulf %parallel_loop3A_170, %parallel_loop3A_170 : vector<16xf32>
      %parallel_loop3A_172 = arith.addf %parallel_loop3A_166, %parallel_loop3A_171 : vector<16xf32>
      %parallel_loop3A_173 = arith.constant 7 : i32
      %parallel_loop3A_174 = arith.index_cast %parallel_loop3A_173 : i32 to index
      %parallel_loop3A_175 = arith.index_cast %parallel_loop3A_130 : i32 to index
      %parallel_loop3A_176 = tpu.vector_load %arg9[%parallel_loop3A_174, %parallel_loop3A_175] {strides = array<i32>} : memref<8x4096xf32, #tpu.memory_space<vmem>>, vector<16xf32>,
      %parallel_loop3A_177 = arith.mulf %parallel_loop3A_176, %parallel_loop3A_176 : vector<16xf32>
      %parallel_loop3A_178 = arith.addf %parallel_loop3A_172, %parallel_loop3A_177 : vector<16xf32>
      %parallel_loop3A_179 = arith.maximumf %parallel_loop3A_178, %broadcast_in_dim3A_34 : vector<16xf32>
      %parallel_loop3A_180 = tpu.bitcast %parallel_loop3A_179 : vector<16xf32> -> vector<16xi32>
      %parallel_loop3A_181 = arith.constant 1 : i32
      %parallel_loop3A_182 = vector.broadcast %parallel_loop3A_181 : i32 to vector<16xi32>
      %parallel_loop3A_183 = arith.shrsi %parallel_loop3A_180, %parallel_loop3A_182 : vector<16xi32>
      %parallel_loop3A_184 = arith.subi %broadcast_in_dim3A_42, %parallel_loop3A_183 : vector<16xi32>
      %parallel_loop3A_185 = tpu.bitcast %parallel_loop3A_184 : vector<16xi32> -> vector<16xf32>
      %parallel_loop3A_186 = arith.mulf %broadcast_in_dim3A_30, %parallel_loop3A_179 : vector<16xf32>
      %parallel_loop3A_187 = arith.mulf %parallel_loop3A_186, %parallel_loop3A_185 : vector<16xf32>
      %parallel_loop3A_188 = arith.mulf %parallel_loop3A_187, %parallel_loop3A_185 : vector<16xf32>
      %parallel_loop3A_189 = arith.subf %broadcast_in_dim3A_32, %parallel_loop3A_188 : vector<16xf32>
      %parallel_loop3A_190 = arith.mulf %parallel_loop3A_185, %parallel_loop3A_189 : vector<16xf32>
      %parallel_loop3A_191 = arith.mulf %parallel_loop3A_186, %parallel_loop3A_190 : vector<16xf32>
      %parallel_loop3A_192 = arith.mulf %parallel_loop3A_191, %parallel_loop3A_190 : vector<16xf32>
      %parallel_loop3A_193 = arith.subf %broadcast_in_dim3A_32, %parallel_loop3A_192 : vector<16xf32>
      %parallel_loop3A_194 = arith.mulf %parallel_loop3A_190, %parallel_loop3A_193 : vector<16xf32>
      %parallel_loop3A_195 = arith.mulf %parallel_loop3A_179, %parallel_loop3A_194 : vector<16xf32>
      %parallel_loop3A_196 = arith.mulf %parallel_loop3A_195, %mul3A_26 : vector<16xf32>
      %parallel_loop3A_197 = arith.fptosi %parallel_loop3A_196 : vector<16xf32> to vector<16xi32>
      %parallel_loop3A_198 = arith.minsi %parallel_loop3A_197, %broadcast_in_dim3A_36 : vector<16xi32>
      %parallel_loop3A_199 = arith.constant 0.000000e+00 : f32
      %parallel_loop3A_200 = vector.broadcast %parallel_loop3A_199 : f32 to vector<16xf32>
      %parallel_loop3A_201 = arith.cmpf ogt, %parallel_loop3A_178, %parallel_loop3A_200 : vector<16xf32>
      %parallel_loop3A_202 = arith.select %parallel_loop3A_201, %parallel_loop3A_198, %broadcast_in_dim3A_36 : vector<16xi1>, vector<16xi32>
      %parallel_loop3A_203 = tpu.vector_load_idx %arg15[%parallel_loop3A_202] : memref<1024xf32, #tpu.memory_space<vmem>>[vector<16xi32>], vector<16xf32>,
      %parallel_loop3A_204 = tpu.vector_load_idx %arg16[%parallel_loop3A_202] : memref<1024xf32, #tpu.memory_space<vmem>>[vector<16xi32>], vector<16xf32>,
      %parallel_loop3A_205 = arith.mulf %parallel_loop3A_204, %parallel_loop3A_195 : vector<16xf32>
      %parallel_loop3A_206 = arith.addf %parallel_loop3A_203, %parallel_loop3A_205 : vector<16xf32>
      %parallel_loop3A_207 = arith.index_cast %parallel_loop3A_130 : i32 to index
      %parallel_loop3A_208 = tpu.vector_load %arg11[%parallel_loop3A_207] {strides = array<i32>} : memref<4096xf32, #tpu.memory_space<vmem>>, vector<16xf32>,
      tpu.vector_store %arg11[%parallel_loop3A_207], %parallel_loop3A_206 {strides = array<i32>} : memref<4096xf32, #tpu.memory_space<vmem>>, vector<16xf32>,
    } {sc.loop_unroll_factor = 8 : i64, sc.parallel_access}
    %add3A_76 = arith.constant 4096 : i32
    %add3A_77 = arith.addi %mul3A_2, %add3A_76 : i32
    %dma_start3A_78 = tpu.memref_slice %arg7[%add3A_77] : memref<524288xf32, #tpu.memory_space<hbm>> -> memref<4096xf32, #tpu.memory_space<hbm>>
    %dma_start3A_79 = tpu.memref_slice %arg7[%add3A_77] : memref<524288xf32, #tpu.memory_space<hbm>> -> memref<4096xf32, #tpu.memory_space<hbm>>
    tpu.enqueue_dma source(%arg11 : memref<4096xf32, #tpu.memory_space<vmem>>) target(%dma_start3A_79 : memref<4096xf32, #tpu.memory_space<hbm>>) target_semaphore(%arg21 : memref<!tpu.dma_semaphore, #tpu.memory_space<semaphore_mem>>)
    %add3A_80 = arith.constant 12288 : i32
    %add3A_81 = arith.addi %mul3A_2, %add3A_80 : i32
    %dma_start3A_82 = arith.constant 0 : i32
    %dma_start3A_83 = tpu.memref_slice %arg2[%dma_start3A_82, %add3A_81] : memref<8x524288xf32, #tpu.memory_space<hbm>> -> memref<8x4096xf32, #tpu.memory_space<hbm>>
    %dma_start3A_84 = arith.constant 0 : i32
    %dma_start3A_85 = tpu.memref_slice %arg2[%dma_start3A_84, %add3A_81] : memref<8x524288xf32, #tpu.memory_space<hbm>> -> memref<8x4096xf32, #tpu.memory_space<hbm>>
    tpu.enqueue_dma source(%dma_start3A_85 : memref<8x4096xf32, #tpu.memory_space<hbm>>) target(%arg9 : memref<8x4096xf32, #tpu.memory_space<vmem>>) target_semaphore(%arg19 : memref<!tpu.dma_semaphore, #tpu.memory_space<semaphore_mem>>)
    %add3A_86 = arith.constant 8192 : i32
    %add3A_87 = arith.addi %mul3A_2, %add3A_86 : i32
    %dma_wait3A_88 = arith.constant 0 : i32
    %dma_wait3A_89 = tpu.memref_slice %arg2[%dma_wait3A_88, %add3A_87] : memref<8x524288xf32, #tpu.memory_space<hbm>> -> memref<8x4096xf32, #tpu.memory_space<hbm>>
    %dma_wait3A_90 = arith.constant 0 : i32
    %dma_wait3A_91 = tpu.memref_slice %arg2[%dma_wait3A_90, %add3A_87] : memref<8x524288xf32, #tpu.memory_space<hbm>> -> memref<8x4096xf32, #tpu.memory_space<hbm>>
    tpu.wait_dma2 semaphore(%arg18 : memref<!tpu.dma_semaphore, #tpu.memory_space<semaphore_mem>>) src(%dma_wait3A_91 : memref<8x4096xf32, #tpu.memory_space<hbm>>) dst(%arg8 : memref<8x4096xf32, #tpu.memory_space<vmem>>)
    %add3A_92 = arith.constant 0 : i32
    %add3A_93 = arith.addi %mul3A_2, %add3A_92 : i32
    %dma_wait3A_94 = tpu.memref_slice %arg7[%add3A_93] : memref<524288xf32, #tpu.memory_space<hbm>> -> memref<4096xf32, #tpu.memory_space<hbm>>
    %dma_wait3A_95 = tpu.memref_slice %arg7[%add3A_93] : memref<524288xf32, #tpu.memory_space<hbm>> -> memref<4096xf32, #tpu.memory_space<hbm>>
    tpu.wait_dma2 semaphore(%arg20 : memref<!tpu.dma_semaphore, #tpu.memory_space<semaphore_mem>>) src(%arg10 : memref<4096xf32, #tpu.memory_space<vmem>>) dst(%dma_wait3A_95 : memref<4096xf32, #tpu.memory_space<hbm>>)
    %parallel_loop3A_96 = arith.constant 0 : i32
    %parallel_loop3A_97 = arith.constant 256 : i32
    %parallel_loop3A_98 = arith.constant 1 : i32
    scf.for %parallel_loop3A_128 = %parallel_loop3A_96 to %parallel_loop3A_97 step %parallel_loop3A_98  : i32 {
      %parallel_loop3A_129 = arith.constant 16 : i32
      %parallel_loop3A_130 = arith.muli %parallel_loop3A_128, %parallel_loop3A_129 : i32
      %parallel_loop3A_131 = arith.constant 0 : i32
      %parallel_loop3A_132 = arith.index_cast %parallel_loop3A_131 : i32 to index
      %parallel_loop3A_133 = arith.index_cast %parallel_loop3A_130 : i32 to index
      %parallel_loop3A_134 = tpu.vector_load %arg8[%parallel_loop3A_132, %parallel_loop3A_133] {strides = array<i32>} : memref<8x4096xf32, #tpu.memory_space<vmem>>, vector<16xf32>,
      %parallel_loop3A_135 = arith.mulf %parallel_loop3A_134, %parallel_loop3A_134 : vector<16xf32>
      %parallel_loop3A_136 = arith.addf %broadcast_in_dim3A_40, %parallel_loop3A_135 : vector<16xf32>
      %parallel_loop3A_137 = arith.constant 1 : i32
      %parallel_loop3A_138 = arith.index_cast %parallel_loop3A_137 : i32 to index
      %parallel_loop3A_139 = arith.index_cast %parallel_loop3A_130 : i32 to index
      %parallel_loop3A_140 = tpu.vector_load %arg8[%parallel_loop3A_138, %parallel_loop3A_139] {strides = array<i32>} : memref<8x4096xf32, #tpu.memory_space<vmem>>, vector<16xf32>,
      %parallel_loop3A_141 = arith.mulf %parallel_loop3A_140, %parallel_loop3A_140 : vector<16xf32>
      %parallel_loop3A_142 = arith.addf %parallel_loop3A_136, %parallel_loop3A_141 : vector<16xf32>
      %parallel_loop3A_143 = arith.constant 2 : i32
      %parallel_loop3A_144 = arith.index_cast %parallel_loop3A_143 : i32 to index
      %parallel_loop3A_145 = arith.index_cast %parallel_loop3A_130 : i32 to index
      %parallel_loop3A_146 = tpu.vector_load %arg8[%parallel_loop3A_144, %parallel_loop3A_145] {strides = array<i32>} : memref<8x4096xf32, #tpu.memory_space<vmem>>, vector<16xf32>,
      %parallel_loop3A_147 = arith.mulf %parallel_loop3A_146, %parallel_loop3A_146 : vector<16xf32>
      %parallel_loop3A_148 = arith.addf %parallel_loop3A_142, %parallel_loop3A_147 : vector<16xf32>
      %parallel_loop3A_149 = arith.constant 3 : i32
      %parallel_loop3A_150 = arith.index_cast %parallel_loop3A_149 : i32 to index
      %parallel_loop3A_151 = arith.index_cast %parallel_loop3A_130 : i32 to index
      %parallel_loop3A_152 = tpu.vector_load %arg8[%parallel_loop3A_150, %parallel_loop3A_151] {strides = array<i32>} : memref<8x4096xf32, #tpu.memory_space<vmem>>, vector<16xf32>,
      %parallel_loop3A_153 = arith.mulf %parallel_loop3A_152, %parallel_loop3A_152 : vector<16xf32>
      %parallel_loop3A_154 = arith.addf %parallel_loop3A_148, %parallel_loop3A_153 : vector<16xf32>
      %parallel_loop3A_155 = arith.constant 4 : i32
      %parallel_loop3A_156 = arith.index_cast %parallel_loop3A_155 : i32 to index
      %parallel_loop3A_157 = arith.index_cast %parallel_loop3A_130 : i32 to index
      %parallel_loop3A_158 = tpu.vector_load %arg8[%parallel_loop3A_156, %parallel_loop3A_157] {strides = array<i32>} : memref<8x4096xf32, #tpu.memory_space<vmem>>, vector<16xf32>,
      %parallel_loop3A_159 = arith.mulf %parallel_loop3A_158, %parallel_loop3A_158 : vector<16xf32>
      %parallel_loop3A_160 = arith.addf %parallel_loop3A_154, %parallel_loop3A_159 : vector<16xf32>
      %parallel_loop3A_161 = arith.constant 5 : i32
      %parallel_loop3A_162 = arith.index_cast %parallel_loop3A_161 : i32 to index
      %parallel_loop3A_163 = arith.index_cast %parallel_loop3A_130 : i32 to index
      %parallel_loop3A_164 = tpu.vector_load %arg8[%parallel_loop3A_162, %parallel_loop3A_163] {strides = array<i32>} : memref<8x4096xf32, #tpu.memory_space<vmem>>, vector<16xf32>,
      %parallel_loop3A_165 = arith.mulf %parallel_loop3A_164, %parallel_loop3A_164 : vector<16xf32>
      %parallel_loop3A_166 = arith.addf %parallel_loop3A_160, %parallel_loop3A_165 : vector<16xf32>
      %parallel_loop3A_167 = arith.constant 6 : i32
      %parallel_loop3A_168 = arith.index_cast %parallel_loop3A_167 : i32 to index
      %parallel_loop3A_169 = arith.index_cast %parallel_loop3A_130 : i32 to index
      %parallel_loop3A_170 = tpu.vector_load %arg8[%parallel_loop3A_168, %parallel_loop3A_169] {strides = array<i32>} : memref<8x4096xf32, #tpu.memory_space<vmem>>, vector<16xf32>,
      %parallel_loop3A_171 = arith.mulf %parallel_loop3A_170, %parallel_loop3A_170 : vector<16xf32>
      %parallel_loop3A_172 = arith.addf %parallel_loop3A_166, %parallel_loop3A_171 : vector<16xf32>
      %parallel_loop3A_173 = arith.constant 7 : i32
      %parallel_loop3A_174 = arith.index_cast %parallel_loop3A_173 : i32 to index
      %parallel_loop3A_175 = arith.index_cast %parallel_loop3A_130 : i32 to index
      %parallel_loop3A_176 = tpu.vector_load %arg8[%parallel_loop3A_174, %parallel_loop3A_175] {strides = array<i32>} : memref<8x4096xf32, #tpu.memory_space<vmem>>, vector<16xf32>,
      %parallel_loop3A_177 = arith.mulf %parallel_loop3A_176, %parallel_loop3A_176 : vector<16xf32>
      %parallel_loop3A_178 = arith.addf %parallel_loop3A_172, %parallel_loop3A_177 : vector<16xf32>
      %parallel_loop3A_179 = arith.maximumf %parallel_loop3A_178, %broadcast_in_dim3A_34 : vector<16xf32>
      %parallel_loop3A_180 = tpu.bitcast %parallel_loop3A_179 : vector<16xf32> -> vector<16xi32>
      %parallel_loop3A_181 = arith.constant 1 : i32
      %parallel_loop3A_182 = vector.broadcast %parallel_loop3A_181 : i32 to vector<16xi32>
      %parallel_loop3A_183 = arith.shrsi %parallel_loop3A_180, %parallel_loop3A_182 : vector<16xi32>
      %parallel_loop3A_184 = arith.subi %broadcast_in_dim3A_42, %parallel_loop3A_183 : vector<16xi32>
      %parallel_loop3A_185 = tpu.bitcast %parallel_loop3A_184 : vector<16xi32> -> vector<16xf32>
      %parallel_loop3A_186 = arith.mulf %broadcast_in_dim3A_30, %parallel_loop3A_179 : vector<16xf32>
      %parallel_loop3A_187 = arith.mulf %parallel_loop3A_186, %parallel_loop3A_185 : vector<16xf32>
      %parallel_loop3A_188 = arith.mulf %parallel_loop3A_187, %parallel_loop3A_185 : vector<16xf32>
      %parallel_loop3A_189 = arith.subf %broadcast_in_dim3A_32, %parallel_loop3A_188 : vector<16xf32>
      %parallel_loop3A_190 = arith.mulf %parallel_loop3A_185, %parallel_loop3A_189 : vector<16xf32>
      %parallel_loop3A_191 = arith.mulf %parallel_loop3A_186, %parallel_loop3A_190 : vector<16xf32>
      %parallel_loop3A_192 = arith.mulf %parallel_loop3A_191, %parallel_loop3A_190 : vector<16xf32>
      %parallel_loop3A_193 = arith.subf %broadcast_in_dim3A_32, %parallel_loop3A_192 : vector<16xf32>
      %parallel_loop3A_194 = arith.mulf %parallel_loop3A_190, %parallel_loop3A_193 : vector<16xf32>
      %parallel_loop3A_195 = arith.mulf %parallel_loop3A_179, %parallel_loop3A_194 : vector<16xf32>
      %parallel_loop3A_196 = arith.mulf %parallel_loop3A_195, %mul3A_26 : vector<16xf32>
      %parallel_loop3A_197 = arith.fptosi %parallel_loop3A_196 : vector<16xf32> to vector<16xi32>
      %parallel_loop3A_198 = arith.minsi %parallel_loop3A_197, %broadcast_in_dim3A_36 : vector<16xi32>
      %parallel_loop3A_199 = arith.constant 0.000000e+00 : f32
      %parallel_loop3A_200 = vector.broadcast %parallel_loop3A_199 : f32 to vector<16xf32>
      %parallel_loop3A_201 = arith.cmpf ogt, %parallel_loop3A_178, %parallel_loop3A_200 : vector<16xf32>
      %parallel_loop3A_202 = arith.select %parallel_loop3A_201, %parallel_loop3A_198, %broadcast_in_dim3A_36 : vector<16xi1>, vector<16xi32>
      %parallel_loop3A_203 = tpu.vector_load_idx %arg15[%parallel_loop3A_202] : memref<1024xf32, #tpu.memory_space<vmem>>[vector<16xi32>], vector<16xf32>,
      %parallel_loop3A_204 = tpu.vector_load_idx %arg16[%parallel_loop3A_202] : memref<1024xf32, #tpu.memory_space<vmem>>[vector<16xi32>], vector<16xf32>,
      %parallel_loop3A_205 = arith.mulf %parallel_loop3A_204, %parallel_loop3A_195 : vector<16xf32>
      %parallel_loop3A_206 = arith.addf %parallel_loop3A_203, %parallel_loop3A_205 : vector<16xf32>
      %parallel_loop3A_207 = arith.index_cast %parallel_loop3A_130 : i32 to index
      %parallel_loop3A_208 = tpu.vector_load %arg10[%parallel_loop3A_207] {strides = array<i32>} : memref<4096xf32, #tpu.memory_space<vmem>>, vector<16xf32>,
      tpu.vector_store %arg10[%parallel_loop3A_207], %parallel_loop3A_206 {strides = array<i32>} : memref<4096xf32, #tpu.memory_space<vmem>>, vector<16xf32>,
    } {sc.loop_unroll_factor = 8 : i64, sc.parallel_access}
    %add3A_99 = arith.constant 8192 : i32
    %add3A_100 = arith.addi %mul3A_2, %add3A_99 : i32
    %dma_start3A_101 = tpu.memref_slice %arg7[%add3A_100] : memref<524288xf32, #tpu.memory_space<hbm>> -> memref<4096xf32, #tpu.memory_space<hbm>>
    %dma_start3A_102 = tpu.memref_slice %arg7[%add3A_100] : memref<524288xf32, #tpu.memory_space<hbm>> -> memref<4096xf32, #tpu.memory_space<hbm>>
    tpu.enqueue_dma source(%arg10 : memref<4096xf32, #tpu.memory_space<vmem>>) target(%dma_start3A_102 : memref<4096xf32, #tpu.memory_space<hbm>>) target_semaphore(%arg20 : memref<!tpu.dma_semaphore, #tpu.memory_space<semaphore_mem>>)
    %add3A_103 = arith.constant 12288 : i32
    %add3A_104 = arith.addi %mul3A_2, %add3A_103 : i32
    %dma_wait3A_105 = arith.constant 0 : i32
    %dma_wait3A_106 = tpu.memref_slice %arg2[%dma_wait3A_105, %add3A_104] : memref<8x524288xf32, #tpu.memory_space<hbm>> -> memref<8x4096xf32, #tpu.memory_space<hbm>>
    %dma_wait3A_107 = arith.constant 0 : i32
    %dma_wait3A_108 = tpu.memref_slice %arg2[%dma_wait3A_107, %add3A_104] : memref<8x524288xf32, #tpu.memory_space<hbm>> -> memref<8x4096xf32, #tpu.memory_space<hbm>>
    tpu.wait_dma2 semaphore(%arg19 : memref<!tpu.dma_semaphore, #tpu.memory_space<semaphore_mem>>) src(%dma_wait3A_108 : memref<8x4096xf32, #tpu.memory_space<hbm>>) dst(%arg9 : memref<8x4096xf32, #tpu.memory_space<vmem>>)
    %add3A_109 = arith.constant 4096 : i32
    %add3A_110 = arith.addi %mul3A_2, %add3A_109 : i32
    %dma_wait3A_111 = tpu.memref_slice %arg7[%add3A_110] : memref<524288xf32, #tpu.memory_space<hbm>> -> memref<4096xf32, #tpu.memory_space<hbm>>
    %dma_wait3A_112 = tpu.memref_slice %arg7[%add3A_110] : memref<524288xf32, #tpu.memory_space<hbm>> -> memref<4096xf32, #tpu.memory_space<hbm>>
    tpu.wait_dma2 semaphore(%arg21 : memref<!tpu.dma_semaphore, #tpu.memory_space<semaphore_mem>>) src(%arg11 : memref<4096xf32, #tpu.memory_space<vmem>>) dst(%dma_wait3A_112 : memref<4096xf32, #tpu.memory_space<hbm>>)
    %parallel_loop3A_113 = arith.constant 0 : i32
    %parallel_loop3A_114 = arith.constant 256 : i32
    %parallel_loop3A_115 = arith.constant 1 : i32
    scf.for %parallel_loop3A_128 = %parallel_loop3A_113 to %parallel_loop3A_114 step %parallel_loop3A_115  : i32 {
      %parallel_loop3A_129 = arith.constant 16 : i32
      %parallel_loop3A_130 = arith.muli %parallel_loop3A_128, %parallel_loop3A_129 : i32
      %parallel_loop3A_131 = arith.constant 0 : i32
      %parallel_loop3A_132 = arith.index_cast %parallel_loop3A_131 : i32 to index
      %parallel_loop3A_133 = arith.index_cast %parallel_loop3A_130 : i32 to index
      %parallel_loop3A_134 = tpu.vector_load %arg9[%parallel_loop3A_132, %parallel_loop3A_133] {strides = array<i32>} : memref<8x4096xf32, #tpu.memory_space<vmem>>, vector<16xf32>,
      %parallel_loop3A_135 = arith.mulf %parallel_loop3A_134, %parallel_loop3A_134 : vector<16xf32>
      %parallel_loop3A_136 = arith.addf %broadcast_in_dim3A_40, %parallel_loop3A_135 : vector<16xf32>
      %parallel_loop3A_137 = arith.constant 1 : i32
      %parallel_loop3A_138 = arith.index_cast %parallel_loop3A_137 : i32 to index
      %parallel_loop3A_139 = arith.index_cast %parallel_loop3A_130 : i32 to index
      %parallel_loop3A_140 = tpu.vector_load %arg9[%parallel_loop3A_138, %parallel_loop3A_139] {strides = array<i32>} : memref<8x4096xf32, #tpu.memory_space<vmem>>, vector<16xf32>,
      %parallel_loop3A_141 = arith.mulf %parallel_loop3A_140, %parallel_loop3A_140 : vector<16xf32>
      %parallel_loop3A_142 = arith.addf %parallel_loop3A_136, %parallel_loop3A_141 : vector<16xf32>
      %parallel_loop3A_143 = arith.constant 2 : i32
      %parallel_loop3A_144 = arith.index_cast %parallel_loop3A_143 : i32 to index
      %parallel_loop3A_145 = arith.index_cast %parallel_loop3A_130 : i32 to index
      %parallel_loop3A_146 = tpu.vector_load %arg9[%parallel_loop3A_144, %parallel_loop3A_145] {strides = array<i32>} : memref<8x4096xf32, #tpu.memory_space<vmem>>, vector<16xf32>,
      %parallel_loop3A_147 = arith.mulf %parallel_loop3A_146, %parallel_loop3A_146 : vector<16xf32>
      %parallel_loop3A_148 = arith.addf %parallel_loop3A_142, %parallel_loop3A_147 : vector<16xf32>
      %parallel_loop3A_149 = arith.constant 3 : i32
      %parallel_loop3A_150 = arith.index_cast %parallel_loop3A_149 : i32 to index
      %parallel_loop3A_151 = arith.index_cast %parallel_loop3A_130 : i32 to index
      %parallel_loop3A_152 = tpu.vector_load %arg9[%parallel_loop3A_150, %parallel_loop3A_151] {strides = array<i32>} : memref<8x4096xf32, #tpu.memory_space<vmem>>, vector<16xf32>,
      %parallel_loop3A_153 = arith.mulf %parallel_loop3A_152, %parallel_loop3A_152 : vector<16xf32>
      %parallel_loop3A_154 = arith.addf %parallel_loop3A_148, %parallel_loop3A_153 : vector<16xf32>
      %parallel_loop3A_155 = arith.constant 4 : i32
      %parallel_loop3A_156 = arith.index_cast %parallel_loop3A_155 : i32 to index
      %parallel_loop3A_157 = arith.index_cast %parallel_loop3A_130 : i32 to index
      %parallel_loop3A_158 = tpu.vector_load %arg9[%parallel_loop3A_156, %parallel_loop3A_157] {strides = array<i32>} : memref<8x4096xf32, #tpu.memory_space<vmem>>, vector<16xf32>,
      %parallel_loop3A_159 = arith.mulf %parallel_loop3A_158, %parallel_loop3A_158 : vector<16xf32>
      %parallel_loop3A_160 = arith.addf %parallel_loop3A_154, %parallel_loop3A_159 : vector<16xf32>
      %parallel_loop3A_161 = arith.constant 5 : i32
      %parallel_loop3A_162 = arith.index_cast %parallel_loop3A_161 : i32 to index
      %parallel_loop3A_163 = arith.index_cast %parallel_loop3A_130 : i32 to index
      %parallel_loop3A_164 = tpu.vector_load %arg9[%parallel_loop3A_162, %parallel_loop3A_163] {strides = array<i32>} : memref<8x4096xf32, #tpu.memory_space<vmem>>, vector<16xf32>,
      %parallel_loop3A_165 = arith.mulf %parallel_loop3A_164, %parallel_loop3A_164 : vector<16xf32>
      %parallel_loop3A_166 = arith.addf %parallel_loop3A_160, %parallel_loop3A_165 : vector<16xf32>
      %parallel_loop3A_167 = arith.constant 6 : i32
      %parallel_loop3A_168 = arith.index_cast %parallel_loop3A_167 : i32 to index
      %parallel_loop3A_169 = arith.index_cast %parallel_loop3A_130 : i32 to index
      %parallel_loop3A_170 = tpu.vector_load %arg9[%parallel_loop3A_168, %parallel_loop3A_169] {strides = array<i32>} : memref<8x4096xf32, #tpu.memory_space<vmem>>, vector<16xf32>,
      %parallel_loop3A_171 = arith.mulf %parallel_loop3A_170, %parallel_loop3A_170 : vector<16xf32>
      %parallel_loop3A_172 = arith.addf %parallel_loop3A_166, %parallel_loop3A_171 : vector<16xf32>
      %parallel_loop3A_173 = arith.constant 7 : i32
      %parallel_loop3A_174 = arith.index_cast %parallel_loop3A_173 : i32 to index
      %parallel_loop3A_175 = arith.index_cast %parallel_loop3A_130 : i32 to index
      %parallel_loop3A_176 = tpu.vector_load %arg9[%parallel_loop3A_174, %parallel_loop3A_175] {strides = array<i32>} : memref<8x4096xf32, #tpu.memory_space<vmem>>, vector<16xf32>,
      %parallel_loop3A_177 = arith.mulf %parallel_loop3A_176, %parallel_loop3A_176 : vector<16xf32>
      %parallel_loop3A_178 = arith.addf %parallel_loop3A_172, %parallel_loop3A_177 : vector<16xf32>
      %parallel_loop3A_179 = arith.maximumf %parallel_loop3A_178, %broadcast_in_dim3A_34 : vector<16xf32>
      %parallel_loop3A_180 = tpu.bitcast %parallel_loop3A_179 : vector<16xf32> -> vector<16xi32>
      %parallel_loop3A_181 = arith.constant 1 : i32
      %parallel_loop3A_182 = vector.broadcast %parallel_loop3A_181 : i32 to vector<16xi32>
      %parallel_loop3A_183 = arith.shrsi %parallel_loop3A_180, %parallel_loop3A_182 : vector<16xi32>
      %parallel_loop3A_184 = arith.subi %broadcast_in_dim3A_42, %parallel_loop3A_183 : vector<16xi32>
      %parallel_loop3A_185 = tpu.bitcast %parallel_loop3A_184 : vector<16xi32> -> vector<16xf32>
      %parallel_loop3A_186 = arith.mulf %broadcast_in_dim3A_30, %parallel_loop3A_179 : vector<16xf32>
      %parallel_loop3A_187 = arith.mulf %parallel_loop3A_186, %parallel_loop3A_185 : vector<16xf32>
      %parallel_loop3A_188 = arith.mulf %parallel_loop3A_187, %parallel_loop3A_185 : vector<16xf32>
      %parallel_loop3A_189 = arith.subf %broadcast_in_dim3A_32, %parallel_loop3A_188 : vector<16xf32>
      %parallel_loop3A_190 = arith.mulf %parallel_loop3A_185, %parallel_loop3A_189 : vector<16xf32>
      %parallel_loop3A_191 = arith.mulf %parallel_loop3A_186, %parallel_loop3A_190 : vector<16xf32>
      %parallel_loop3A_192 = arith.mulf %parallel_loop3A_191, %parallel_loop3A_190 : vector<16xf32>
      %parallel_loop3A_193 = arith.subf %broadcast_in_dim3A_32, %parallel_loop3A_192 : vector<16xf32>
      %parallel_loop3A_194 = arith.mulf %parallel_loop3A_190, %parallel_loop3A_193 : vector<16xf32>
      %parallel_loop3A_195 = arith.mulf %parallel_loop3A_179, %parallel_loop3A_194 : vector<16xf32>
      %parallel_loop3A_196 = arith.mulf %parallel_loop3A_195, %mul3A_26 : vector<16xf32>
      %parallel_loop3A_197 = arith.fptosi %parallel_loop3A_196 : vector<16xf32> to vector<16xi32>
      %parallel_loop3A_198 = arith.minsi %parallel_loop3A_197, %broadcast_in_dim3A_36 : vector<16xi32>
      %parallel_loop3A_199 = arith.constant 0.000000e+00 : f32
      %parallel_loop3A_200 = vector.broadcast %parallel_loop3A_199 : f32 to vector<16xf32>
      %parallel_loop3A_201 = arith.cmpf ogt, %parallel_loop3A_178, %parallel_loop3A_200 : vector<16xf32>
      %parallel_loop3A_202 = arith.select %parallel_loop3A_201, %parallel_loop3A_198, %broadcast_in_dim3A_36 : vector<16xi1>, vector<16xi32>
      %parallel_loop3A_203 = tpu.vector_load_idx %arg15[%parallel_loop3A_202] : memref<1024xf32, #tpu.memory_space<vmem>>[vector<16xi32>], vector<16xf32>,
      %parallel_loop3A_204 = tpu.vector_load_idx %arg16[%parallel_loop3A_202] : memref<1024xf32, #tpu.memory_space<vmem>>[vector<16xi32>], vector<16xf32>,
      %parallel_loop3A_205 = arith.mulf %parallel_loop3A_204, %parallel_loop3A_195 : vector<16xf32>
      %parallel_loop3A_206 = arith.addf %parallel_loop3A_203, %parallel_loop3A_205 : vector<16xf32>
      %parallel_loop3A_207 = arith.index_cast %parallel_loop3A_130 : i32 to index
      %parallel_loop3A_208 = tpu.vector_load %arg11[%parallel_loop3A_207] {strides = array<i32>} : memref<4096xf32, #tpu.memory_space<vmem>>, vector<16xf32>,
      tpu.vector_store %arg11[%parallel_loop3A_207], %parallel_loop3A_206 {strides = array<i32>} : memref<4096xf32, #tpu.memory_space<vmem>>, vector<16xf32>,
    } {sc.loop_unroll_factor = 8 : i64, sc.parallel_access}
    %add3A_116 = arith.constant 12288 : i32
    %add3A_117 = arith.addi %mul3A_2, %add3A_116 : i32
    %dma_start3A_118 = tpu.memref_slice %arg7[%add3A_117] : memref<524288xf32, #tpu.memory_space<hbm>> -> memref<4096xf32, #tpu.memory_space<hbm>>
    %dma_start3A_119 = tpu.memref_slice %arg7[%add3A_117] : memref<524288xf32, #tpu.memory_space<hbm>> -> memref<4096xf32, #tpu.memory_space<hbm>>
    tpu.enqueue_dma source(%arg11 : memref<4096xf32, #tpu.memory_space<vmem>>) target(%dma_start3A_119 : memref<4096xf32, #tpu.memory_space<hbm>>) target_semaphore(%arg21 : memref<!tpu.dma_semaphore, #tpu.memory_space<semaphore_mem>>)
    %add3A_120 = arith.constant 8192 : i32
    %add3A_121 = arith.addi %mul3A_2, %add3A_120 : i32
    %dma_wait3A_122 = tpu.memref_slice %arg7[%add3A_121] : memref<524288xf32, #tpu.memory_space<hbm>> -> memref<4096xf32, #tpu.memory_space<hbm>>
    %dma_wait3A_123 = tpu.memref_slice %arg7[%add3A_121] : memref<524288xf32, #tpu.memory_space<hbm>> -> memref<4096xf32, #tpu.memory_space<hbm>>
    tpu.wait_dma2 semaphore(%arg20 : memref<!tpu.dma_semaphore, #tpu.memory_space<semaphore_mem>>) src(%arg10 : memref<4096xf32, #tpu.memory_space<vmem>>) dst(%dma_wait3A_123 : memref<4096xf32, #tpu.memory_space<hbm>>)
    %add3A_124 = arith.constant 12288 : i32
    %add3A_125 = arith.addi %mul3A_2, %add3A_124 : i32
    %dma_wait3A_126 = tpu.memref_slice %arg7[%add3A_125] : memref<524288xf32, #tpu.memory_space<hbm>> -> memref<4096xf32, #tpu.memory_space<hbm>>
    %dma_wait3A_127 = tpu.memref_slice %arg7[%add3A_125] : memref<524288xf32, #tpu.memory_space<hbm>> -> memref<4096xf32, #tpu.memory_space<hbm>>
    tpu.wait_dma2 semaphore(%arg21 : memref<!tpu.dma_semaphore, #tpu.memory_space<semaphore_mem>>) src(%arg11 : memref<4096xf32, #tpu.memory_space<vmem>>) dst(%dma_wait3A_127 : memref<4096xf32, #tpu.memory_space<hbm>>)
    return
  }
}

</mosaic_0001>

<sc_bundles>
// kernel: _interp.3.cloned.1.call-start
scs
__scs_entry_jumppad:
0x0: {  	(pc) =	sbr.rel $0x88, $3  }
0x1: {  	(tag) =	ssettag $0x0;
	lr =	simm.s32 $0x1  }
0x2: {  	[smem:$0x3F9C] =	sst lr;
	_ =	strace $0xD0000000  }
0x3: {  	_ = 	snop  }
0x4: {  	_ = 	snop  }
0x5: {  	_ = 	snop  }
0x6: {  	_ = 	snop  }
0x7: {  	_ = 	snop  }
__scs_overlays_trampoline_lowered:
0x8: {  	[smem:$0x3FAB] =	sst s0  }
0x9: {  	[smem:$0x3FAC] =	sst s1  }
0xa: {  	[smem:$0x3FAD] =	sst s2  }
0xb: {  	[smem:$0x3FAE] =	sst s3  }
0xc: {  	[smem:$0x3FAF] =	sst s4  }
0xd: {  	[smem:$0x3FB0] =	sst s5  }
0xe: {  	[smem:$0x3FB1] =	sst s6  }
0xf: {  	[smem:$0x3FB2] =	sst s7  }
0x10: {  	[smem:$0x3FB3] =	sst s8  }
0x11: {  	[smem:$0x3FB4] =	sst s9;
	s0 =	simm.s32 @!p0 $0x0  }
0x12: {  	s1 =	sld [smem:$0x3F9A];
	s0 =	simm.s32 @p0 $0x1  }
0x13: {  	[smem:$0x3FB5] =	sst s0;
	s0 =	simm.s32 @!p1 $0x0  }
0x14: {  	s2 =	sld [smem:$0x3F99];
	s0 =	simm.s32 @p1 $0x1  }
0x15: {  	[smem:$0x3FB6] =	sst s0;
	s0 =	simm.s32 @!p2 $0x0  }
0x16: {  	s3 =	sld [smem:$0x3FDB];
	s0 =	simm.s32 @p2 $0x1  }
0x17: {  	s4 =	simm.s32 $0x1BF5;
	[smem:$0x3FB8] =	sst s0  }
0x18: {  	s0 =	sld [smem:$0x3F9B];
	_ =	swait.ge [sflag:s4], $0x0  }
0x19: {  	s7 =	sld [smem:$0x3F9C]  }
0x1a: {  	s8 =	sadd.s32 $0xFFFFE003, lr  }
0x1b: {  	s9 =	sadd.s32 $0xFFFFFEF7, lr;
	s5 =	simm.s32 $0xFFFFFFFF;
	p2 =	slt.u32 s8, $0xFFFFF086  }
0x1c: {  	p1 =	slt.u32 s9, $0xF7A;
	s5 =	simm.s32 @!p2 $0x0  }
0x1d: {  	s5 =	simm.s32 @p1 $0x1;
	p0 =	seq.s32 s7, s2  }
0x1e: {  	s7 =	smul.u32 @!p0 $0xF7A, s2;
	p2 =	seq.s32 @!p0 s5, $0x0  }
0x1f: {  	s9 =	smul.u32 $0xF7A, s1;
	s8 =	simm.s32 @!p0 $0x1BF5;
	p2 =	por !p2, p0  }
0x20: {  	[sflag:s8] =	ssyncset.s32 @!p0 $0xFFFFF086;
	s6 =	sadd.s32 @!p0 s3, s7;
	s7 =	simm.s32 @!p0 $0x108  }
0x21: {  	s3 =	sadd.s32 s3, s9;
	s6 =	sadd.s32 @!p0 $0x88, s6;
	s7 =	simm.s32 @p2 $0x1082  }
0x22: {  	[simem:s7], [sflag:s8] =	dma.local @!p0 [hbm:s6], $0xF7A  }
0x23: {  	s9 =	sor.u32 $0xD0000000, s2;
	s6 =	simm.s32 $0x108;
	_ =	swait.ge @!p0 [sflag:s8], $0x0  }
0x24: {  	s3 =	sadd.s32 $0x88, s3;
	s6 =	simm.s32 @!p1 $0x1082;
	[sflag:s4] =	ssyncset.s32 $0xFFFFF086  }
0x25: {  	[simem:s6], [sflag:s4] =	dma.local [hbm:s3], $0xF7A  }
0x26: {  	[smem:$0x3F9C] =	sst s1;
	(tag) =	ssettag s2;
	_ =	strace s9  }
0x27: {  	s1 =	sld [smem:$0x3FAC]  }
0x28: {  	s2 =	sld [smem:$0x3FAD]  }
0x29: {  	s4 =	sld [smem:$0x3FAF]  }
0x2a: {  	p0 =	seq.s32 s5, $0x0;
	s5 =	sld [smem:$0x3FB0]  }
0x2b: {  	s6 =	sld [smem:$0x3FB1]  }
0x2c: {  	s7 =	sld [smem:$0x3FB2]  }
0x2d: {  	s3 =	simm.s32 $0x108;
	s8 =	sld [smem:$0x3FB3]  }
0x2e: {  	s3 =	simm.s32 @!p0 $0x1082;
	s9 =	sld [smem:$0x3FB4]  }
0x2f: {  	lr =	sadd.s32 s0, s3;
	s0 =	sld [smem:$0x3FAB]  }
0x30: {  	s3 =	sld [smem:$0x3FAE]  }
0x31: {  	[smem:$0x3FB7] =	sst s10  }
0x32: {  	s10 =	sld [smem:$0x3FB5];
	_ =	sdelay $0x3  }
0x33: {  	p0 =	seq.s32 s10, $0x1;
	s10 =	sld [smem:$0x3FB7];
	_ =	sdelay $0x3  }
0x34: {  	[smem:$0x3FB7] =	sst s10  }
0x35: {  	s10 =	sld [smem:$0x3FB6];
	_ =	sdelay $0x3  }
0x36: {  	p1 =	seq.s32 s10, $0x1;
	s10 =	sld [smem:$0x3FB7];
	_ =	sdelay $0x3  }
0x37: {  	[smem:$0x3FB7] =	sst s10  }
0x38: {  	s10 =	sld [smem:$0x3FB8]  }
0x39: {  	_ = 	snop;
	(pc) =	sbr.ind lr, $3  }
0x3a: {  	_ = 	snop  }
0x3b: {  	_ = 	snop  }
0x3c: {  	p2 =	seq.s32 s10, $0x1;
	s10 =	sld [smem:$0x3FB7]  }
0x3d: {  	_ =	shalt  }
0x3e: {  	_ =	shalt  }
0x3f: {  	_ =	shalt  }
0x40: {  	_ =	shalt  }
0x41: {  	_ =	shalt  }
0x42: {  	_ =	shalt  }
0x43: {  	_ =	shalt  }
0x44: {  	_ =	shalt  }
0x45: {  	_ =	shalt  }
0x46: {  	_ =	shalt  }
0x47: {  	_ =	shalt  }
0x48: {  	_ =	shalt  }
0x49: {  	_ =	shalt  }
0x4a: {  	_ =	shalt  }
0x4b: {  	_ =	shalt  }
0x4c: {  	_ =	shalt  }
0x4d: {  	_ =	shalt  }
0x4e: {  	_ =	shalt  }
0x4f: {  	_ =	shalt  }
0x50: {  	_ =	shalt  }
0x51: {  	_ =	shalt  }
0x52: {  	_ =	shalt  }
0x53: {  	_ =	shalt  }
0x54: {  	_ =	shalt  }
0x55: {  	_ =	shalt  }
0x56: {  	_ =	shalt  }
0x57: {  	_ =	shalt  }
0x58: {  	_ =	shalt  }
0x59: {  	_ =	shalt  }
0x5a: {  	_ =	shalt  }
0x5b: {  	_ =	shalt  }
0x5c: {  	_ =	shalt  }
0x5d: {  	_ =	shalt  }
0x5e: {  	_ =	shalt  }
0x5f: {  	_ =	shalt  }
0x60: {  	_ =	shalt  }
0x61: {  	_ =	shalt  }
0x62: {  	_ =	shalt  }
0x63: {  	_ =	shalt  }
0x64: {  	_ =	shalt  }
0x65: {  	_ =	shalt  }
0x66: {  	_ =	shalt  }
0x67: {  	_ =	shalt  }
0x68: {  	_ =	shalt  }
0x69: {  	_ =	shalt  }
0x6a: {  	_ =	shalt  }
0x6b: {  	_ =	shalt  }
0x6c: {  	_ =	shalt  }
0x6d: {  	_ =	shalt  }
0x6e: {  	_ =	shalt  }
0x6f: {  	_ =	shalt  }
0x70: {  	_ =	shalt  }
0x71: {  	_ =	shalt  }
0x72: {  	_ =	shalt  }
0x73: {  	_ =	shalt  }
0x74: {  	_ =	shalt  }
0x75: {  	_ =	shalt  }
0x76: {  	_ =	shalt  }
0x77: {  	_ =	shalt  }
0x78: {  	_ =	shalt  }
0x79: {  	_ =	shalt  }
0x7a: {  	_ =	shalt  }
0x7b: {  	_ =	shalt  }
0x7c: {  	_ =	shalt  }
0x7d: {  	_ =	shalt  }
0x7e: {  	_ =	shalt  }
0x7f: {  	_ =	shalt  }
0x80: {  	_ =	shalt  }
0x81: {  	_ =	shalt  }
0x82: {  	_ =	shalt  }
0x83: {  	_ =	shalt  }
0x84: {  	_ =	shalt  }
0x85: {  	_ =	shalt  }
0x86: {  	_ =	shalt  }
0x87: {  	_ =	shalt  }
.Lfunc_end0:
.L_simem_size_0:
called_computation_lowered:
.L_overlay_start_0:
0x88: {  	s2 =	sld [smem:$0x3FD9]  }
0x89: {  	s3 =	sld [smem:$0x3FFE];
	_ =	sdelay $0x1  }
0x8a: {  	s1 =	srdreg.scid  }
0x8b: {  	s0 =	sand.u32 $0x1, s1  }
0x8c: {  	s18 =	sshll.u32 s0, $0xA;
	s2 =	sadd.s32 s3, s2  }
0x8d: {  	s2 =	sadd.s32 s2, s18  }
0x8e: {  	[smem:$0x3FC3] =	sst s2  }
0x8f: {  	_ = 	snop  }
0x90: {  	s2 =	sld [smem:$0x3FC9]  }
0x91: {  	s19 =	sld [smem:$0x3FC8]  }
0x92: {  	s4 =	sld [smem:$0x3FC7]  }
0x93: {  	s5 =	sld [smem:$0x3FC6]  }
0x94: {  	s6 =	sld [smem:$0x3FC5]  }
0x95: {  	s7 =	sld [smem:$0x3FD0];
	(tm) =	ssettm $0x1  }
0x96: {  	s8 =	sld [smem:$0x3FFB];
	_ =	sdelay $0x3  }
0x97: {  	_ =	strace s8  }
0x98: {  	s8 =	sld [smem:$0x3FFC];
	_ =	sdelay $0x3  }
0x99: {  	_ =	strace s8  }
0x9a: {  	s8 =	sld [smem:$0x3FFD];
	_ =	sdelay $0x3  }
0x9b: {  	_ =	strace s8  }
0x9c: {  	_ =	strace $0x8FFFFFFF  }
0x9d: {  	s20 =	sld [smem:$0x3FDB];
	_ =	sdelay $0x1  }
0x9e: {  	s9 =	simm.s32 $_scs_section_size  }
0x9f: {  	s10 =	simm.s32 $_size__tile_overlayer_lowered;
	s11 =	simm.s32 $_tile_overlayer_lowered  }
0xa0: {  	s23 =	simm.s32 $0x1BFF;
	s22 =	sshll.u32 s11, $0x1;
	s8 =	sadd.s32 s9, s20  }
0xa1: {  	s12 =	simm.s32 $0x0;
	s21 =	sshll.u32 s10, $0x1;
	s10 =	sadd.s32 s22, s8  }
0xa2: {  	[timem:s12], [sflag:s23] =	dma.local [hbm:s10], s21  }
0xa3: {  	_ =	swait.ge [sflag:s23], s21  }
0xa4: {  	s9 =	ssub.s32 $0x0, s21;
	[sflag:s23] =	ssyncset.done $0x0  }
0xa5: {  	[sflag:s23] =	ssyncadd.s32 s9;
	_ =	sdelay $0x1  }
0xa6: {  	s24 =	simm.s32 $0x1B8B  }
0xa7: {  	_ =	swait.ge [sflag:s24], $0x1  }
0xa8: {  	[sflag:s24] =	ssyncset.done $0x0  }
0xa9: {  	s25 =	simm.s32 $0x1B8E;
	[sflag:s24] =	ssyncadd.s32 $0xFFFFFFFF  }
0xaa: {  	s26 =	simm.s32 $execute0_lowered;
	[smem:$0x3FD2] =	sst s25  }
0xab: {  	s9 =	sshll.u32 s26, $0x1;
	_ =	strace $0x80000046;
	[dreg:$0x1] =	wrdreg $0xFFFFFFFF  }
0xac: {  	s28 =	simm.s32 $_size_execute0_lowered;
	s8 =	sadd.s32 s8, s9;
	[dreg:$0x0] =	wrdreg $0x0  }
0xad: {  	s9 =	sshll.u32 s28, $0x1;
	[dreg:$0x2] =	wrdreg s8  }
0xae: {  	[dreg:$0x3] =	wrdreg s9  }
0xaf: {  	[dreg:$0x4] =	wrdreg $0xC0  }
0xb0: {  	_ =	task [dreg:s12], $0x5FFFF  }
0xb1: {  	[dreg:$0x1] =	wrdreg $0xFFFFFFFF  }
0xb2: {  	[dreg:$0x0] =	wrdreg $0x60  }
0xb3: {  	[dreg:$0x2] =	wrdreg s2  }
0xb4: {  	[dreg:$0x3] =	wrdreg s19  }
0xb5: {  	[dreg:$0x4] =	wrdreg s4  }
0xb6: {  	[dreg:$0x5] =	wrdreg s5  }
0xb7: {  	[dreg:$0x6] =	wrdreg s6  }
0xb8: {  	[dreg:$0x7] =	wrdreg s7  }
0xb9: {  	[dreg:$0x8] =	wrdreg $0x9  }
0xba: {  	_ =	task.clear_ibuf [dreg:s12], $0x9FFFF;
	_ =	strace $0x90000046  }
0xbb: {  	s29 =	simm.s32 $0x9;
	_ =	strace $0x80000048  }
0xbc: {  	_ =	swait.ge [sflag:s29], $0x1  }
0xbd: {  	[sflag:s29] =	ssyncadd.s32 $0xFFFFFFFF  }
0xbe: {  	_ =	strace $0x90000048  }
0xbf: {  	_ =	sfence  }
0xc0: {  	s30 =	sld [smem:$0x0];
	_ =	sdelay $0x2  }
0xc1: {  	s31 =	sshll.u32 s1, $0xD;
	s1 =	sshrl.u32 s1, $0x2  }
0xc2: {  	s3 =	sand.u32 $0x4000, s31;
	s1 =	sadd.s32 s1, s30  }
0xc3: {  	s0 =	sor.u32 s3, s0;
	s1 =	sshll.u32 s1, $0x11  }
0xc4: {  	s0 =	sor.u32 s1, s0  }
0xc5: {  	s0 =	sadd.s32 $0x8F2B, s0  }
0xc6: {  	[sflag:s0] =	ssyncadd.remote.s32 $0x1  }
0xc7: {  	_ =	sfence.sel $0xFFFF  }
0xc8: {  	[dreg:$0x0] =	wrdreg $0xFFFFFFFF;
	(pc) =	sbr.abs _section_cstart, $3  }
0xc9: {  	[dreg:$0x1] =	wrdreg $0xFFFFFFFF  }
0xca: {  	_ =	task.clear_ibuf [dreg:s12], $0x2FFFF;
	_ =	strace $0x9FFFFFFF  }
0xcb: {  	(tm) =	ssettm $0x7FFFFFFF  }
tec
execute0_lowered:
.L_overlay_start_1:
0x0: {  	(tag) =	ssettag $0x1  }
0x1: {  	s0 =	rddreg [dreg:$0x0];
	s1 =	srdreg.scid  }
0x2: {  	s2 =	rddreg [dreg:$0x5];
	s3 =	stileid.u32;
	s6 =	simm.s32 $0x0  }
0x3: {  	s17 =	simm.s32 $0x5;
	s19 =	simm.s32 $0x12800;
	s20 =	simm.s32 $0x13400  }
0x4: {  	s28 =	simm.s32 $0x11000;
	s29 =	simm.s32 $0x3;
	s30 =	simm.s32 $0x4  }
0x5: {  	s31 =	simm.s32 $0x0;
	s1 =	sand.u32 $0x1, s1;
	s3 =	sshll.u32 s3, $0xF  }
0x6: {  	[smem:$0x7FF] =	sst s6;
	s4 =	sshll.u32 s1, $0xE;
	s1 =	ssub.s32 $0x2, s1  }
0x7: {  	_ =	strace $0x80000047;
	s3 =	sor.u32 s4, s3;
	s21 =	sshrl.u32 s1, $0x1  }
0x8: {  	s5 =	sshrl.u32 s3, $0x7;
	s1 =	ssub.s32 s1, s21;
	s7 =	sadd.s32 s0, s3  }
0x9: {  	s3 =	sshrl.u32 s3, $0x3;
	s21 =	simm.s32 $0x8000;
	s22 =	sor.u32 $0x20, s5  }
0xa: {  	s9 =	sadd.s32 s2, s3;
	s23 =	sor.u32 $0x40, s5;
	s5 =	sor.u32 $0x60, s5  }
0xb: {  	s15 =	smax.u32 s1, $0x1;
	s8 =	sshll.u32 s22, $0x7;
	s10 =	sshll.u32 s23, $0x7  }
0xc: {  	s4 =	sshll.u32 s22, $0x4;
	s24 =	sshll.u32 s5, $0x7;
	s25 =	sshll.u32 s23, $0x4  }
0xd: {  	s26 =	sshll.u32 s5, $0x4;
	s22 =	simm.s32 $0x1;
	s23 =	simm.s32 $0x12C00  }
0xe: {  	s8 =	sadd.s32 s0, s8;
	s10 =	sadd.s32 s0, s10;
	s11 =	sadd.s32 s2, s4  }
0xf: {  	s12 =	sadd.s32 s0, s24;
	s13 =	sadd.s32 s2, s25;
	s14 =	sadd.s32 s2, s26  }
0x10: {  	s24 =	simm.s32 $0x13000;
	s25 =	simm.s32 $0x10000;
	s26 =	simm.s32 $0x2  }
.LBB2_1:
0x11: {  	[tilespmem:s6], [sflag:$0x1] =	stream.linear.gather [hbm4b:s7+s6], $0x8000, $0x38;
	[tilespmem:$0x13480] =	vst v63  }
0x12: {  	s0 =	rddreg [dreg:$0x2];
	s1 =	simm.s32 $0x12000  }
0x13: {  	[tilespmem:s1], [sflag:$0x5] =	stream.linear.gather [hbm4b:s0+s6], $0x400, $0x38;
	[tilespmem:$0x13480] =	vst v63  }
0x14: {  	_ =	swait.ge [sflag:s17], $0x400  }
0x15: {  	[sflag:s17] =	ssyncset.done $0x0  }
0x16: {  	[sflag:s17] =	ssyncadd.s32 $0xFFFFFC00  }
0x17: {  	s18 =	simm.s32 $0x12400;
	s16 =	rddreg [dreg:$0x3]  }
0x18: {  	[tilespmem:s18], [sflag:$0x5] =	stream.linear.gather [hbm4b:s16+s6], $0x400, $0x38;
	[tilespmem:$0x13480] =	vst v63  }
0x19: {  	_ =	swait.ge [sflag:s17], $0x400  }
0x1a: {  	[sflag:s17] =	ssyncset.done $0x0  }
0x1b: {  	[sflag:s17] =	ssyncadd.s32 $0xFFFFFC00  }
0x1c: {  	s2 =	rddreg [dreg:$0x4]  }
0x1d: {  	[tilespmem:s19], [sflag:$0x5] =	stream.linear.gather [hbm4b:s2+s6], $0x400, $0x38;
	[tilespmem:$0x13480] =	vst v63  }
0x1e: {  	_ =	swait.ge [sflag:s17], $0x400  }
0x1f: {  	[sflag:s17] =	ssyncset.done $0x0  }
0x20: {  	[sflag:s17] =	ssyncadd.s32 $0xFFFFFC00  }
0x21: {  	s3 =	rddreg [dreg:$0x1]  }
0x22: {  	[tilespmem:s20], [sflag:$0x5] =	stream.linear.gather [hbm4b:s3+s6], $0x2, $0x38;
	[tilespmem:$0x13480] =	vst v63  }
0x23: {  	_ =	swait.ge [sflag:s17], $0x2  }
0x24: {  	[sflag:s17] =	ssyncset.done $0x0  }
0x25: {  	[sflag:s17] =	ssyncadd.s32 $0xFFFFFFFE  }
0x26: {  	v0 =	vld [tilespmem:$0x13400];
	_ =	sdelay $0x4  }
0x27: {  	(v2sf) =	vpush v0, $0x0  }
0x28: {  	(v2sf) =	vpush v0, $0x1;
	_ =	sdelay $0x4  }
0x29: {  	s4 =	simm.s32 $0x12020;
	v1 =	vld [tilespmem:$0x12000]  }
0x2a: {  	s5 =	simm.s32 $0x12820;
	v2 =	vld [tilespmem:s4+$0x10]  }
0x2b: {  	v5 =	vld [tilespmem:s5+$0x10]  }
0x2c: {  	s2 =	simm.s32 $0x12420;
	v6 =	vld [tilespmem:s5+$0xFFFFFFE0]  }
0x2d: {  	v3 =	vld [tilespmem:s2+$0x10]  }
0x2e: {  	v7 =	vld [tilespmem:s4+$0xFFFFFFF0]  }
0x2f: {  	v10 =	vld [tilespmem:s5+$0xFFFFFFF0]  }
0x30: {  	v8 =	vld [tilespmem:s4+$0x0]  }
0x31: {  	v4 =	vld [tilespmem:s4+$0xFFFFFFE0]  }
0x32: {  	v11 =	vld [tilespmem:s5+$0x0];
	s3 =	spop (v2sf)  }
0x33: {  	v9 =	vld [tilespmem:s2+$0xFFFFFFE0];
	s16 =	spop (v2sf)  }
0x34: {  	v12 =	vld [tilespmem:s2+$0xFFFFFFF0];
	s0 =	smul.f32 s16, s16  }
0x35: {  	s1 =	simm.s32 $0x12860;
	v13 =	vld [tilespmem:s2+$0x0];
	v2 =	vmul.f32 v5, v2  }
0x36: {  	s5 =	simm.s32 $0x12060;
	v17 =	vld [tilespmem:s1+$0x10];
	v16 =	vmul.f32 v6, v4;
	s4 =	smul.f32 s0, s3  }
0x37: {  	v14 =	vld [tilespmem:s5+$0x10];
	v7 =	vmul.f32 v10, v7;
	v15 =	vsub.f32 v3, v2  }
0x38: {  	v4 =	vld [tilespmem:s1+$0xFFFFFFE0];
	v9 =	vsub.f32 v9, v16;
	s18 =	smul.f32 s3, s16;
	s3 =	simm.s32 $0x12460;
	v3 =	vmov s4  }
0x39: {  	v7 =	vsub.f32 v12, v7;
	v18 =	vld [tilespmem:s3+$0x10];
	v15 =	vmul.f32 v15, v3  }
0x3a: {  	v8 =	vmul.f32 v11, v8;
	v16 =	vld [tilespmem:s5+$0xFFFFFFF0];
	s4 =	simm.s32 $0x12C20;
	v12 =	vmul.f32 v9, v3  }
0x3b: {  	v2 =	vmov s18;
	v7 =	vmul.f32 v7, v3;
	[tilespmem:s4+$0x10] =	vst v15;
	v15 =	vld [tilespmem:s1+$0xFFFFFFF0]  }
0x3c: {  	v19 =	vmul.f32 v17, v14;
	v13 =	vsub.f32 v13, v8;
	v8 =	vld [tilespmem:s1+$0x0];
	v5 =	vmul.f32 v5, v2;
	[tilespmem:s4+$0xFFFFFFE0] =	vst v12  }
0x3d: {  	s2 =	simm.s32 $0x13020;
	v6 =	vmul.f32 v6, v2;
	v9 =	vld [tilespmem:s5+$0x0];
	[tilespmem:s4+$0xFFFFFFF0] =	vst v7  }
0x3e: {  	v14 =	vld [tilespmem:s5+$0xFFFFFFE0];
	v20 =	vmul.f32 v10, v2;
	[tilespmem:s2+$0x10] =	vst v5;
	v5 =	vmul.f32 v11, v2;
	v18 =	vsub.f32 v18, v19  }
0x3f: {  	v10 =	vld [tilespmem:s3+$0xFFFFFFF0];
	[tilespmem:s2+$0xFFFFFFE0] =	vst v6;
	v19 =	vmul.f32 v13, v3;
	v6 =	vmul.f32 v4, v2  }
0x40: {  	s16 =	simm.s32 $0x4;
	v11 =	vld [tilespmem:s3+$0xFFFFFFE0];
	[tilespmem:s2+$0xFFFFFFF0] =	vst v20;
	v12 =	vmul.f32 v15, v16;
	v16 =	vmul.f32 v18, v3  }
0x41: {  	s18 =	simm.s32 $0x120A0;
	s5 =	simm.s32 $0x13020;
	v13 =	vld [tilespmem:s3+$0x0];
	[tilespmem:s4+$0x0] =	vst v19;
	s4 =	simm.s32 $0x12C60;
	v7 =	vmul.f32 v15, v2;
	v15 =	vmul.f32 v17, v2  }
.LBB2_2:
0x42: {  	v17 =	vld [tilespmem:s18+$0x10];
	v9 =	vmul.f32 v8, v9;
	v8 =	vmul.f32 v8, v2;
	[tilespmem:s4+$0x10] =	vst v16;
	s1 =	sadd.s32 $0x40, s1;
	s2 =	sadd.s32 $0x40, s2  }
0x43: {  	v18 =	vld [tilespmem:s1+$0x10];
	v14 =	vmul.f32 v4, v14;
	[tilespmem:s2+$0x10] =	vst v15  }
0x44: {  	s16 =	sadd.s32 $0x4, s16;
	s3 =	sadd.s32 $0x40, s3;
	v4 =	vld [tilespmem:s1+$0xFFFFFFE0];
	[tilespmem:s5+$0x0] =	vst v5;
	v5 =	vmov v8;
	s5 =	smov.u32 s2  }
0x45: {  	p0 =	slt.u32 s16, $0x3C;
	v15 =	vld [tilespmem:s3+$0x10];
	v8 =	vsub.f32 v11, v14;
	v10 =	vsub.f32 v10, v12  }
0x46: {  	v12 =	vld [tilespmem:s18+$0xFFFFFFF0];
	v11 =	vsub.f32 v13, v9  }
0x47: {  	v13 =	vld [tilespmem:s1+$0xFFFFFFF0];
	v14 =	vmul.f32 v8, v3;
	v10 =	vmul.f32 v10, v3  }
0x48: {  	v9 =	vld [tilespmem:s18+$0x0];
	v16 =	vmul.f32 v18, v17;
	v17 =	vmul.f32 v11, v3  }
.Ltmp0:
0x49: {  	v19 =	vmul.f32 v4, v2;
	v8 =	vld [tilespmem:s1+$0x0];
	[tilespmem:s4+$0xFFFFFFE0] =	vst v14;
	(pc) =	sbr.rel @p0 .LBB2_2-.Ltmp0, $4  }
0x4a: {  	v14 =	vld [tilespmem:s18+$0xFFFFFFE0];
	v15 =	vsub.f32 v15, v16;
	[tilespmem:s2+$0xFFFFFFE0] =	vst v6  }
0x4b: {  	v11 =	vld [tilespmem:s3+$0xFFFFFFE0];
	[tilespmem:s4+$0xFFFFFFF0] =	vst v10;
	v6 =	vmov v19  }
0x4c: {  	v10 =	vld [tilespmem:s3+$0xFFFFFFF0];
	v12 =	vmul.f32 v13, v12;
	v16 =	vmul.f32 v15, v3;
	[tilespmem:s2+$0xFFFFFFF0] =	vst v7  }
0x4d: {  	s18 =	sadd.s32 $0x40, s18;
	v7 =	vmul.f32 v13, v2;
	v15 =	vmul.f32 v18, v2;
	v13 =	vld [tilespmem:s3+$0x0];
	[tilespmem:s4+$0x0] =	vst v17;
	s4 =	sadd.s32 $0x40, s4  }
0x4e: {  	(v2sf) =	vpush v1, $0x1  }
0x4f: {  	(v2sf) =	vpush v1, $0x0;
	_ =	sdelay $0xd  }
0x50: {  	v1 =	vmul.f32 v4, v14;
	s1 =	spop (v2sf)  }
0x51: {  	s3 =	spop (v2sf)  }
0x52: {  	v1 =	vsub.f32 v11, v1;
	s1 =	ssub.f32 s1, s3  }
0x53: {  	v4 =	vmov s0  }
0x54: {  	(erf) = vrcp.f32 v4;
	v1 =	vmul.f32 v1, v3;
	v4 =	vmov s1  }
0x55: {  	[tilespmem:s4+$0x10] =	vst v16;
	(erf) = vrcp.f32 v4;
	v4 =	vmul.f32 v8, v9  }
0x56: {  	[tilespmem:s5+$0x0] =	vst v5;
	v9 =	vsub.f32 v10, v12  }
0x57: {  	[tilespmem:s4+$0xFFFFFFE0] =	vst v1;
	s3 =	sadd.s32 $0x40, s2;
	v4 =	vsub.f32 v13, v4  }
0x58: {  	[tilespmem:s3+$0x10] =	vst v15;
	v5 =	vmul.f32 v9, v3  }
0x59: {  	[tilespmem:s3+$0xFFFFFFE0] =	vst v6;
	v1 =	vmul.f32 v4, v3  }
0x5a: {  	v2 =	vmul.f32 v8, v2;
	[tilespmem:s4+$0xFFFFFFF0] =	vst v5  }
0x5b: {  	[tilespmem:s3+$0xFFFFFFF0] =	vst v7  }
0x5c: {  	[tilespmem:s4+$0x0] =	vst v1  }
0x5d: {  	[tilespmem:s3+$0x0] =	vst v2;
	v1 =	vpop (erf)  }
0x5e: {  	[tilespmem:s21], [sflag:$0x2] =	stream.linear.gather [hbm4b:s8+s6], $0x8000, $0x38;
	v2 =	vpop (erf);
	[tilespmem:$0x13480] =	vst v63  }
0x5f: {  	_ =	swait.ge [sflag:s22], $0x8000  }
0x60: {  	[sflag:s22] =	ssyncset.done $0x0  }
0x61: {  	s16 =	simm.s32 $0x200;
	[sflag:s22] =	ssyncadd.s32 $0xFFFF8000  }
0x62: {  	v3 =	vld [tilespmem:s16+$0xFFFFFE70]  }
0x63: {  	v4 =	vld [tilespmem:s16+$0xFFFFFEF0]  }
0x64: {  	v5 =	vld [tilespmem:s16+$0xFFFFFE80]  }
0x65: {  	v6 =	vld [tilespmem:s16+$0xFFFFFF70]  }
0x66: {  	v7 =	vld [tilespmem:s16+$0xFFFFFE10]  }
0x67: {  	v8 =	vld [tilespmem:s16+$0xFFFFFFF0]  }
0x68: {  	v9 =	vld [tilespmem:s16+$0xFFFFFE90]  }
0x69: {  	v10 =	vld [tilespmem:s16+$0x70];
	v3 =	vmul.f32 v3, v3;
	v4 =	vmul.f32 v4, v4  }
0x6a: {  	v11 =	vld [tilespmem:s16+$0xFFFFFE20]  }
0x6b: {  	v12 =	vld [tilespmem:s16+$0xFFFFFEA0];
	v3 =	vadd.f32 v4, v3;
	v4 =	vmul.f32 v6, v6  }
0x6c: {  	v6 =	vld [tilespmem:s16+$0xF0]  }
0x6d: {  	v13 =	vld [tilespmem:s16+$0xFFFFFE30];
	v3 =	vadd.f32 v4, v3;
	v4 =	vmul.f32 v8, v8  }
0x6e: {  	v8 =	vld [tilespmem:s16+$0x170]  }
0x6f: {  	v14 =	vld [tilespmem:s16+$0xFFFFFEB0];
	v3 =	vadd.f32 v4, v3;
	v4 =	vmul.f32 v10, v10  }
0x70: {  	v10 =	vld [tilespmem:s16+$0x1F0]  }
0x71: {  	v15 =	vld [tilespmem:s16+$0xFFFFFEC0];
	v3 =	vadd.f32 v4, v3;
	v4 =	vmul.f32 v6, v6  }
0x72: {  	v16 =	vld [tilespmem:s16+$0xFFFFFED0]  }
0x73: {  	v17 =	vld [tilespmem:s16+$0xFFFFFEE0];
	v3 =	vadd.f32 v4, v3;
	v4 =	vmul.f32 v8, v8  }
0x74: {  	v18 =	vld [tilespmem:s16+$0xFFFFFF00]  }
0x75: {  	v20 =	vld [tilespmem:s16+$0xFFFFFF10];
	v3 =	vadd.f32 v4, v3;
	v4 =	vmul.f32 v10, v10  }
0x76: {  	v0 =	vbroadcast v0, $0x1;
	v23 =	vld [tilespmem:s16+$0xFFFFFF20]  }
0x77: {  	v24 =	vld [tilespmem:s16+$0xFFFFFF30];
	v3 =	vadd.f32 v4, v3  }
0x78: {  	v0 =	vmul.f32 v1, v0;
	v1 =	vld [tilespmem:s16+$0xFFFFFF40]  }
0x79: {  	v26 =	vld [tilespmem:s16+$0xFFFFFF50];
	v19 =	vmax.f32 v3, $1.000000000e-30  }
0x7a: {  	v27 =	vld [tilespmem:s16+$0xFFFFFF80];
	v21 =	vshra.s32 v19, $0x1;
	v22 =	vmul.f32 $5.000000000e-01, v19  }
0x7b: {  	v0 =	vmul.f32 v0, v2;
	v28 =	vld [tilespmem:s16+$0xFFFFFF90];
	v21 =	vsub.s32 $0x5F3759DF, v21  }
0x7c: {  	v29 =	vld [tilespmem:s16+$0xFFFFFFA0];
	v2 =	vmul.f32 v5, v5;
	v25 =	vmul.f32 v21, v22  }
0x7d: {  	v7 =	vmul.f32 v7, v7;
	v9 =	vmul.f32 v9, v9;
	v6 =	vld [tilespmem:s16+$0xFFFFFE40]  }
0x7e: {  	v5 =	vld [tilespmem:s16+$0xFFFFFF60];
	v11 =	vmul.f32 v11, v11;
	v25 =	vmul.f32 v21, v25  }
0x7f: {  	v12 =	vmul.f32 v12, v12;
	v13 =	vmul.f32 v13, v13;
	v8 =	vld [tilespmem:s16+$0xFFFFFE50]  }
0x80: {  	v14 =	vmul.f32 v14, v14;
	v18 =	vmul.f32 v18, v18;
	v10 =	vld [tilespmem:s16+$0xFFFFFE60];
	v25 =	vsub.f32 $1.500000000e+00, v25  }
0x81: {  	v1 =	vmul.f32 v1, v1;
	v7 =	vadd.f32 v9, v7;
	v9 =	vmul.f32 v15, v15;
	v15 =	vld [tilespmem:s16+$0xFFFFFFC0]  }
0x82: {  	v11 =	vadd.f32 v12, v11;
	v6 =	vmul.f32 v6, v6;
	v4 =	vld [tilespmem:s16+$0xFFFFFE00];
	v21 =	vmul.f32 v21, v25  }
0x83: {  	v12 =	vmul.f32 v16, v16;
	v16 =	vld [tilespmem:s16+$0xFFFFFFD0];
	v13 =	vadd.f32 v14, v13;
	v5 =	vmul.f32 v5, v5  }
0x84: {  	v14 =	vld [tilespmem:s16+$0xFFFFFFE0];
	v8 =	vmul.f32 v8, v8;
	v6 =	vadd.f32 v9, v6;
	v22 =	vmul.f32 v21, v22  }
0x85: {  	v9 =	vmul.f32 v10, v10;
	v10 =	vmul.f32 v17, v17;
	v17 =	vld [tilespmem:s16+$0x0]  }
0x86: {  	v8 =	vadd.f32 v12, v8;
	v12 =	vld [tilespmem:s16+$0x20];
	v1 =	vadd.f32 v1, v6;
	v22 =	vmul.f32 v22, v21  }
0x87: {  	v6 =	vld [tilespmem:s16+$0x60];
	v4 =	vmul.f32 v4, v4;
	v9 =	vadd.f32 v10, v9;
	v10 =	vmul.f32 v20, v20  }
0x88: {  	v15 =	vmul.f32 v15, v15;
	v20 =	vmul.f32 v23, v23;
	v23 =	vld [tilespmem:s16+$0x50];
	v22 =	vsub.f32 $1.500000000e+00, v22  }
0x89: {  	v14 =	vmul.f32 v14, v14;
	v2 =	vadd.f32 v2, v4;
	v4 =	vld [tilespmem:s16+$0x10];
	v7 =	vadd.f32 v10, v7  }
0x8a: {  	v11 =	vadd.f32 v20, v11;
	v20 =	vmul.f32 v26, v26;
	v26 =	vld [tilespmem:s16+$0x90];
	v21 =	vmul.f32 v22, v21  }
0x8b: {  	v10 =	vmul.f32 v24, v24;
	v24 =	vmul.f32 v28, v28;
	v2 =	vadd.f32 v18, v2;
	v18 =	vld [tilespmem:s16+$0x30]  }
0x8c: {  	v5 =	vadd.f32 v5, v9;
	v9 =	vmul.f32 v29, v29;
	v25 =	vld [tilespmem:s16+$0xFFFFFFB0];
	v19 =	vmul.f32 v21, v19  }
0x8d: {  	v17 =	vmul.f32 v17, v17;
	v6 =	vmul.f32 v6, v6;
	v10 =	vadd.f32 v10, v13;
	v22 =	vld [tilespmem:s16+$0x40]  }
0x8e: {  	v13 =	vmul.f32 v27, v27;
	v8 =	vadd.f32 v20, v8;
	v20 =	vld [tilespmem:s16+$0x80];
	v21 =	vmul.f32 v19, v0  }
0x8f: {  	v7 =	vadd.f32 v24, v7;
	v24 =	vld [tilespmem:s16+$0xB0];
	v9 =	vadd.f32 v9, v11;
	v11 =	vmul.f32 v16, v16  }
0x90: {  	v15 =	vadd.f32 v15, v1;
	v16 =	vld [tilespmem:s16+$0xD0];
	v4 =	vmul.f32 v4, v4;
	v21 =	vtrunc.f32 v21  }
0x91: {  	v27 =	vld [tilespmem:s16+$0xE0];
	v2 =	vadd.f32 v13, v2;
	v13 =	vmul.f32 v25, v25;
	v21 =	vcvt.f32.s32 v21  }
0x92: {  	v5 =	vadd.f32 v14, v5;
	v14 =	vld [tilespmem:s16+$0x110];
	v4 =	vadd.f32 v4, v7;
	v7 =	vmul.f32 v22, v22  }
0x93: {  	v2 =	vadd.f32 v17, v2;
	v25 =	vld [tilespmem:s16+$0xA0];
	v10 =	vadd.f32 v13, v10;
	vm0 =	vlt.s32 v21, $0x3FF  }
0x94: {  	v17 =	vld [tilespmem:s16+$0x120];
	v7 =	vadd.f32 v7, v15;
	v15 =	vmul.f32 v20, v20;
	v1 =	vnsel vm0, $0x3FF, v21  }
0x95: {  	v13 =	vld [tilespmem:s16+$0xC0];
	vm0 =	vgt.f32 v3, $0.0e+00;
	v3 =	vadd.f32 v11, v8;
	v11 =	vmul.f32 v12, v12  }
0x96: {  	v5 =	vadd.f32 v6, v5;
	v8 =	vld [tilespmem:s16+$0x100];
	v12 =	vmul.f32 v18, v18;
	v1 =	vnsel vm0, $0x3FF, v1  }
0x97: {  	v2 =	vadd.f32 v15, v2;
	v15 =	vld [tilespmem:s16+$0x150];
	v9 =	vadd.f32 v11, v9;
	v11 =	vmul.f32 v23, v23  }
0x98: {  	v6 =	vmul.f32 v24, v24;
	v20 =	vmul.f32 v25, v25;
	v18 =	vld [tilespmem:s16+$0x140];
	v10 =	vadd.f32 v12, v10  }
0x99: {  	v12 =	vld [tilespmem:s16+$0x130];
	v3 =	vadd.f32 v11, v3;
	v11 =	vmul.f32 v26, v26  }
0x9a: {  	v9 =	vadd.f32 v20, v9;
	v6 =	vadd.f32 v6, v10;
	v10 =	vmul.f32 v16, v16;
	v20 =	vld [tilespmem:s16+$0x180]  }
0x9b: {  	v16 =	vmul.f32 v27, v27;
	v8 =	vmul.f32 v8, v8;
	v21 =	vld.idx.msk [tilespmem:v1+s24+$0x0], $0xffff  }
0x9c: {  	v4 =	vadd.f32 v11, v4;
	v11 =	vmul.f32 v13, v13;
	v13 =	vld [tilespmem:s16+$0x160];
	v3 =	vadd.f32 v10, v3  }
0x9d: {  	v5 =	vadd.f32 v16, v5;
	v10 =	vmul.f32 v17, v17;
	v16 =	vld [tilespmem:s16+$0x1A0];
	v2 =	vadd.f32 v8, v2  }
0x9e: {  	v8 =	vmul.f32 v12, v12;
	v7 =	vadd.f32 v11, v7;
	v11 =	vmul.f32 v14, v14;
	v14 =	vld [tilespmem:s16+$0x190]  }
0x9f: {  	v12 =	vmul.f32 v15, v15;
	v15 =	vld [tilespmem:s16+$0x1C0];
	v9 =	vadd.f32 v10, v9;
	v10 =	vmul.f32 v18, v18  }
0xa0: {  	v6 =	vadd.f32 v8, v6;
	v8 =	vmul.f32 v20, v20;
	v4 =	vadd.f32 v11, v4;
	v11 =	vld [tilespmem:s16+$0x1B0]  }
0xa1: {  	v3 =	vadd.f32 v12, v3;
	v7 =	vadd.f32 v10, v7  }
0xa2: {  	v18 =	vld [tilespmem:s16+$0x1D0];
	v10 =	vmul.f32 v13, v13;
	v12 =	vadd.f32 v8, v2;
	v2 =	vmul.f32 v16, v16  }
0xa3: {  	v17 =	vmul.f32 v19, v21;
	v13 =	vmul.f32 v14, v14;
	v14 =	vld [tilespmem:s16+$0x1E0]  }
0xa4: {  	v5 =	vadd.f32 v10, v5;
	v16 =	vadd.f32 v2, v9;
	v2 =	vmul.f32 v15, v15  }
0xa5: {  	v13 =	vadd.f32 v13, v4;
	v4 =	vmul.f32 v11, v11;
	v11 =	vmax.f32 v12, $1.000000000e-30  }
0xa6: {  	vm0 =	vgt.f32 v12, $0.0e+00;
	v10 =	vadd.f32 v2, v7;
	v7 =	vshra.s32 v11, $0x1  }
0xa7: {  	v15 =	vmax.f32 v13, $1.000000000e-30;
	v19 =	vadd.f32 v4, v6;
	v4 =	vmul.f32 v18, v18  }
0xa8: {  	s18 =	simm.s32 $0x600;
	v6 =	vmax.f32 v16, $1.000000000e-30;
	v7 =	vsub.s32 $0x5F3759DF, v7;
	v2 =	vmul.f32 v14, v14  }
0xa9: {  	v12 =	vld [tilespmem:s18+$0x70];
	v18 =	vshra.s32 v6, $0x1;
	v21 =	vmul.f32 $5.000000000e-01, v6;
	v14 =	vmax.f32 v19, $1.000000000e-30  }
0xaa: {  	v9 =	vadd.f32 v4, v3;
	v3 =	vmul.f32 $5.000000000e-01, v11;
	v4 =	vmax.f32 v10, $1.000000000e-30  }
0xab: {  	v18 =	vsub.s32 $0x5F3759DF, v18;
	v8 =	vadd.f32 v2, v5;
	v2 =	vshra.s32 v15, $0x1  }
0xac: {  	v5 =	vmul.f32 $5.000000000e-01, v15;
	v23 =	vshra.s32 v14, $0x1;
	v24 =	vmul.f32 $5.000000000e-01, v14  }
0xad: {  	v25 =	vshra.s32 v4, $0x1;
	v26 =	vmul.f32 $5.000000000e-01, v4;
	v33 =	vmul.f32 v18, v21  }
0xae: {  	v12 =	vmul.f32 v12, v12;
	v20 =	vmax.f32 v9, $1.000000000e-30;
	v2 =	vsub.s32 $0x5F3759DF, v2  }
0xaf: {  	v23 =	vsub.s32 $0x5F3759DF, v23;
	v25 =	vsub.s32 $0x5F3759DF, v25;
	v31 =	vmul.f32 v7, v3  }
0xb0: {  	v22 =	vmax.f32 v8, $1.000000000e-30;
	v28 =	vmul.f32 $5.000000000e-01, v20;
	v32 =	vmul.f32 v2, v5  }
0xb1: {  	v27 =	vshra.s32 v20, $0x1;
	v34 =	vmul.f32 v23, v24;
	v35 =	vmul.f32 v25, v26  }
0xb2: {  	v44 =	vld [tilespmem:s18+$0xFFFFFF20];
	v33 =	vmul.f32 v18, v33;
	v30 =	vmul.f32 $5.000000000e-01, v22;
	v27 =	vsub.s32 $0x5F3759DF, v27  }
0xb3: {  	v29 =	vshra.s32 v22, $0x1;
	v31 =	vmul.f32 v7, v31;
	v36 =	vmul.f32 v27, v28  }
0xb4: {  	v29 =	vsub.s32 $0x5F3759DF, v29;
	v32 =	vmul.f32 v2, v32;
	v34 =	vmul.f32 v23, v34  }
0xb5: {  	v47 =	vld [tilespmem:s18+$0xFFFFFFB0];
	v35 =	vmul.f32 v25, v35;
	v37 =	vmul.f32 v29, v30  }
0xb6: {  	v31 =	vsub.f32 $1.500000000e+00, v31;
	v32 =	vsub.f32 $1.500000000e+00, v32;
	v36 =	vmul.f32 v27, v36  }
0xb7: {  	v38 =	vsub.f32 $1.500000000e+00, v34;
	v39 =	vsub.f32 $1.500000000e+00, v35;
	v35 =	vmul.f32 v44, v44  }
0xb8: {  	v37 =	vmul.f32 v29, v37;
	v7 =	vmul.f32 v7, v31  }
0xb9: {  	v31 =	vsub.f32 $1.500000000e+00, v33;
	v2 =	vmul.f32 v2, v32;
	v23 =	vmul.f32 v23, v38  }
0xba: {  	v40 =	vsub.f32 $1.500000000e+00, v36;
	v25 =	vmul.f32 v25, v39;
	v32 =	vmul.f32 v47, v47  }
0xbb: {  	v18 =	vmul.f32 v18, v31;
	v3 =	vmul.f32 v7, v3  }
0xbc: {  	v31 =	vsub.f32 $1.500000000e+00, v37;
	v27 =	vmul.f32 v27, v40;
	v5 =	vmul.f32 v2, v5  }
0xbd: {  	v38 =	vld [tilespmem:s18+$0xFFFFFF90];
	v24 =	vmul.f32 v23, v24;
	v26 =	vmul.f32 v25, v26  }
0xbe: {  	v29 =	vmul.f32 v29, v31;
	v21 =	vmul.f32 v18, v21  }
0xbf: {  	v3 =	vmul.f32 v3, v7;
	v28 =	vmul.f32 v27, v28  }
0xc0: {  	v5 =	vmul.f32 v5, v2;
	v24 =	vmul.f32 v24, v23  }
0xc1: {  	v26 =	vmul.f32 v26, v25;
	v21 =	vmul.f32 v21, v18  }
0xc2: {  	v30 =	vmul.f32 v29, v30;
	v3 =	vsub.f32 $1.500000000e+00, v3;
	v50 =	vmul.f32 v38, v38  }
0xc3: {  	v31 =	vld.idx.msk [tilespmem:v1+s23+$0x0], $0xffff;
	v28 =	vmul.f32 v28, v27;
	v1 =	vsub.f32 $1.500000000e+00, v5;
	v5 =	vsub.f32 $1.500000000e+00, v21  }
0xc4: {  	v21 =	vmul.f32 v30, v29;
	v3 =	vmul.f32 v3, v7;
	v7 =	vsub.f32 $1.500000000e+00, v24  }
0xc5: {  	v24 =	vsub.f32 $1.500000000e+00, v26;
	v26 =	vld [tilespmem:s18+$0xFFFFFE70];
	v2 =	vmul.f32 v1, v2;
	v1 =	vsub.f32 $1.500000000e+00, v28  }
0xc6: {  	v28 =	vld [tilespmem:s18+$0xFFFFFEF0];
	v5 =	vmul.f32 v5, v18;
	v7 =	vmul.f32 v7, v23  }
0xc7: {  	v18 =	vsub.f32 $1.500000000e+00, v21;
	v21 =	vmul.f32 v24, v25;
	v24 =	vmul.f32 v1, v27  }
0xc8: {  	v1 =	vmul.f32 v3, v11;
	v11 =	vld [tilespmem:s18+$0xFFFFFF70];
	v2 =	vmul.f32 v2, v15  }
0xc9: {  	v25 =	vmul.f32 v18, v29;
	v3 =	vmul.f32 v5, v6  }
0xca: {  	vm2 =	vgt.f32 v16, $0.0e+00;
	v5 =	vmul.f32 v7, v14;
	v14 =	vld [tilespmem:s18+$0xFFFFFFF0];
	v7 =	vmul.f32 v21, v4  }
0xcb: {  	vm1 =	vgt.f32 v13, $0.0e+00;
	v23 =	vld [tilespmem:s18+$0xFFFFFE80];
	v26 =	vmul.f32 v26, v26;
	v27 =	vmul.f32 v28, v28  }
0xcc: {  	vm4 =	vgt.f32 v10, $0.0e+00;
	v15 =	vld [tilespmem:s18+$0xFFFFFE10];
	v6 =	vmul.f32 v24, v20;
	v13 =	vmul.f32 v1, v0  }
0xcd: {  	v4 =	vmul.f32 v25, v22;
	v21 =	vadd.f32 v27, v26;
	v11 =	vmul.f32 v11, v11  }
0xce: {  	v18 =	vadd.f32 v17, v31;
	v24 =	vld [tilespmem:s18+$0xF0];
	v22 =	vmul.f32 v2, v0;
	v25 =	vmul.f32 v3, v0  }
0xcf: {  	v17 =	vld [tilespmem:s18+$0xFFFFFE90];
	v16 =	vmul.f32 v5, v0;
	v14 =	vmul.f32 v14, v14;
	v11 =	vadd.f32 v11, v21  }
0xd0: {  	vm3 =	vgt.f32 v19, $0.0e+00;
	v10 =	vtrunc.f32 v13;
	v21 =	vmul.f32 v23, v23;
	v23 =	vld [tilespmem:s18+$0x170]  }
0xd1: {  	v41 =	vld [tilespmem:s18+$0xFFFFFF10];
	v27 =	vmul.f32 v7, v0;
	v15 =	vmul.f32 v15, v15;
	v11 =	vadd.f32 v14, v11  }
0xd2: {  	v19 =	vld [tilespmem:s18+$0x1F0];
	vm5 =	vgt.f32 v9, $0.0e+00;
	v29 =	vmul.f32 v4, v0;
	v22 =	vtrunc.f32 v22  }
0xd3: {  	v20 =	vld [tilespmem:s18+$0xFFFFFE20];
	v9 =	vtrunc.f32 v25;
	v11 =	vadd.f32 v12, v11;
	v12 =	vmul.f32 v24, v24  }
0xd4: {  	v46 =	vld [tilespmem:s18+$0xFFFFFF40];
	v16 =	vtrunc.f32 v16;
	v10 =	vcvt.f32.s32 v10  }
0xd5: {  	v48 =	vld [tilespmem:s18+$0xFFFFFFC0];
	v13 =	vmul.f32 v17, v17;
	v11 =	vadd.f32 v12, v11;
	v12 =	vmul.f32 v23, v23  }
0xd6: {  	v49 =	vld [tilespmem:s18+$0xFFFFFFE0];
	v22 =	vcvt.f32.s32 v22;
	v9 =	vcvt.f32.s32 v9  }
0xd7: {  	v57 =	vld [tilespmem:s18+$0x110];
	v16 =	vcvt.f32.s32 v16;
	v11 =	vadd.f32 v12, v11;
	v12 =	vmul.f32 v19, v19  }
0xd8: {  	vm6 =	vgt.f32 v8, $0.0e+00;
	v30 =	vld [tilespmem:s18+$0xFFFFFEB0];
	v20 =	vmul.f32 v20, v20;
	v8 =	vtrunc.f32 v27  }
0xd9: {  	v26 =	vld [tilespmem:s18+$0xFFFFFEA0];
	v27 =	vtrunc.f32 v29;
	vm7 =	vlt.s32 v10, $0x3FF;
	v11 =	vadd.f32 v12, v11  }
0xda: {  	v25 =	vld [tilespmem:s18+$0xFFFFFED0];
	v8 =	vcvt.f32.s32 v8;
	vm13 =	vlt.s32 v22, $0x3FF;
	v27 =	vcvt.f32.s32 v27  }
0xdb: {  	v28 =	vld [tilespmem:s18+$0xFFFFFE30];
	vm12 =	vlt.s32 v9, $0x3FF;
	vm10 =	vlt.s32 v16, $0x3FF;
	v31 =	vmax.f32 v11, $1.000000000e-30  }
0xdc: {  	v17 =	vld [tilespmem:s18+$0xFFFFFE40];
	v10 =	vnsel vm7, $0x3FF, v10;
	v42 =	vshra.s32 v31, $0x1;
	v43 =	vmul.f32 $5.000000000e-01, v31  }
0xdd: {  	v14 =	vmul.f32 v6, v0;
	v22 =	vnsel vm13, $0x3FF, v22;
	v24 =	vld [tilespmem:s18+$0xFFFFFEC0];
	v33 =	vsub.s32 $0x5F3759DF, v42  }
0xde: {  	v9 =	vnsel vm12, $0x3FF, v9;
	v16 =	vnsel vm10, $0x3FF, v16;
	v23 =	vld [tilespmem:s18+$0xFFFFFE50];
	v45 =	vmul.f32 v33, v43  }
0xdf: {  	v25 =	vmul.f32 v25, v25;
	vm11 =	vlt.s32 v8, $0x3FF;
	v19 =	vmul.f32 v26, v26;
	v26 =	vld [tilespmem:s18+$0xFFFFFE60]  }
0xe0: {  	v29 =	vld [tilespmem:s18+$0xFFFFFEE0];
	v60 =	vnsel vm1, $0x3FF, v22;
	v22 =	vmul.f32 v57, v57;
	v36 =	vmul.f32 v33, v45  }
0xe1: {  	v17 =	vmul.f32 v17, v17;
	v12 =	vadd.f32 v13, v15;
	v13 =	vmul.f32 v28, v28;
	v15 =	vld [tilespmem:s18+$0xFFFFFE00]  }
0xe2: {  	v51 =	vld [tilespmem:s18+$0x50];
	v19 =	vadd.f32 v19, v20;
	v20 =	vmul.f32 v24, v24;
	v36 =	vsub.f32 $1.500000000e+00, v36  }
0xe3: {  	vm9 =	vlt.s32 v27, $0x3FF;
	v28 =	vmul.f32 v30, v30;
	v30 =	vld [tilespmem:s18+$0xFFFFFF00];
	v23 =	vmul.f32 v23, v23  }
0xe4: {  	v17 =	vadd.f32 v20, v17;
	v20 =	vmul.f32 v26, v26;
	v26 =	vld [tilespmem:s18+$0xFFFFFF60];
	v33 =	vmul.f32 v33, v36  }
0xe5: {  	v14 =	vtrunc.f32 v14;
	v23 =	vadd.f32 v25, v23;
	v25 =	vmul.f32 v29, v29;
	v29 =	vld [tilespmem:s18+$0xFFFFFF80]  }
0xe6: {  	v9 =	vnsel vm2, $0x3FF, v9;
	v24 =	vld [tilespmem:s18+$0xFFFFFF30];
	v15 =	vmul.f32 v15, v15;
	v34 =	vmul.f32 v33, v43  }
0xe7: {  	v8 =	vnsel vm11, $0x3FF, v8;
	v13 =	vadd.f32 v28, v13;
	v20 =	vadd.f32 v25, v20;
	v25 =	vld [tilespmem:s18+$0xFFFFFFA0]  }
0xe8: {  	v28 =	vld [tilespmem:s18+$0xFFFFFF50];
	v30 =	vmul.f32 v30, v30;
	v15 =	vadd.f32 v21, v15;
	v34 =	vmul.f32 v34, v33  }
0xe9: {  	v52 =	vld [tilespmem:s18+$0x60];
	v19 =	vadd.f32 v35, v19;
	v21 =	vmul.f32 v41, v41;
	v26 =	vmul.f32 v26, v26  }
0xea: {  	v53 =	vld [tilespmem:s18+$0x80];
	v29 =	vmul.f32 v29, v29;
	v15 =	vadd.f32 v30, v15;
	v34 =	vsub.f32 $1.500000000e+00, v34  }
0xeb: {  	v12 =	vadd.f32 v21, v12;
	v21 =	vmul.f32 v24, v24;
	v24 =	vld [tilespmem:s18+$0xFFFFFFD0];
	v30 =	vmul.f32 v46, v46  }
0xec: {  	v20 =	vadd.f32 v26, v20;
	v26 =	vld [tilespmem:s18+$0x30];
	v25 =	vmul.f32 v25, v25;
	v33 =	vmul.f32 v34, v33  }
0xed: {  	v13 =	vadd.f32 v21, v13;
	v21 =	vmul.f32 v28, v28;
	v28 =	vld [tilespmem:s18+$0x0];
	v17 =	vadd.f32 v30, v17  }
0xee: {  	v30 =	vld [tilespmem:s18+$0x10];
	v15 =	vadd.f32 v29, v15;
	v12 =	vadd.f32 v50, v12;
	v31 =	vmul.f32 v33, v31  }
0xef: {  	v55 =	vld [tilespmem:s18+$0x90];
	v19 =	vadd.f32 v25, v19;
	v25 =	vmul.f32 v48, v48;
	v21 =	vadd.f32 v21, v23  }
0xf0: {  	v23 =	vld [tilespmem:s18+$0x20];
	v13 =	vadd.f32 v32, v13;
	v24 =	vmul.f32 v24, v24;
	v54 =	vmul.f32 v31, v0  }
0xf1: {  	v56 =	vld [tilespmem:s18+$0xE0];
	v17 =	vadd.f32 v25, v17;
	v25 =	vmul.f32 v49, v49;
	v26 =	vmul.f32 v26, v26  }
0xf2: {  	v29 =	vld [tilespmem:s18+$0x40];
	v28 =	vmul.f32 v28, v28;
	v21 =	vadd.f32 v24, v21;
	v36 =	vtrunc.f32 v54  }
0xf3: {  	v58 =	vld [tilespmem:s18+$0x120];
	v30 =	vmul.f32 v30, v30;
	v20 =	vadd.f32 v25, v20;
	v36 =	vcvt.f32.s32 v36  }
0xf4: {  	v24 =	vld [tilespmem:s18+$0xA0];
	v13 =	vadd.f32 v26, v13;
	v26 =	vmul.f32 v51, v51;
	v15 =	vadd.f32 v28, v15  }
0xf5: {  	v23 =	vmul.f32 v23, v23;
	v28 =	vld [tilespmem:s18+$0xC0];
	v12 =	vadd.f32 v30, v12;
	vm7 =	vlt.s32 v36, $0x3FF  }
0xf6: {  	v25 =	vld [tilespmem:s18+$0xB0];
	v21 =	vadd.f32 v26, v21;
	v26 =	vmul.f32 v55, v55;
	v36 =	vnsel vm7, $0x3FF, v36  }
0xf7: {  	v59 =	vld [tilespmem:s18+$0x130];
	vm7 =	vgt.f32 v11, $0.0e+00;
	v11 =	vadd.f32 v23, v19;
	v19 =	vmul.f32 v29, v29  }
0xf8: {  	v14 =	vcvt.f32.s32 v14;
	v30 =	vld [tilespmem:s18+$0xD0];
	v12 =	vadd.f32 v26, v12;
	v29 =	vnsel vm7, $0x3FF, v36  }
0xf9: {  	v24 =	vmul.f32 v24, v24;
	v23 =	vld [tilespmem:s18+$0x100];
	v17 =	vadd.f32 v19, v17;
	v19 =	vmul.f32 v53, v53  }
0xfa: {  	v33 =	vmul.f32 v52, v52;
	v26 =	vmul.f32 v28, v28;
	v12 =	vadd.f32 v22, v12;
	v22 =	vld [tilespmem:s18+$0x1A0]  }
0xfb: {  	v11 =	vadd.f32 v24, v11;
	v24 =	vld [tilespmem:s18+$0x150];
	v15 =	vadd.f32 v19, v15;
	v19 =	vmul.f32 v25, v25  }
0xfc: {  	v27 =	vnsel vm9, $0x3FF, v27;
	vm8 =	vlt.s32 v14, $0x3FF;
	v20 =	vadd.f32 v33, v20;
	v25 =	vld [tilespmem:s18+$0x140]  }
0xfd: {  	v17 =	vadd.f32 v26, v17;
	v26 =	vmul.f32 v56, v56;
	v28 =	vld.idx.msk [tilespmem:v29+s24+$0x0], $0xffff;
	v13 =	vadd.f32 v19, v13  }
0xfe: {  	v19 =	vmul.f32 v30, v30;
	v30 =	vnsel vm0, $0x3FF, v10;
	v10 =	vmul.f32 v23, v23;
	v23 =	vld [tilespmem:s18+$0x180]  }
0xff: {  	v37 =	vnsel vm6, $0x3FF, v27;
	v14 =	vnsel vm8, $0x3FF, v14;
	v20 =	vadd.f32 v26, v20;
	v26 =	vld [tilespmem:s18+$0x190]  }
0x100: {  	v32 =	vnsel vm3, $0x3FF, v16;
	v16 =	vmul.f32 v59, v59;
	v33 =	vnsel vm4, $0x3FF, v8;
	v29 =	vld.idx.msk [tilespmem:v29+s23+$0x0], $0xffff  }
0x101: {  	v19 =	vadd.f32 v19, v21;
	v21 =	vld [tilespmem:s18+$0x160];
	v10 =	vadd.f32 v10, v15;
	v15 =	vmul.f32 v58, v58  }
0x102: {  	v36 =	vnsel vm5, $0x3FF, v14;
	v14 =	vmul.f32 v24, v24;
	v13 =	vadd.f32 v16, v13;
	v16 =	vld [tilespmem:s18+$0x1C0]  }
0x103: {  	v22 =	vmul.f32 v22, v22;
	v8 =	vadd.f32 v15, v11;
	v11 =	vmul.f32 v25, v25;
	v15 =	vld [tilespmem:s18+$0x1B0]  }
0x104: {  	v14 =	vadd.f32 v14, v19;
	v19 =	vmul.f32 v23, v23;
	v24 =	vmul.f32 v26, v26  }
0x105: {  	v11 =	vadd.f32 v11, v17;
	v17 =	vmul.f32 v31, v28;
	v8 =	vadd.f32 v22, v8  }
0x106: {  	v23 =	vld [tilespmem:s18+$0x1D0];
	v21 =	vmul.f32 v21, v21;
	v10 =	vadd.f32 v19, v10;
	v12 =	vadd.f32 v24, v12  }
0x107: {  	v16 =	vmul.f32 v16, v16;
	v38 =	vadd.f32 v17, v29;
	v25 =	vmax.f32 v8, $1.000000000e-30  }
0x108: {  	v17 =	vld [tilespmem:s18+$0x1E0];
	vm1 =	vgt.f32 v8, $0.0e+00;
	v15 =	vmul.f32 v15, v15;
	v19 =	vadd.f32 v21, v20  }
0x109: {  	v26 =	vmax.f32 v10, $1.000000000e-30;
	v27 =	vmax.f32 v12, $1.000000000e-30;
	v20 =	vadd.f32 v16, v11  }
0x10a: {  	v21 =	vmul.f32 $5.000000000e-01, v25;
	vm2 =	vgt.f32 v10, $0.0e+00;
	v16 =	vshra.s32 v26, $0x1  }
0x10b: {  	v15 =	vadd.f32 v15, v13;
	v13 =	vmul.f32 v23, v23;
	v22 =	vmax.f32 v20, $1.000000000e-30  }
0x10c: {  	v16 =	vsub.s32 $0x5F3759DF, v16;
	v61 =	vshra.s32 v22, $0x1;
	v40 =	vmul.f32 $5.000000000e-01, v22  }
0x10d: {  	v11 =	vmul.f32 v17, v17;
	v24 =	vmax.f32 v15, $1.000000000e-30;
	v17 =	vadd.f32 v13, v14  }
0x10e: {  	v13 =	vmul.f32 $5.000000000e-01, v26;
	v14 =	vshra.s32 v25, $0x1;
	v34 =	vsub.s32 $0x5F3759DF, v61  }
0x10f: {  	v28 =	vshra.s32 v24, $0x1;
	v39 =	vmul.f32 $5.000000000e-01, v24;
	v45 =	vsub.s32 $0x5F3759DF, v14  }
0x110: {  	v49 =	vmul.f32 v34, v40;
	v31 =	vadd.f32 v11, v19;
	v11 =	vshra.s32 v27, $0x1  }
0x111: {  	v19 =	vmul.f32 $5.000000000e-01, v27;
	v23 =	vmax.f32 v17, $1.000000000e-30;
	v28 =	vsub.s32 $0x5F3759DF, v28  }
0x112: {  	v14 =	vmul.f32 v16, v13;
	v47 =	vmul.f32 v45, v21;
	v41 =	vshra.s32 v23, $0x1  }
0x113: {  	v42 =	vmul.f32 $5.000000000e-01, v23;
	v11 =	vsub.s32 $0x5F3759DF, v11;
	v48 =	vmul.f32 v28, v39  }
0x114: {  	v49 =	vmul.f32 v34, v49;
	v29 =	vmax.f32 v31, $1.000000000e-30;
	v46 =	vmul.f32 v11, v19  }
0x115: {  	v41 =	vsub.s32 $0x5F3759DF, v41;
	v14 =	vmul.f32 v16, v14;
	v47 =	vmul.f32 v45, v47  }
0x116: {  	v43 =	vshra.s32 v29, $0x1;
	v44 =	vmul.f32 $5.000000000e-01, v29;
	v50 =	vmul.f32 v41, v42  }
0x117: {  	v48 =	vmul.f32 v28, v48;
	v62 =	vsub.f32 $1.500000000e+00, v49;
	v46 =	vmul.f32 v11, v46  }
0x118: {  	v43 =	vsub.s32 $0x5F3759DF, v43;
	v14 =	vsub.f32 $1.500000000e+00, v14;
	v47 =	vsub.f32 $1.500000000e+00, v47  }
0x119: {  	v51 =	vmul.f32 v43, v44;
	v50 =	vmul.f32 v41, v50;
	v46 =	vsub.f32 $1.500000000e+00, v46  }
0x11a: {  	s3 =	simm.s32 $0x10040;
	v52 =	vmul.f32 v16, v14;
	v16 =	vsub.f32 $1.500000000e+00, v48;
	v45 =	vmul.f32 v45, v47  }
0x11b: {  	[tilespmem:s3+$0x30] =	vst v18;
	v18 =	vld.idx.msk [tilespmem:v37+s23+$0x0], $0xffff;
	vm0 =	vgt.f32 v12, $0.0e+00;
	v48 =	vmul.f32 v34, v62;
	v51 =	vmul.f32 v43, v51  }
0x11c: {  	v10 =	vld.idx.msk [tilespmem:v32+s24+$0x0], $0xffff;
	v63 =	vsub.f32 $1.500000000e+00, v50;
	v46 =	vmul.f32 v11, v46;
	v47 =	vmul.f32 v28, v16  }
0x11d: {  	v12 =	vld.idx.msk [tilespmem:v33+s24+$0x0], $0xffff;
	vm4 =	vgt.f32 v20, $0.0e+00;
	v53 =	vmul.f32 v52, v13;
	v8 =	vmul.f32 v45, v21  }
0x11e: {  	v20 =	vld.idx.msk [tilespmem:v60+s23+$0x0], $0xffff;
	v54 =	vmul.f32 v48, v40;
	v28 =	vsub.f32 $1.500000000e+00, v51;
	v41 =	vmul.f32 v41, v63  }
0x11f: {  	vm3 =	vgt.f32 v15, $0.0e+00;
	v15 =	vld.idx.msk [tilespmem:v37+s24+$0x0], $0xffff;
	v19 =	vmul.f32 v46, v19;
	v57 =	vmul.f32 v53, v52  }
0x120: {  	v14 =	vld.idx.msk [tilespmem:v30+s24+$0x0], $0xffff;
	v58 =	vmul.f32 v54, v48;
	v34 =	vmul.f32 v43, v28  }
0x121: {  	v11 =	vld.idx.msk [tilespmem:v60+s24+$0x0], $0xffff;
	v28 =	vmul.f32 v47, v39;
	v55 =	vmul.f32 v41, v42  }
0x122: {  	vm5 =	vgt.f32 v17, $0.0e+00;
	v16 =	vld.idx.msk [tilespmem:v9+s24+$0x0], $0xffff;
	v17 =	vmul.f32 v19, v46;
	v19 =	vmul.f32 v8, v45  }
0x123: {  	v21 =	vld.idx.msk [tilespmem:v30+s23+$0x0], $0xffff;
	v63 =	vsub.f32 $1.500000000e+00, v58;
	v56 =	vmul.f32 v34, v44;
	v30 =	vmul.f32 v28, v47  }
0x124: {  	v13 =	vld.idx.msk [tilespmem:v36+s24+$0x0], $0xffff;
	v28 =	vsub.f32 $1.500000000e+00, v57;
	v59 =	vmul.f32 v55, v41;
	v60 =	vsub.f32 $1.500000000e+00, v17  }
0x125: {  	v8 =	vld.idx.msk [tilespmem:v9+s23+$0x0], $0xffff;
	v61 =	vsub.f32 $1.500000000e+00, v19;
	v35 =	vmul.f32 v63, v48;
	v42 =	vmul.f32 v56, v34  }
0x126: {  	v9 =	vld.idx.msk [tilespmem:v32+s23+$0x0], $0xffff;
	v28 =	vmul.f32 v28, v52;
	v62 =	vsub.f32 $1.500000000e+00, v30;
	v39 =	vsub.f32 $1.500000000e+00, v59  }
0x127: {  	s0 =	simm.s32 $0x100C0;
	v19 =	vld.idx.msk [tilespmem:v36+s23+$0x0], $0xffff;
	v30 =	vmul.f32 v60, v46;
	v32 =	vmul.f32 v61, v45;
	v36 =	vsub.f32 $1.500000000e+00, v42  }
0x128: {  	s2 =	simm.s32 $0x100C0;
	s1 =	simm.s32 $0x8;
	s4 =	simm.s32 $0xA00;
	[tilespmem:s0+$0x30] =	vst v38;
	vm6 =	vgt.f32 v31, $0.0e+00;
	v17 =	vld.idx.msk [tilespmem:v33+s23+$0x0], $0xffff;
	v31 =	vmul.f32 v62, v47;
	v33 =	vmul.f32 v39, v41  }
.LBB2_4:
0x129: {  	v37 =	vld [tilespmem:s4+$0xFFFFFE70];
	v28 =	vmul.f32 v28, v26;
	v34 =	vmul.f32 v36, v34  }
0x12a: {  	s1 =	sadd.s32 $0x8, s1;
	v27 =	vmul.f32 v30, v27;
	v26 =	vmul.f32 v32, v25;
	v36 =	vld [tilespmem:s4+$0xFFFFFEF0]  }
0x12b: {  	v25 =	vmul.f32 v31, v24;
	p0 =	slt.u32 s1, $0xF8;
	v24 =	vmul.f32 v35, v22;
	v30 =	vld [tilespmem:s4+$0xFFFFFE80]  }
0x12c: {  	v22 =	vmul.f32 v33, v23;
	v23 =	vmul.f32 v34, v29;
	v31 =	vld [tilespmem:s4+$0xFFFFFF70]  }
0x12d: {  	v32 =	vmul.f32 v28, v0;
	v33 =	vmul.f32 v27, v0;
	v29 =	vld [tilespmem:s4+$0xFFFFFE10]  }
0x12e: {  	v35 =	vmul.f32 v26, v0;
	v38 =	vmul.f32 v25, v0;
	v34 =	vld [tilespmem:s4+$0xFFFFFFF0]  }
0x12f: {  	v37 =	vmul.f32 v37, v37;
	v39 =	vld [tilespmem:s4+$0xFFFFFE90];
	v36 =	vmul.f32 v36, v36  }
0x130: {  	v41 =	vmul.f32 v24, v0;
	v40 =	vmul.f32 v30, v30;
	v30 =	vld [tilespmem:s4+$0x70]  }
0x131: {  	v42 =	vld [tilespmem:s4+$0xFFFFFE20];
	v36 =	vadd.f32 v36, v37;
	v31 =	vmul.f32 v31, v31;
	v37 =	vmul.f32 v22, v0  }
0x132: {  	v44 =	vmul.f32 v23, v0;
	v29 =	vmul.f32 v29, v29;
	v43 =	vld [tilespmem:s4+$0xF0]  }
0x133: {  	v32 =	vtrunc.f32 v32;
	v45 =	vld [tilespmem:s4+$0xFFFFFEA0];
	v31 =	vadd.f32 v31, v36;
	v34 =	vmul.f32 v34, v34  }
0x134: {  	v33 =	vtrunc.f32 v33;
	v36 =	vmul.f32 v39, v39;
	v39 =	vld [tilespmem:s4+$0x170]  }
0x135: {  	v46 =	vld [tilespmem:s4+$0xFFFFFE30];
	v31 =	vadd.f32 v34, v31;
	v30 =	vmul.f32 v30, v30;
	v34 =	vtrunc.f32 v35  }
0x136: {  	v38 =	vtrunc.f32 v38;
	v35 =	vadd.f32 v36, v29;
	v29 =	vmul.f32 v42, v42;
	v36 =	vld [tilespmem:s4+$0x1F0]  }
0x137: {  	v41 =	vtrunc.f32 v41;
	v42 =	vld [tilespmem:s4+$0xFFFFFEB0];
	v30 =	vadd.f32 v30, v31;
	v31 =	vmul.f32 v43, v43  }
0x138: {  	v37 =	vtrunc.f32 v37;
	v43 =	vmul.f32 v45, v45;
	v45 =	vld [tilespmem:s4+$0xFFFFFE40]  }
0x139: {  	v47 =	vld [tilespmem:s4+$0xFFFFFEC0];
	v30 =	vadd.f32 v31, v30;
	v31 =	vmul.f32 v39, v39;
	v39 =	vtrunc.f32 v44  }
0x13a: {  	v48 =	vcvt.f32.s32 v32;
	v43 =	vadd.f32 v43, v29;
	v44 =	vmul.f32 v46, v46;
	v46 =	vld [tilespmem:s4+$0xFFFFFE50]  }
0x13b: {  	v33 =	vcvt.f32.s32 v33;
	v49 =	vld [tilespmem:s4+$0xFFFFFED0];
	v29 =	vadd.f32 v31, v30;
	v30 =	vmul.f32 v36, v36  }
0x13c: {  	vm7 =	vlt.s32 v48, $0x3FF;
	v34 =	vcvt.f32.s32 v34;
	v31 =	vmul.f32 v42, v42;
	v36 =	vld [tilespmem:s4+$0xFFFFFE60]  }
0x13d: {  	v38 =	vcvt.f32.s32 v38;
	v42 =	vmul.f32 v45, v45;
	v45 =	vld [tilespmem:s4+$0xFFFFFEE0];
	v29 =	vadd.f32 v30, v29  }
0x13e: {  	v32 =	vcvt.f32.s32 v41;
	v50 =	vld [tilespmem:s4+$0xFFFFFE00];
	v44 =	vadd.f32 v31, v44;
	v31 =	vmul.f32 v47, v47  }
0x13f: {  	v30 =	vcvt.f32.s32 v37;
	v41 =	vld [tilespmem:s4+$0xFFFFFF00];
	v46 =	vmul.f32 v46, v46;
	v47 =	vmax.f32 v29, $1.000000000e-30  }
0x140: {  	v37 =	vld [tilespmem:s4+$0xFFFFFF10];
	v49 =	vmul.f32 v49, v49;
	v51 =	vshra.s32 v47, $0x1;
	v52 =	vmul.f32 $5.000000000e-01, v47  }
0x141: {  	v42 =	vadd.f32 v31, v42;
	v53 =	vld [tilespmem:s4+$0xFFFFFF20];
	v36 =	vmul.f32 v36, v36;
	v51 =	vsub.s32 $0x5F3759DF, v51  }
0x142: {  	v54 =	vld [tilespmem:s4+$0xFFFFFF30];
	v46 =	vadd.f32 v49, v46;
	v45 =	vmul.f32 v45, v45;
	v49 =	vmul.f32 v51, v52  }
0x143: {  	vm12 =	vlt.s32 v33, $0x3FF;
	v31 =	vcvt.f32.s32 v39;
	v50 =	vmul.f32 v50, v50;
	v55 =	vld [tilespmem:s4+$0xFFFFFF40]  }
0x144: {  	v39 =	vmul.f32 v41, v41;
	v41 =	vld [tilespmem:s4+$0xFFFFFF50];
	v36 =	vadd.f32 v45, v36;
	v45 =	vmul.f32 v51, v49  }
0x145: {  	vm13 =	vlt.s32 v34, $0x3FF;
	v40 =	vadd.f32 v40, v50;
	v37 =	vmul.f32 v37, v37;
	v49 =	vld [tilespmem:s4+$0xFFFFFF60]  }
0x146: {  	vm10 =	vlt.s32 v38, $0x3FF;
	v50 =	vld [tilespmem:s4+$0xFFFFFF80];
	v53 =	vmul.f32 v53, v53;
	v45 =	vsub.f32 $1.500000000e+00, v45  }
0x147: {  	v39 =	vadd.f32 v39, v40;
	v35 =	vadd.f32 v37, v35;
	v37 =	vld [tilespmem:s4+$0xFFFFFF90];
	v40 =	vmul.f32 v54, v54  }
0x148: {  	v43 =	vadd.f32 v53, v43;
	v53 =	vld [tilespmem:s4+$0xFFFFFFA0];
	v54 =	vmul.f32 v55, v55;
	v45 =	vmul.f32 v51, v45  }
0x149: {  	vm11 =	vlt.s32 v32, $0x3FF;
	v40 =	vadd.f32 v40, v44;
	v44 =	vld [tilespmem:s4+$0xFFFFFFB0];
	v41 =	vmul.f32 v41, v41  }
0x14a: {  	v42 =	vadd.f32 v54, v42;
	v51 =	vld [tilespmem:s4+$0xFFFFFFC0];
	v49 =	vmul.f32 v49, v49;
	v52 =	vmul.f32 v45, v52  }
0x14b: {  	vm8 =	vlt.s32 v30, $0x3FF;
	v50 =	vmul.f32 v50, v50;
	v41 =	vadd.f32 v41, v46;
	v46 =	vld [tilespmem:s4+$0xFFFFFFD0]  }
0x14c: {  	v37 =	vmul.f32 v37, v37;
	v36 =	vadd.f32 v49, v36;
	v49 =	vld [tilespmem:s4+$0xFFFFFFE0];
	v52 =	vmul.f32 v52, v45  }
0x14d: {  	vm9 =	vlt.s32 v31, $0x3FF;
	v39 =	vadd.f32 v50, v39;
	v50 =	vld [tilespmem:s4+$0x0];
	v53 =	vmul.f32 v53, v53  }
0x14e: {  	v35 =	vadd.f32 v37, v35;
	v37 =	vld [tilespmem:s4+$0x10];
	v44 =	vmul.f32 v44, v44;
	v52 =	vsub.f32 $1.500000000e+00, v52  }
0x14f: {  	v48 =	vnsel vm7, $0x3FF, v48;
	v43 =	vadd.f32 v53, v43;
	v53 =	vld [tilespmem:s4+$0x20];
	v51 =	vmul.f32 v51, v51  }
0x150: {  	v40 =	vadd.f32 v44, v40;
	v44 =	vld [tilespmem:s4+$0x30];
	v46 =	vmul.f32 v46, v46;
	v45 =	vmul.f32 v52, v45  }
0x151: {  	v33 =	vnsel vm12, $0x3FF, v33;
	v42 =	vadd.f32 v51, v42;
	v51 =	vld [tilespmem:s4+$0x40];
	v49 =	vmul.f32 v49, v49  }
0x152: {  	v50 =	vmul.f32 v50, v50;
	v41 =	vadd.f32 v46, v41;
	v46 =	vld [tilespmem:s4+$0x50];
	v45 =	vmul.f32 v45, v47  }
0x153: {  	v34 =	vnsel vm13, $0x3FF, v34;
	v37 =	vmul.f32 v37, v37;
	v36 =	vadd.f32 v49, v36;
	v47 =	vld [tilespmem:s4+$0x60]  }
0x154: {  	v39 =	vadd.f32 v50, v39;
	v49 =	vld [tilespmem:s4+$0x80];
	v50 =	vmul.f32 v53, v53;
	v52 =	vmul.f32 v45, v0  }
0x155: {  	v38 =	vnsel vm10, $0x3FF, v38;
	v35 =	vadd.f32 v37, v35;
	v37 =	vld [tilespmem:s4+$0x90];
	v44 =	vmul.f32 v44, v44  }
0x156: {  	v43 =	vadd.f32 v50, v43;
	v50 =	vld [tilespmem:s4+$0xA0];
	v51 =	vmul.f32 v51, v51;
	v52 =	vtrunc.f32 v52  }
0x157: {  	v40 =	vadd.f32 v44, v40;
	v44 =	vld [tilespmem:s4+$0xB0];
	v46 =	vmul.f32 v46, v46;
	v52 =	vcvt.f32.s32 v52  }
0x158: {  	v32 =	vnsel vm11, $0x3FF, v32;
	v42 =	vadd.f32 v51, v42;
	v51 =	vld [tilespmem:s4+$0xC0];
	v47 =	vmul.f32 v47, v47  }
0x159: {  	v49 =	vmul.f32 v49, v49;
	v41 =	vadd.f32 v46, v41;
	v46 =	vld [tilespmem:s4+$0xD0];
	vm7 =	vlt.s32 v52, $0x3FF  }
0x15a: {  	v36 =	vadd.f32 v47, v36;
	v47 =	vld [tilespmem:s4+$0xE0];
	v52 =	vnsel vm7, $0x3FF, v52;
	vm7 =	vgt.f32 v29, $0.0e+00  }
0x15b: {  	v37 =	vmul.f32 v37, v37;
	v29 =	vld [tilespmem:s4+$0x100];
	v50 =	vmul.f32 v50, v50;
	v52 =	vnsel vm7, $0x3FF, v52  }
0x15c: {  	v30 =	vnsel vm8, $0x3FF, v30;
	v39 =	vadd.f32 v49, v39;
	v49 =	vld [tilespmem:s4+$0x110];
	v44 =	vmul.f32 v44, v44  }
0x15d: {  	v35 =	vadd.f32 v37, v35;
	v37 =	vadd.f32 v50, v43;
	v43 =	vld [tilespmem:s4+$0x120];
	v50 =	vmul.f32 v51, v51  }
0x15e: {  	v31 =	vnsel vm9, $0x3FF, v31;
	v40 =	vadd.f32 v44, v40;
	v44 =	vld [tilespmem:s4+$0x130];
	v46 =	vmul.f32 v46, v46  }
0x15f: {  	v48 =	vnsel vm2, $0x3FF, v48;
	v42 =	vadd.f32 v50, v42;
	v50 =	vld [tilespmem:s4+$0x140];
	v47 =	vmul.f32 v47, v47  }
0x160: {  	v51 =	vnsel vm0, $0x3FF, v33;
	v29 =	vmul.f32 v29, v29;
	v41 =	vadd.f32 v46, v41;
	v46 =	vld.idx.msk [tilespmem:v52+s24+$0x0], $0xffff  }
0x161: {  	v34 =	vnsel vm1, $0x3FF, v34;
	v33 =	vmul.f32 v49, v49;
	v49 =	vld [tilespmem:s4+$0x150];
	v36 =	vadd.f32 v47, v36  }
0x162: {  	v38 =	vnsel vm3, $0x3FF, v38;
	v29 =	vadd.f32 v29, v39;
	v39 =	vmul.f32 v43, v43;
	v43 =	vld.idx.msk [tilespmem:v52+s23+$0x0], $0xffff  }
0x163: {  	v47 =	vnsel vm4, $0x3FF, v32;
	v33 =	vadd.f32 v33, v35;
	v35 =	vmul.f32 v44, v44;
	v44 =	vld [tilespmem:s4+$0x160]  }
0x164: {  	v32 =	vld [tilespmem:s4+$0x180];
	v37 =	vadd.f32 v39, v37;
	v39 =	vmul.f32 v50, v50;
	v50 =	vnsel vm5, $0x3FF, v30  }
0x165: {  	v14 =	vmul.f32 v1, v14;
	v1 =	vmovc v28;
	v52 =	vld [tilespmem:s4+$0x190];
	v35 =	vadd.f32 v35, v40;
	v40 =	vnsel vm6, $0x3FF, v31  }
0x166: {  	v31 =	vmul.f32 v45, v46;
	v53 =	vld [tilespmem:s4+$0x1A0];
	v39 =	vadd.f32 v39, v42;
	v30 =	vmul.f32 v49, v49  }
0x167: {  	v11 =	vmul.f32 v2, v11;
	v14 =	vadd.f32 v14, v21;
	v28 =	vmul.f32 v3, v16;
	v2 =	vmovc v27;
	v42 =	vld [tilespmem:s4+$0x1B0]  }
0x168: {  	v3 =	vmovc v26;
	v31 =	vadd.f32 v31, v43;
	v16 =	vld [tilespmem:s4+$0x1C0];
	v21 =	vadd.f32 v30, v41;
	v27 =	vmul.f32 v44, v44  }
0x169: {  	s0 =	sadd.s32 $0x80, s0;
	v20 =	vadd.f32 v11, v20;
	v30 =	vmul.f32 v5, v10;
	v26 =	vmul.f32 v32, v32;
	v41 =	vld [tilespmem:s4+$0x1D0];
	[tilespmem:s3+$0xFFFFFFC0] =	vst v14  }
0x16a: {  	v5 =	vmul.f32 v52, v52;
	v36 =	vadd.f32 v27, v36;
	v43 =	vld [tilespmem:s4+$0x1E0];
	[tilespmem:s0+$0x30] =	vst v31;
	v31 =	vmul.f32 v7, v12  }
0x16b: {  	v32 =	vmul.f32 v6, v13;
	v44 =	vadd.f32 v26, v29;
	v7 =	vmul.f32 v53, v53;
	v14 =	vld.idx.msk [tilespmem:v48+s24+$0x0], $0xffff  }
0x16c: {  	v45 =	vadd.f32 v5, v33;
	v12 =	vmul.f32 v42, v42;
	v11 =	vld.idx.msk [tilespmem:v51+s24+$0x0], $0xffff;
	v33 =	vmul.f32 v4, v15  }
0x16d: {  	v26 =	vmax.f32 v44, $1.000000000e-30;
	v37 =	vadd.f32 v7, v37;
	v29 =	vmul.f32 v16, v16;
	v16 =	vld.idx.msk [tilespmem:v34+s24+$0x0], $0xffff;
	[tilespmem:s3+$0xFFFFFFD0] =	vst v20  }
0x16e: {  	v27 =	vmax.f32 v45, $1.000000000e-30;
	v35 =	vadd.f32 v12, v35;
	v20 =	vmul.f32 v41, v41;
	v10 =	vld.idx.msk [tilespmem:v38+s24+$0x0], $0xffff;
	v5 =	vmovc v25  }
0x16f: {  	v25 =	vmax.f32 v37, $1.000000000e-30;
	v39 =	vadd.f32 v29, v39;
	v15 =	vmul.f32 v43, v43;
	v12 =	vld.idx.msk [tilespmem:v47+s24+$0x0], $0xffff;
	v7 =	vmovc v24  }
0x170: {  	v6 =	vmovc v22;
	v4 =	vmovc v23;
	v41 =	vshra.s32 v26, $0x1;
	v24 =	vmax.f32 v35, $1.000000000e-30;
	v42 =	vadd.f32 v20, v21;
	v13 =	vld.idx.msk [tilespmem:v50+s24+$0x0], $0xffff  }
0x171: {  	v43 =	vmul.f32 $5.000000000e-01, v26;
	v22 =	vmax.f32 v39, $1.000000000e-30;
	v36 =	vadd.f32 v15, v36;
	v15 =	vld.idx.msk [tilespmem:v40+s24+$0x0], $0xffff  }
0x172: {  	v46 =	vshra.s32 v27, $0x1;
	v49 =	vmul.f32 $5.000000000e-01, v27;
	v23 =	vmax.f32 v42, $1.000000000e-30;
	v21 =	vld.idx.msk [tilespmem:v48+s23+$0x0], $0xffff  }
0x173: {  	v52 =	vmul.f32 $5.000000000e-01, v25;
	v48 =	vshra.s32 v25, $0x1;
	v29 =	vmax.f32 v36, $1.000000000e-30;
	v20 =	vld.idx.msk [tilespmem:v51+s23+$0x0], $0xffff  }
0x174: {  	v53 =	vmul.f32 $5.000000000e-01, v24;
	v54 =	vshra.s32 v22, $0x1;
	v51 =	vshra.s32 v24, $0x1;
	v55 =	vld.idx.msk [tilespmem:v34+s23+$0x0], $0xffff  }
0x175: {  	v56 =	vmul.f32 $5.000000000e-01, v22;
	v57 =	vmul.f32 $5.000000000e-01, v23;
	v34 =	vshra.s32 v23, $0x1;
	v38 =	vld.idx.msk [tilespmem:v38+s23+$0x0], $0xffff  }
0x176: {  	v41 =	vsub.s32 $0x5F3759DF, v41;
	v58 =	vshra.s32 v29, $0x1;
	v59 =	vmul.f32 $5.000000000e-01, v29;
	v47 =	vld.idx.msk [tilespmem:v47+s23+$0x0], $0xffff  }
0x177: {  	v46 =	vsub.s32 $0x5F3759DF, v46;
	v48 =	vsub.s32 $0x5F3759DF, v48;
	v51 =	vsub.s32 $0x5F3759DF, v51;
	v50 =	vld.idx.msk [tilespmem:v50+s23+$0x0], $0xffff  }
0x178: {  	v54 =	vsub.s32 $0x5F3759DF, v54;
	v34 =	vsub.s32 $0x5F3759DF, v34;
	v58 =	vsub.s32 $0x5F3759DF, v58;
	v40 =	vld.idx.msk [tilespmem:v40+s23+$0x0], $0xffff  }
0x179: {  	vm2 =	vgt.f32 v44, $0.0e+00;
	v60 =	vmul.f32 v41, v43;
	v44 =	vmul.f32 v46, v49  }
0x17a: {  	vm0 =	vgt.f32 v45, $0.0e+00;
	v45 =	vmul.f32 v48, v52;
	v61 =	vmul.f32 v51, v53  }
0x17b: {  	vm1 =	vgt.f32 v37, $0.0e+00;
	v37 =	vmul.f32 v54, v56;
	v62 =	vmul.f32 v34, v57  }
0x17c: {  	vm3 =	vgt.f32 v35, $0.0e+00;
	v60 =	vmul.f32 v41, v60;
	v35 =	vmul.f32 v58, v59  }
0x17d: {  	vm4 =	vgt.f32 v39, $0.0e+00;
	v44 =	vmul.f32 v46, v44;
	v45 =	vmul.f32 v48, v45  }
0x17e: {  	v39 =	vsub.f32 $1.500000000e+00, v60;
	v37 =	vmul.f32 v54, v37;
	v60 =	vmul.f32 v51, v61  }
0x17f: {  	v44 =	vsub.f32 $1.500000000e+00, v44;
	v61 =	vmul.f32 v34, v62;
	v35 =	vmul.f32 v58, v35  }
0x180: {  	v39 =	vmul.f32 v41, v39;
	v41 =	vsub.f32 $1.500000000e+00, v45;
	v45 =	vsub.f32 $1.500000000e+00, v60  }
0x181: {  	v44 =	vmul.f32 v46, v44;
	v37 =	vsub.f32 $1.500000000e+00, v37;
	v46 =	vsub.f32 $1.500000000e+00, v61  }
0x182: {  	v41 =	vmul.f32 v48, v41;
	v35 =	vsub.f32 $1.500000000e+00, v35;
	v45 =	vmul.f32 v51, v45  }
0x183: {  	vm5 =	vgt.f32 v42, $0.0e+00;
	v37 =	vmul.f32 v54, v37;
	v46 =	vmul.f32 v34, v46  }
0x184: {  	vm6 =	vgt.f32 v36, $0.0e+00;
	v42 =	vmul.f32 v39, v43;
	v34 =	vmul.f32 v58, v35  }
0x185: {  	v28 =	vadd.f32 v28, v8;
	v8 =	vmovc v55;
	v35 =	vmul.f32 v44, v49;
	v36 =	vmul.f32 v41, v52  }
0x186: {  	v30 =	vadd.f32 v30, v9;
	v9 =	vmovc v38;
	v48 =	vmul.f32 v37, v56;
	v43 =	vmul.f32 v45, v53  }
0x187: {  	v51 =	vadd.f32 v31, v17;
	v38 =	vmul.f32 v46, v57;
	v49 =	vmul.f32 v34, v59;
	[tilespmem:s3+$0xFFFFFFE0] =	vst v28  }
0x188: {  	v31 =	vmul.f32 v35, v44;
	v28 =	vmul.f32 v42, v39;
	v42 =	vadd.f32 v32, v19;
	[tilespmem:s3+$0xFFFFFFF0] =	vst v30  }
0x189: {  	v32 =	vmul.f32 v43, v45;
	v43 =	vadd.f32 v33, v18;
	v30 =	vmul.f32 v36, v41;
	[tilespmem:s3+$0x0] =	vst v51  }
0x18a: {  	v17 =	vmovc v47;
	v35 =	vmul.f32 v38, v46;
	v33 =	vmul.f32 v48, v37;
	v28 =	vsub.f32 $1.500000000e+00, v28;
	[tilespmem:s3+$0x10] =	vst v42  }
.Ltmp1:
0x18b: {  	v31 =	vsub.f32 $1.500000000e+00, v31;
	v19 =	vmovc v50;
	v18 =	vmovc v40;
	v36 =	vmul.f32 v49, v34;
	v38 =	vsub.f32 $1.500000000e+00, v30;
	[tilespmem:s3+$0x20] =	vst v43;
	s3 =	smov.u32 s2;
	s2 =	smov.u32 s0;
	(pc) =	sbr.rel @p0 .LBB2_4-.Ltmp1, $4  }
0x18c: {  	v33 =	vsub.f32 $1.500000000e+00, v33;
	v28 =	vmul.f32 v28, v39;
	v39 =	vsub.f32 $1.500000000e+00, v32  }
0x18d: {  	v40 =	vsub.f32 $1.500000000e+00, v35;
	v30 =	vmul.f32 v31, v44;
	v36 =	vsub.f32 $1.500000000e+00, v36  }
0x18e: {  	v32 =	vmul.f32 v38, v41;
	v31 =	vmul.f32 v39, v45  }
0x18f: {  	s4 =	sadd.s32 $0x400, s4;
	v35 =	vmul.f32 v33, v37;
	v33 =	vmul.f32 v40, v46  }
0x190: {  	v26 =	vmul.f32 v28, v26;
	v28 =	vmul.f32 v36, v34  }
0x191: {  	v27 =	vmul.f32 v30, v27;
	v25 =	vmul.f32 v32, v25  }
0x192: {  	v24 =	vmul.f32 v31, v24;
	v1 =	vmul.f32 v1, v14  }
0x193: {  	v2 =	vmul.f32 v2, v11;
	v22 =	vmul.f32 v35, v22  }
0x194: {  	v28 =	vmul.f32 v28, v29;
	v29 =	vmul.f32 v26, v0  }
0x195: {  	v23 =	vmul.f32 v33, v23;
	v30 =	vmul.f32 v27, v0  }
0x196: {  	v31 =	vmul.f32 v25, v0;
	v29 =	vtrunc.f32 v29  }
0x197: {  	v30 =	vtrunc.f32 v30;
	v29 =	vcvt.f32.s32 v29  }
0x198: {  	v52 =	vmul.f32 v24, v0;
	v1 =	vadd.f32 v1, v21;
	v30 =	vcvt.f32.s32 v30  }
0x199: {  	v2 =	vadd.f32 v2, v20;
	v53 =	vmul.f32 v22, v0;
	vm7 =	vlt.s32 v29, $0x3FF  }
0x19a: {  	v31 =	vtrunc.f32 v31;
	vm8 =	vlt.s32 v30, $0x3FF;
	v29 =	vnsel vm7, $0x3FF, v29  }
0x19b: {  	v31 =	vcvt.f32.s32 v31;
	v30 =	vnsel vm8, $0x3FF, v30;
	v29 =	vnsel vm2, $0x3FF, v29  }
0x19c: {  	v54 =	vmul.f32 v23, v0;
	v32 =	vtrunc.f32 v52;
	v30 =	vnsel vm0, $0x3FF, v30  }
0x19d: {  	v33 =	vtrunc.f32 v53;
	v32 =	vcvt.f32.s32 v32;
	vm7 =	vlt.s32 v31, $0x3FF  }
0x19e: {  	v55 =	vmul.f32 v28, v0;
	v33 =	vcvt.f32.s32 v33;
	v31 =	vnsel vm7, $0x3FF, v31  }
0x19f: {  	v34 =	vtrunc.f32 v54;
	vm2 =	vlt.s32 v32, $0x3FF;
	v31 =	vnsel vm1, $0x3FF, v31  }
0x1a0: {  	v35 =	vtrunc.f32 v55;
	vm0 =	vlt.s32 v33, $0x3FF;
	v32 =	vnsel vm2, $0x3FF, v32;
	v56 =	vld.idx.msk [tilespmem:v29+s24+$0x0], $0xffff  }
0x1a1: {  	v34 =	vcvt.f32.s32 v34;
	v33 =	vnsel vm0, $0x3FF, v33;
	v32 =	vnsel vm3, $0x3FF, v32;
	v37 =	vld.idx.msk [tilespmem:v30+s24+$0x0], $0xffff  }
0x1a2: {  	[tilespmem:s3+$0xFFFFFFC0] =	vst v1;
	v1 =	vmul.f32 v7, v12;
	v35 =	vcvt.f32.s32 v35;
	v33 =	vnsel vm4, $0x3FF, v33;
	v7 =	vld.idx.msk [tilespmem:v29+s23+$0x0], $0xffff  }
0x1a3: {  	v3 =	vmul.f32 v3, v16;
	[tilespmem:s3+$0xFFFFFFD0] =	vst v2;
	vm1 =	vlt.s32 v34, $0x3FF;
	v2 =	vld.idx.msk [tilespmem:v30+s23+$0x0], $0xffff  }
0x1a4: {  	vm0 =	vlt.s32 v35, $0x3FF;
	v34 =	vnsel vm1, $0x3FF, v34;
	v38 =	vld.idx.msk [tilespmem:v31+s24+$0x0], $0xffff  }
0x1a5: {  	v3 =	vadd.f32 v3, v8;
	v35 =	vnsel vm0, $0x3FF, v35;
	v34 =	vnsel vm5, $0x3FF, v34;
	v8 =	vld.idx.msk [tilespmem:v31+s23+$0x0], $0xffff  }
0x1a6: {  	v5 =	vmul.f32 v5, v10;
	v35 =	vnsel vm6, $0x3FF, v35;
	v14 =	vld.idx.msk [tilespmem:v32+s24+$0x0], $0xffff  }
0x1a7: {  	v11 =	vld.idx.msk [tilespmem:v33+s24+$0x0], $0xffff  }
0x1a8: {  	v6 =	vmul.f32 v6, v13;
	v5 =	vadd.f32 v5, v9;
	[tilespmem:s3+$0xFFFFFFE0] =	vst v3;
	v3 =	vld.idx.msk [tilespmem:v32+s23+$0x0], $0xffff  }
0x1a9: {  	v4 =	vmul.f32 v4, v15;
	v1 =	vadd.f32 v1, v17;
	v9 =	vld.idx.msk [tilespmem:v33+s23+$0x0], $0xffff  }
0x1aa: {  	[tilespmem:s3+$0xFFFFFFF0] =	vst v5;
	v5 =	vadd.f32 v6, v19;
	v16 =	vld.idx.msk [tilespmem:v34+s24+$0x0], $0xffff;
	v6 =	vmul.f32 v26, v56  }
0x1ab: {  	[tilespmem:s3+$0x0] =	vst v1;
	v1 =	vadd.f32 v4, v18;
	v10 =	vld.idx.msk [tilespmem:v35+s24+$0x0], $0xffff;
	v4 =	vmul.f32 v27, v37  }
0x1ac: {  	[tilespmem:s3+$0x10] =	vst v5;
	v12 =	vld.idx.msk [tilespmem:v34+s23+$0x0], $0xffff;
	v5 =	vadd.f32 v6, v7;
	v6 =	vmul.f32 v25, v38  }
0x1ad: {  	[tilespmem:s3+$0x20] =	vst v1;
	v7 =	vld.idx.msk [tilespmem:v35+s23+$0x0], $0xffff;
	v1 =	vadd.f32 v4, v2;
	v2 =	vmul.f32 v24, v14  }
0x1ae: {  	v4 =	vmul.f32 v22, v11;
	[tilespmem:s2+$0xFFFFFFC0] =	vst v5;
	v5 =	vadd.f32 v6, v8  }
0x1af: {  	v6 =	vmul.f32 v23, v16;
	[tilespmem:s2+$0xFFFFFFD0] =	vst v1;
	v1 =	vadd.f32 v2, v3  }
0x1b0: {  	v2 =	vmul.f32 v28, v10;
	v3 =	vadd.f32 v4, v9;
	[tilespmem:s2+$0xFFFFFFE0] =	vst v5  }
0x1b1: {  	[tilespmem:s2+$0xFFFFFFF0] =	vst v1;
	v1 =	vadd.f32 v6, v12  }
0x1b2: {  	[tilespmem:s2+$0x0] =	vst v3;
	v2 =	vadd.f32 v2, v7  }
0x1b3: {  	[tilespmem:s2+$0x10] =	vst v1  }
0x1b4: {  	[tilespmem:s2+$0x20] =	vst v2  }
0x1b5: {  	[hbm4b:s9+s6] =	stream.linear.scatter [tilespmem:s25], [sflag:$0x3], $0x1000, $0x38;
	[tilespmem:$0x13480] =	vst v63  }
0x1b6: {  	_ = 	snop  }
0x1b7: {  	[tilespmem:s6], [sflag:$0x1] =	stream.linear.gather [hbm4b:s10+s6], $0x8000, $0x38;
	[tilespmem:$0x13480] =	vst v63  }
0x1b8: {  	_ =	swait.ge [sflag:s26], $0x8000  }
0x1b9: {  	[sflag:s26] =	ssyncset.done $0x0  }
0x1ba: {  	s0 =	simm.s32 $0x8200;
	[sflag:s26] =	ssyncadd.s32 $0xFFFF8000  }
0x1bb: {  	v1 =	vld [tilespmem:s0+$0xFFFFFE70]  }
0x1bc: {  	v2 =	vld [tilespmem:s0+$0xFFFFFEF0]  }
0x1bd: {  	v3 =	vld [tilespmem:s0+$0xFFFFFE80]  }
0x1be: {  	v4 =	vld [tilespmem:s0+$0xFFFFFF70]  }
0x1bf: {  	v5 =	vld [tilespmem:s0+$0xFFFFFE10]  }
0x1c0: {  	v6 =	vld [tilespmem:s0+$0xFFFFFFF0]  }
0x1c1: {  	v7 =	vld [tilespmem:s0+$0xFFFFFE90]  }
0x1c2: {  	v8 =	vld [tilespmem:s0+$0x70]  }
0x1c3: {  	v9 =	vld [tilespmem:s0+$0xFFFFFE20]  }
0x1c4: {  	v10 =	vld [tilespmem:s0+$0xFFFFFEA0]  }
0x1c5: {  	v11 =	vld [tilespmem:s0+$0xFFFFFE30]  }
0x1c6: {  	v12 =	vld [tilespmem:s0+$0xFFFFFEB0]  }
0x1c7: {  	v13 =	vld [tilespmem:s0+$0xFFFFFEC0];
	v1 =	vmul.f32 v1, v1;
	v2 =	vmul.f32 v2, v2  }
0x1c8: {  	v14 =	vld [tilespmem:s0+$0xFFFFFED0]  }
0x1c9: {  	v15 =	vld [tilespmem:s0+$0xFFFFFEE0];
	v1 =	vadd.f32 v2, v1;
	v2 =	vmul.f32 v4, v4  }
0x1ca: {  	v4 =	vld [tilespmem:s0+$0xF0]  }
0x1cb: {  	v16 =	vld [tilespmem:s0+$0xFFFFFF00];
	v1 =	vadd.f32 v2, v1;
	v2 =	vmul.f32 v6, v6  }
0x1cc: {  	v6 =	vld [tilespmem:s0+$0x170]  }
0x1cd: {  	v18 =	vld [tilespmem:s0+$0xFFFFFF10];
	v1 =	vadd.f32 v2, v1;
	v2 =	vmul.f32 v8, v8  }
0x1ce: {  	v8 =	vld [tilespmem:s0+$0x1F0]  }
0x1cf: {  	v21 =	vld [tilespmem:s0+$0xFFFFFF20];
	v1 =	vadd.f32 v2, v1;
	v2 =	vmul.f32 v4, v4  }
0x1d0: {  	v22 =	vld [tilespmem:s0+$0xFFFFFF30]  }
0x1d1: {  	v24 =	vld [tilespmem:s0+$0xFFFFFF40];
	v1 =	vadd.f32 v2, v1;
	v2 =	vmul.f32 v6, v6  }
0x1d2: {  	v25 =	vld [tilespmem:s0+$0xFFFFFF50]  }
0x1d3: {  	v26 =	vld [tilespmem:s0+$0xFFFFFF60];
	v1 =	vadd.f32 v2, v1;
	v2 =	vmul.f32 v8, v8  }
0x1d4: {  	v3 =	vmul.f32 v3, v3;
	v4 =	vld [tilespmem:s0+$0xFFFFFE40]  }
0x1d5: {  	v27 =	vld [tilespmem:s0+$0xFFFFFF80];
	v5 =	vmul.f32 v5, v5;
	v7 =	vmul.f32 v7, v7;
	v1 =	vadd.f32 v2, v1  }
0x1d6: {  	v9 =	vmul.f32 v9, v9;
	v10 =	vmul.f32 v10, v10;
	v8 =	vld [tilespmem:s0+$0xFFFFFE60]  }
0x1d7: {  	v11 =	vmul.f32 v11, v11;
	v12 =	vmul.f32 v12, v12;
	v6 =	vld [tilespmem:s0+$0xFFFFFE50];
	v17 =	vmax.f32 v1, $1.000000000e-30  }
0x1d8: {  	v5 =	vadd.f32 v7, v5;
	v2 =	vld [tilespmem:s0+$0xFFFFFE00];
	v19 =	vshra.s32 v17, $0x1;
	v20 =	vmul.f32 $5.000000000e-01, v17  }
0x1d9: {  	v28 =	vld [tilespmem:s0+$0xFFFFFF90];
	v7 =	vmul.f32 v13, v13;
	v4 =	vmul.f32 v4, v4;
	v19 =	vsub.s32 $0x5F3759DF, v19  }
0x1da: {  	v16 =	vmul.f32 v16, v16;
	v13 =	vld [tilespmem:s0+$0xFFFFFFC0];
	v9 =	vadd.f32 v10, v9;
	v23 =	vmul.f32 v19, v20  }
0x1db: {  	v29 =	vld [tilespmem:s0+$0xFFFFFFA0];
	v10 =	vmul.f32 v14, v14;
	v4 =	vadd.f32 v7, v4;
	v7 =	vmul.f32 v8, v8  }
0x1dc: {  	s18 =	simm.s32 $0x8600;
	v11 =	vadd.f32 v12, v11;
	v12 =	vld [tilespmem:s0+$0xFFFFFFE0];
	v8 =	vmul.f32 v15, v15;
	v23 =	vmul.f32 v19, v23  }
0x1dd: {  	v46 =	vld [tilespmem:s18+$0xFFFFFF90];
	v6 =	vmul.f32 v6, v6;
	v2 =	vmul.f32 v2, v2  }
0x1de: {  	v14 =	vld [tilespmem:s0+$0xFFFFFFD0];
	v7 =	vadd.f32 v8, v7;
	v8 =	vmul.f32 v18, v18;
	v23 =	vsub.f32 $1.500000000e+00, v23  }
0x1df: {  	v13 =	vmul.f32 v13, v13;
	v15 =	vld [tilespmem:s0+$0x0];
	v6 =	vadd.f32 v10, v6;
	v2 =	vadd.f32 v3, v2  }
0x1e0: {  	v10 =	vld [tilespmem:s0+$0x20];
	v5 =	vadd.f32 v8, v5;
	v8 =	vmul.f32 v22, v22;
	v19 =	vmul.f32 v19, v23  }
0x1e1: {  	v12 =	vmul.f32 v12, v12;
	v18 =	vmul.f32 v21, v21;
	v3 =	vld [tilespmem:s0+$0x10];
	v2 =	vadd.f32 v16, v2  }
0x1e2: {  	v16 =	vld [tilespmem:s0+$0x30];
	v8 =	vadd.f32 v8, v11;
	v11 =	vmul.f32 v26, v26;
	v20 =	vmul.f32 v19, v20  }
0x1e3: {  	v21 =	vld [tilespmem:s0+$0x40];
	v9 =	vadd.f32 v18, v9;
	v18 =	vmul.f32 v25, v25;
	v25 =	vmul.f32 v28, v28  }
0x1e4: {  	v22 =	vld [tilespmem:s0+$0x50];
	v7 =	vadd.f32 v11, v7;
	v11 =	vmul.f32 v29, v29;
	v20 =	vmul.f32 v20, v19  }
0x1e5: {  	v15 =	vmul.f32 v15, v15;
	v10 =	vmul.f32 v10, v10;
	v6 =	vadd.f32 v18, v6;
	v18 =	vld [tilespmem:s0+$0x80]  }
0x1e6: {  	v26 =	vld [tilespmem:s0+$0x90];
	v3 =	vmul.f32 v3, v3;
	v9 =	vadd.f32 v11, v9;
	v20 =	vsub.f32 $1.500000000e+00, v20  }
0x1e7: {  	v23 =	vld [tilespmem:s0+$0xFFFFFFB0];
	v11 =	vmul.f32 v14, v14;
	v7 =	vadd.f32 v12, v7;
	v12 =	vmul.f32 v16, v16  }
0x1e8: {  	v5 =	vadd.f32 v25, v5;
	v25 =	vld [tilespmem:s0+$0xB0];
	v19 =	vmul.f32 v20, v19;
	v20 =	vmul.f32 v24, v24  }
0x1e9: {  	v14 =	vld [tilespmem:s0+$0xC0];
	v6 =	vadd.f32 v11, v6;
	v9 =	vadd.f32 v10, v9;
	v10 =	vmul.f32 v22, v22  }
0x1ea: {  	v16 =	vld [tilespmem:s0+$0x110];
	v3 =	vadd.f32 v3, v5;
	v4 =	vadd.f32 v20, v4;
	v20 =	vmul.f32 v27, v27  }
0x1eb: {  	v5 =	vmul.f32 v21, v21;
	v6 =	vadd.f32 v10, v6;
	v17 =	vmul.f32 v19, v17;
	v19 =	vld [tilespmem:s0+$0x60]  }
0x1ec: {  	v11 =	vld [tilespmem:s0+$0x100];
	v10 =	vmul.f32 v26, v26;
	v2 =	vadd.f32 v20, v2;
	v20 =	vmul.f32 v23, v23  }
0x1ed: {  	v18 =	vmul.f32 v18, v18;
	v24 =	vmul.f32 v17, v0;
	v23 =	vld [tilespmem:s0+$0xA0];
	v4 =	vadd.f32 v13, v4  }
0x1ee: {  	v3 =	vadd.f32 v10, v3;
	v10 =	vmul.f32 v14, v14;
	v13 =	vld [tilespmem:s0+$0xD0];
	v8 =	vadd.f32 v20, v8  }
0x1ef: {  	v24 =	vtrunc.f32 v24;
	v20 =	vld [tilespmem:s0+$0xE0];
	v2 =	vadd.f32 v15, v2;
	v4 =	vadd.f32 v5, v4  }
0x1f0: {  	v15 =	vld [tilespmem:s0+$0x120];
	v24 =	vcvt.f32.s32 v24;
	v5 =	vmul.f32 v19, v19;
	v8 =	vadd.f32 v12, v8  }
0x1f1: {  	v19 =	vld [tilespmem:s0+$0x140];
	v2 =	vadd.f32 v18, v2;
	v4 =	vadd.f32 v10, v4  }
0x1f2: {  	v12 =	vld [tilespmem:s0+$0x130];
	vm0 =	vlt.s32 v24, $0x3FF;
	v5 =	vadd.f32 v5, v7;
	v7 =	vmul.f32 v25, v25  }
0x1f3: {  	v18 =	vld [tilespmem:s0+$0x150];
	v21 =	vmul.f32 v23, v23;
	v24 =	vnsel vm0, $0x3FF, v24;
	vm0 =	vgt.f32 v1, $0.0e+00  }
0x1f4: {  	v7 =	vadd.f32 v7, v8;
	v8 =	vmul.f32 v13, v13;
	v13 =	vmul.f32 v20, v20;
	v20 =	vld [tilespmem:s0+$0x180]  }
0x1f5: {  	v14 =	vld [tilespmem:s0+$0x160];
	v10 =	vmul.f32 v11, v11;
	v11 =	vmul.f32 v16, v16;
	v1 =	vnsel vm0, $0x3FF, v24  }
0x1f6: {  	v16 =	vld [tilespmem:s0+$0x190];
	v9 =	vadd.f32 v21, v9;
	v6 =	vadd.f32 v8, v6;
	v8 =	vmul.f32 v15, v15  }
0x1f7: {  	v2 =	vadd.f32 v10, v2;
	v5 =	vadd.f32 v13, v5;
	v13 =	vld [tilespmem:s0+$0x1A0];
	v10 =	vmul.f32 v12, v12  }
0x1f8: {  	v3 =	vadd.f32 v11, v3;
	v11 =	vld [tilespmem:s0+$0x1B0];
	v8 =	vadd.f32 v8, v9;
	v9 =	vmul.f32 v19, v19  }
0x1f9: {  	v12 =	vmul.f32 v18, v18;
	v15 =	vld [tilespmem:s0+$0x1C0];
	v7 =	vadd.f32 v10, v7;
	v10 =	vmul.f32 v20, v20  }
0x1fa: {  	v22 =	vld.idx.msk [tilespmem:v1+s24+$0x0], $0xffff;
	v4 =	vadd.f32 v9, v4;
	v9 =	vmul.f32 v14, v14  }
0x1fb: {  	v18 =	vld [tilespmem:s0+$0x1D0];
	v6 =	vadd.f32 v12, v6;
	v14 =	vmul.f32 v16, v16;
	v12 =	vadd.f32 v10, v2  }
0x1fc: {  	v50 =	vmul.f32 v46, v46;
	v16 =	vld [tilespmem:s0+$0x1E0];
	v2 =	vmul.f32 v13, v13;
	v5 =	vadd.f32 v9, v5  }
0x1fd: {  	v13 =	vadd.f32 v14, v3;
	v3 =	vmul.f32 v11, v11;
	v11 =	vmax.f32 v12, $1.000000000e-30  }
0x1fe: {  	v14 =	vadd.f32 v2, v8;
	v2 =	vmul.f32 v15, v15;
	vm0 =	vgt.f32 v12, $0.0e+00  }
0x1ff: {  	v17 =	vmul.f32 v17, v22;
	v15 =	vmax.f32 v13, $1.000000000e-30;
	v19 =	vadd.f32 v3, v7  }
0x200: {  	v3 =	vmul.f32 v18, v18;
	v7 =	vmax.f32 v14, $1.000000000e-30;
	v10 =	vadd.f32 v2, v4  }
0x201: {  	v2 =	vmul.f32 v16, v16;
	v4 =	vshra.s32 v11, $0x1;
	v16 =	vmax.f32 v19, $1.000000000e-30  }
0x202: {  	v9 =	vadd.f32 v3, v6;
	v3 =	vmul.f32 $5.000000000e-01, v11;
	v18 =	vshra.s32 v7, $0x1  }
0x203: {  	v12 =	vld [tilespmem:s18+$0x70];
	v21 =	vmul.f32 $5.000000000e-01, v7;
	v4 =	vsub.s32 $0x5F3759DF, v4;
	v6 =	vmax.f32 v10, $1.000000000e-30  }
0x204: {  	v8 =	vadd.f32 v2, v5;
	v2 =	vshra.s32 v15, $0x1;
	v5 =	vmul.f32 $5.000000000e-01, v15  }
0x205: {  	v23 =	vshra.s32 v16, $0x1;
	v24 =	vmul.f32 $5.000000000e-01, v16;
	v18 =	vsub.s32 $0x5F3759DF, v18  }
0x206: {  	v20 =	vmax.f32 v9, $1.000000000e-30;
	v25 =	vshra.s32 v6, $0x1;
	v26 =	vmul.f32 $5.000000000e-01, v6  }
0x207: {  	v2 =	vsub.s32 $0x5F3759DF, v2;
	v23 =	vsub.s32 $0x5F3759DF, v23;
	v31 =	vmul.f32 v4, v3  }
0x208: {  	v58 =	vmul.f32 v18, v21;
	v12 =	vmul.f32 v12, v12;
	v22 =	vmax.f32 v8, $1.000000000e-30  }
0x209: {  	v27 =	vshra.s32 v20, $0x1;
	v28 =	vmul.f32 $5.000000000e-01, v20;
	v57 =	vmul.f32 v2, v5  }
0x20a: {  	v25 =	vsub.s32 $0x5F3759DF, v25;
	v59 =	vmul.f32 v23, v24;
	v30 =	vmul.f32 $5.000000000e-01, v22  }
0x20b: {  	v27 =	vsub.s32 $0x5F3759DF, v27;
	v60 =	vmul.f32 v25, v26;
	v31 =	vmul.f32 v4, v31  }
0x20c: {  	v43 =	vld [tilespmem:s18+$0xFFFFFF20];
	v29 =	vshra.s32 v22, $0x1;
	v33 =	vmul.f32 v18, v58;
	v61 =	vmul.f32 v27, v28  }
0x20d: {  	v47 =	vld [tilespmem:s18+$0xFFFFFFB0];
	v29 =	vsub.s32 $0x5F3759DF, v29;
	v32 =	vmul.f32 v2, v57;
	v34 =	vmul.f32 v23, v59  }
0x20e: {  	v62 =	vmul.f32 v29, v30;
	v31 =	vsub.f32 $1.500000000e+00, v31;
	v35 =	vmul.f32 v25, v60  }
0x20f: {  	v32 =	vsub.f32 $1.500000000e+00, v32;
	v36 =	vmul.f32 v27, v61;
	v63 =	vsub.f32 $1.500000000e+00, v34  }
0x210: {  	v37 =	vmul.f32 v29, v62;
	v4 =	vmul.f32 v4, v31;
	v31 =	vsub.f32 $1.500000000e+00, v33  }
0x211: {  	v38 =	vsub.f32 $1.500000000e+00, v35;
	v35 =	vmul.f32 v43, v43;
	v2 =	vmul.f32 v2, v32  }
0x212: {  	v39 =	vsub.f32 $1.500000000e+00, v36;
	v23 =	vmul.f32 v23, v63;
	v32 =	vmul.f32 v47, v47  }
0x213: {  	v18 =	vmul.f32 v18, v31;
	v25 =	vmul.f32 v25, v38  }
0x214: {  	v31 =	vsub.f32 $1.500000000e+00, v37;
	v3 =	vmul.f32 v4, v3;
	v27 =	vmul.f32 v27, v39  }
0x215: {  	v5 =	vmul.f32 v2, v5;
	v24 =	vmul.f32 v23, v24  }
0x216: {  	v29 =	vmul.f32 v29, v31;
	v21 =	vmul.f32 v18, v21  }
0x217: {  	v26 =	vmul.f32 v25, v26;
	v3 =	vmul.f32 v3, v4  }
0x218: {  	v28 =	vmul.f32 v27, v28;
	v5 =	vmul.f32 v5, v2  }
0x219: {  	v24 =	vmul.f32 v24, v23;
	v21 =	vmul.f32 v21, v18  }
0x21a: {  	v30 =	vmul.f32 v29, v30;
	v3 =	vsub.f32 $1.500000000e+00, v3;
	v26 =	vmul.f32 v26, v25  }
0x21b: {  	v31 =	vld.idx.msk [tilespmem:v1+s23+$0x0], $0xffff;
	v28 =	vmul.f32 v28, v27;
	v1 =	vsub.f32 $1.500000000e+00, v5;
	v5 =	vsub.f32 $1.500000000e+00, v21  }
0x21c: {  	v21 =	vmul.f32 v30, v29;
	v3 =	vmul.f32 v3, v4;
	v4 =	vsub.f32 $1.500000000e+00, v24  }
0x21d: {  	v24 =	vsub.f32 $1.500000000e+00, v26;
	v26 =	vld [tilespmem:s18+$0xFFFFFE70];
	v2 =	vmul.f32 v1, v2;
	v1 =	vsub.f32 $1.500000000e+00, v28  }
0x21e: {  	v28 =	vld [tilespmem:s18+$0xFFFFFEF0];
	v5 =	vmul.f32 v5, v18;
	v4 =	vmul.f32 v4, v23  }
0x21f: {  	v18 =	vsub.f32 $1.500000000e+00, v21;
	v21 =	vmul.f32 v24, v25;
	v24 =	vmul.f32 v1, v27  }
0x220: {  	v1 =	vmul.f32 v3, v11;
	v11 =	vld [tilespmem:s18+$0xFFFFFF70];
	v2 =	vmul.f32 v2, v15  }
0x221: {  	v25 =	vmul.f32 v18, v29;
	v3 =	vmul.f32 v5, v7  }
0x222: {  	vm1 =	vgt.f32 v13, $0.0e+00;
	v5 =	vmul.f32 v4, v16;
	v16 =	vld [tilespmem:s18+$0xFFFFFFF0];
	v7 =	vmul.f32 v21, v6  }
0x223: {  	vm2 =	vgt.f32 v14, $0.0e+00;
	v23 =	vld [tilespmem:s18+$0xFFFFFE80];
	v26 =	vmul.f32 v26, v26;
	v27 =	vmul.f32 v28, v28  }
0x224: {  	vm3 =	vgt.f32 v19, $0.0e+00;
	v15 =	vld [tilespmem:s18+$0xFFFFFE10];
	v6 =	vmul.f32 v24, v20;
	v13 =	vmul.f32 v1, v0  }
0x225: {  	v4 =	vmul.f32 v25, v22;
	v21 =	vadd.f32 v27, v26;
	v11 =	vmul.f32 v11, v11  }
0x226: {  	v18 =	vadd.f32 v17, v31;
	v24 =	vld [tilespmem:s18+$0xF0];
	v22 =	vmul.f32 v2, v0;
	v25 =	vmul.f32 v3, v0  }
0x227: {  	v17 =	vld [tilespmem:s18+$0xFFFFFE90];
	v14 =	vmul.f32 v5, v0;
	v16 =	vmul.f32 v16, v16;
	v11 =	vadd.f32 v11, v21  }
0x228: {  	vm4 =	vgt.f32 v10, $0.0e+00;
	v10 =	vtrunc.f32 v13;
	v21 =	vmul.f32 v23, v23;
	v23 =	vld [tilespmem:s18+$0x170]  }
0x229: {  	v40 =	vld [tilespmem:s18+$0xFFFFFF10];
	v27 =	vmul.f32 v7, v0;
	v15 =	vmul.f32 v15, v15;
	v11 =	vadd.f32 v16, v11  }
0x22a: {  	v19 =	vld [tilespmem:s18+$0x1F0];
	vm5 =	vgt.f32 v9, $0.0e+00;
	v29 =	vmul.f32 v4, v0;
	v22 =	vtrunc.f32 v22  }
0x22b: {  	v20 =	vld [tilespmem:s18+$0xFFFFFE20];
	v9 =	vtrunc.f32 v25;
	v11 =	vadd.f32 v12, v11;
	v12 =	vmul.f32 v24, v24  }
0x22c: {  	v45 =	vld [tilespmem:s18+$0xFFFFFF40];
	v14 =	vtrunc.f32 v14;
	v10 =	vcvt.f32.s32 v10  }
0x22d: {  	v48 =	vld [tilespmem:s18+$0xFFFFFFC0];
	v13 =	vmul.f32 v17, v17;
	v11 =	vadd.f32 v12, v11;
	v12 =	vmul.f32 v23, v23  }
0x22e: {  	v49 =	vld [tilespmem:s18+$0xFFFFFFE0];
	v22 =	vcvt.f32.s32 v22;
	v9 =	vcvt.f32.s32 v9  }
0x22f: {  	v57 =	vld [tilespmem:s18+$0x110];
	v14 =	vcvt.f32.s32 v14;
	v11 =	vadd.f32 v12, v11;
	v12 =	vmul.f32 v19, v19  }
0x230: {  	vm6 =	vgt.f32 v8, $0.0e+00;
	v30 =	vld [tilespmem:s18+$0xFFFFFEB0];
	v20 =	vmul.f32 v20, v20;
	v8 =	vtrunc.f32 v27  }
0x231: {  	v25 =	vld [tilespmem:s18+$0xFFFFFED0];
	v27 =	vtrunc.f32 v29;
	vm7 =	vlt.s32 v10, $0x3FF;
	v11 =	vadd.f32 v12, v11  }
0x232: {  	v26 =	vld [tilespmem:s18+$0xFFFFFEA0];
	v8 =	vcvt.f32.s32 v8;
	vm13 =	vlt.s32 v22, $0x3FF;
	v27 =	vcvt.f32.s32 v27  }
0x233: {  	v28 =	vld [tilespmem:s18+$0xFFFFFE30];
	vm12 =	vlt.s32 v9, $0x3FF;
	vm10 =	vlt.s32 v14, $0x3FF;
	v31 =	vmax.f32 v11, $1.000000000e-30  }
0x234: {  	v17 =	vld [tilespmem:s18+$0xFFFFFE40];
	v10 =	vnsel vm7, $0x3FF, v10;
	v41 =	vshra.s32 v31, $0x1;
	v42 =	vmul.f32 $5.000000000e-01, v31  }
0x235: {  	v16 =	vmul.f32 v6, v0;
	v22 =	vnsel vm13, $0x3FF, v22;
	v24 =	vld [tilespmem:s18+$0xFFFFFEC0];
	v33 =	vsub.s32 $0x5F3759DF, v41  }
0x236: {  	v9 =	vnsel vm12, $0x3FF, v9;
	v25 =	vmul.f32 v25, v25;
	v23 =	vld [tilespmem:s18+$0xFFFFFE50];
	v44 =	vmul.f32 v33, v42  }
0x237: {  	v60 =	vnsel vm1, $0x3FF, v22;
	v22 =	vmul.f32 v57, v57;
	v19 =	vmul.f32 v26, v26;
	v26 =	vld [tilespmem:s18+$0xFFFFFE60]  }
0x238: {  	v29 =	vld [tilespmem:s18+$0xFFFFFEE0];
	v14 =	vnsel vm10, $0x3FF, v14;
	v16 =	vtrunc.f32 v16;
	v36 =	vmul.f32 v33, v44  }
0x239: {  	v17 =	vmul.f32 v17, v17;
	v12 =	vadd.f32 v13, v15;
	v13 =	vmul.f32 v28, v28;
	v15 =	vld [tilespmem:s18+$0xFFFFFE00]  }
0x23a: {  	v51 =	vld [tilespmem:s18+$0x50];
	v19 =	vadd.f32 v19, v20;
	v20 =	vmul.f32 v24, v24;
	v36 =	vsub.f32 $1.500000000e+00, v36  }
0x23b: {  	vm11 =	vlt.s32 v8, $0x3FF;
	v28 =	vmul.f32 v30, v30;
	v30 =	vld [tilespmem:s18+$0xFFFFFF00];
	v23 =	vmul.f32 v23, v23  }
0x23c: {  	v17 =	vadd.f32 v20, v17;
	v20 =	vmul.f32 v26, v26;
	v26 =	vld [tilespmem:s18+$0xFFFFFF60];
	v33 =	vmul.f32 v33, v36  }
0x23d: {  	v16 =	vcvt.f32.s32 v16;
	v23 =	vadd.f32 v25, v23;
	v25 =	vmul.f32 v29, v29;
	v29 =	vld [tilespmem:s18+$0xFFFFFF80]  }
0x23e: {  	vm9 =	vlt.s32 v27, $0x3FF;
	v24 =	vld [tilespmem:s18+$0xFFFFFF30];
	v15 =	vmul.f32 v15, v15;
	v34 =	vmul.f32 v33, v42  }
0x23f: {  	vm8 =	vlt.s32 v16, $0x3FF;
	v13 =	vadd.f32 v28, v13;
	v20 =	vadd.f32 v25, v20;
	v25 =	vld [tilespmem:s18+$0xFFFFFFA0]  }
0x240: {  	v28 =	vld [tilespmem:s18+$0xFFFFFF50];
	v30 =	vmul.f32 v30, v30;
	v15 =	vadd.f32 v21, v15;
	v34 =	vmul.f32 v34, v33  }
0x241: {  	v52 =	vld [tilespmem:s18+$0x60];
	v19 =	vadd.f32 v35, v19;
	v21 =	vmul.f32 v40, v40;
	v26 =	vmul.f32 v26, v26  }
0x242: {  	v53 =	vld [tilespmem:s18+$0x80];
	v29 =	vmul.f32 v29, v29;
	v15 =	vadd.f32 v30, v15;
	v34 =	vsub.f32 $1.500000000e+00, v34  }
0x243: {  	v12 =	vadd.f32 v21, v12;
	v21 =	vmul.f32 v24, v24;
	v24 =	vld [tilespmem:s18+$0xFFFFFFD0];
	v30 =	vmul.f32 v45, v45  }
0x244: {  	v20 =	vadd.f32 v26, v20;
	v26 =	vld [tilespmem:s18+$0x30];
	v25 =	vmul.f32 v25, v25;
	v33 =	vmul.f32 v34, v33  }
0x245: {  	v13 =	vadd.f32 v21, v13;
	v21 =	vmul.f32 v28, v28;
	v28 =	vld [tilespmem:s18+$0x0];
	v17 =	vadd.f32 v30, v17  }
0x246: {  	v30 =	vld [tilespmem:s18+$0x10];
	v15 =	vadd.f32 v29, v15;
	v12 =	vadd.f32 v50, v12;
	v31 =	vmul.f32 v33, v31  }
0x247: {  	v55 =	vld [tilespmem:s18+$0x90];
	v19 =	vadd.f32 v25, v19;
	v25 =	vmul.f32 v48, v48;
	v21 =	vadd.f32 v21, v23  }
0x248: {  	v23 =	vld [tilespmem:s18+$0x20];
	v13 =	vadd.f32 v32, v13;
	v24 =	vmul.f32 v24, v24;
	v54 =	vmul.f32 v31, v0  }
0x249: {  	v56 =	vld [tilespmem:s18+$0xE0];
	v17 =	vadd.f32 v25, v17;
	v25 =	vmul.f32 v49, v49;
	v26 =	vmul.f32 v26, v26  }
0x24a: {  	v29 =	vld [tilespmem:s18+$0x40];
	v28 =	vmul.f32 v28, v28;
	v21 =	vadd.f32 v24, v21;
	v36 =	vtrunc.f32 v54  }
0x24b: {  	v58 =	vld [tilespmem:s18+$0x120];
	v30 =	vmul.f32 v30, v30;
	v20 =	vadd.f32 v25, v20;
	v36 =	vcvt.f32.s32 v36  }
0x24c: {  	v24 =	vld [tilespmem:s18+$0xA0];
	v13 =	vadd.f32 v26, v13;
	v26 =	vmul.f32 v51, v51;
	v15 =	vadd.f32 v28, v15  }
0x24d: {  	v23 =	vmul.f32 v23, v23;
	v28 =	vld [tilespmem:s18+$0xC0];
	v12 =	vadd.f32 v30, v12;
	vm7 =	vlt.s32 v36, $0x3FF  }
0x24e: {  	v25 =	vld [tilespmem:s18+$0xB0];
	v21 =	vadd.f32 v26, v21;
	v26 =	vmul.f32 v55, v55;
	v36 =	vnsel vm7, $0x3FF, v36  }
0x24f: {  	v59 =	vld [tilespmem:s18+$0x130];
	vm7 =	vgt.f32 v11, $0.0e+00;
	v11 =	vadd.f32 v23, v19;
	v19 =	vmul.f32 v29, v29  }
0x250: {  	v16 =	vnsel vm8, $0x3FF, v16;
	v30 =	vld [tilespmem:s18+$0xD0];
	v33 =	vmul.f32 v52, v52;
	v12 =	vadd.f32 v26, v12  }
0x251: {  	v24 =	vmul.f32 v24, v24;
	v23 =	vld [tilespmem:s18+$0x100];
	v17 =	vadd.f32 v19, v17;
	v19 =	vmul.f32 v53, v53  }
0x252: {  	v26 =	vmul.f32 v28, v28;
	v12 =	vadd.f32 v22, v12;
	v22 =	vld [tilespmem:s18+$0x1A0];
	v29 =	vnsel vm7, $0x3FF, v36  }
0x253: {  	v36 =	vnsel vm5, $0x3FF, v16;
	v16 =	vld [tilespmem:s18+$0x1C0];
	v15 =	vadd.f32 v19, v15;
	v19 =	vmul.f32 v25, v25  }
0x254: {  	v9 =	vnsel vm2, $0x3FF, v9;
	v20 =	vadd.f32 v33, v20;
	v11 =	vadd.f32 v24, v11;
	v24 =	vld [tilespmem:s18+$0x150]  }
0x255: {  	v25 =	vld [tilespmem:s18+$0x140];
	v17 =	vadd.f32 v26, v17;
	v26 =	vmul.f32 v56, v56;
	v13 =	vadd.f32 v19, v13  }
0x256: {  	v19 =	vmul.f32 v30, v30;
	v30 =	vnsel vm0, $0x3FF, v10;
	v10 =	vmul.f32 v23, v23;
	v23 =	vld [tilespmem:s18+$0x180]  }
0x257: {  	v8 =	vnsel vm11, $0x3FF, v8;
	v27 =	vnsel vm9, $0x3FF, v27;
	v20 =	vadd.f32 v26, v20;
	v26 =	vld [tilespmem:s18+$0x190]  }
0x258: {  	v37 =	vnsel vm6, $0x3FF, v27;
	v32 =	vnsel vm3, $0x3FF, v14;
	v14 =	vmul.f32 v59, v59;
	v28 =	vld.idx.msk [tilespmem:v29+s24+$0x0], $0xffff  }
0x259: {  	v19 =	vadd.f32 v19, v21;
	v21 =	vld [tilespmem:s18+$0x160];
	v10 =	vadd.f32 v10, v15;
	v15 =	vmul.f32 v58, v58  }
0x25a: {  	v33 =	vnsel vm4, $0x3FF, v8;
	v29 =	vld.idx.msk [tilespmem:v29+s23+$0x0], $0xffff;
	v13 =	vadd.f32 v14, v13;
	v14 =	vmul.f32 v24, v24  }
0x25b: {  	v22 =	vmul.f32 v22, v22;
	v8 =	vadd.f32 v15, v11;
	v11 =	vmul.f32 v25, v25;
	v15 =	vld [tilespmem:s18+$0x1B0]  }
0x25c: {  	v14 =	vadd.f32 v14, v19;
	v19 =	vmul.f32 v23, v23;
	v24 =	vmul.f32 v26, v26  }
0x25d: {  	v11 =	vadd.f32 v11, v17;
	v17 =	vmul.f32 v31, v28;
	v8 =	vadd.f32 v22, v8  }
0x25e: {  	v16 =	vmul.f32 v16, v16;
	v23 =	vld [tilespmem:s18+$0x1D0];
	v21 =	vmul.f32 v21, v21;
	v10 =	vadd.f32 v19, v10  }
0x25f: {  	v12 =	vadd.f32 v24, v12;
	v38 =	vadd.f32 v17, v29;
	v25 =	vmax.f32 v8, $1.000000000e-30  }
0x260: {  	v17 =	vld [tilespmem:s18+$0x1E0];
	vm1 =	vgt.f32 v8, $0.0e+00;
	v15 =	vmul.f32 v15, v15;
	v19 =	vadd.f32 v21, v20  }
0x261: {  	v26 =	vmax.f32 v10, $1.000000000e-30;
	v27 =	vmax.f32 v12, $1.000000000e-30;
	v20 =	vadd.f32 v16, v11  }
0x262: {  	v21 =	vmul.f32 $5.000000000e-01, v25;
	vm2 =	vgt.f32 v10, $0.0e+00;
	v16 =	vshra.s32 v26, $0x1  }
0x263: {  	v15 =	vadd.f32 v15, v13;
	v13 =	vmul.f32 v23, v23;
	v22 =	vmax.f32 v20, $1.000000000e-30  }
0x264: {  	v16 =	vsub.s32 $0x5F3759DF, v16;
	v61 =	vshra.s32 v22, $0x1;
	v40 =	vmul.f32 $5.000000000e-01, v22  }
0x265: {  	v11 =	vmul.f32 v17, v17;
	v24 =	vmax.f32 v15, $1.000000000e-30;
	v17 =	vadd.f32 v13, v14  }
0x266: {  	v13 =	vmul.f32 $5.000000000e-01, v26;
	v14 =	vshra.s32 v25, $0x1;
	v34 =	vsub.s32 $0x5F3759DF, v61  }
0x267: {  	v28 =	vshra.s32 v24, $0x1;
	v39 =	vmul.f32 $5.000000000e-01, v24;
	v45 =	vsub.s32 $0x5F3759DF, v14  }
0x268: {  	v49 =	vmul.f32 v34, v40;
	v31 =	vadd.f32 v11, v19;
	v11 =	vshra.s32 v27, $0x1  }
0x269: {  	v19 =	vmul.f32 $5.000000000e-01, v27;
	v23 =	vmax.f32 v17, $1.000000000e-30;
	v28 =	vsub.s32 $0x5F3759DF, v28  }
0x26a: {  	v14 =	vmul.f32 v16, v13;
	v47 =	vmul.f32 v45, v21;
	v41 =	vshra.s32 v23, $0x1  }
0x26b: {  	v42 =	vmul.f32 $5.000000000e-01, v23;
	v11 =	vsub.s32 $0x5F3759DF, v11;
	v48 =	vmul.f32 v28, v39  }
0x26c: {  	v49 =	vmul.f32 v34, v49;
	v29 =	vmax.f32 v31, $1.000000000e-30;
	v46 =	vmul.f32 v11, v19  }
0x26d: {  	v41 =	vsub.s32 $0x5F3759DF, v41;
	v14 =	vmul.f32 v16, v14;
	v47 =	vmul.f32 v45, v47  }
0x26e: {  	v43 =	vshra.s32 v29, $0x1;
	v44 =	vmul.f32 $5.000000000e-01, v29;
	v50 =	vmul.f32 v41, v42  }
0x26f: {  	v48 =	vmul.f32 v28, v48;
	v62 =	vsub.f32 $1.500000000e+00, v49;
	v46 =	vmul.f32 v11, v46  }
0x270: {  	v43 =	vsub.s32 $0x5F3759DF, v43;
	v14 =	vsub.f32 $1.500000000e+00, v14;
	v47 =	vsub.f32 $1.500000000e+00, v47  }
0x271: {  	v51 =	vmul.f32 v43, v44;
	v50 =	vmul.f32 v41, v50;
	v46 =	vsub.f32 $1.500000000e+00, v46  }
0x272: {  	s3 =	simm.s32 $0x11040;
	v52 =	vmul.f32 v16, v14;
	v16 =	vsub.f32 $1.500000000e+00, v48;
	v45 =	vmul.f32 v45, v47  }
0x273: {  	[tilespmem:s3+$0x30] =	vst v18;
	v18 =	vld.idx.msk [tilespmem:v37+s23+$0x0], $0xffff;
	vm0 =	vgt.f32 v12, $0.0e+00;
	v48 =	vmul.f32 v34, v62;
	v51 =	vmul.f32 v43, v51  }
0x274: {  	v10 =	vld.idx.msk [tilespmem:v32+s24+$0x0], $0xffff;
	v63 =	vsub.f32 $1.500000000e+00, v50;
	v46 =	vmul.f32 v11, v46;
	v47 =	vmul.f32 v28, v16  }
0x275: {  	v12 =	vld.idx.msk [tilespmem:v33+s24+$0x0], $0xffff;
	vm4 =	vgt.f32 v20, $0.0e+00;
	v53 =	vmul.f32 v52, v13;
	v8 =	vmul.f32 v45, v21  }
0x276: {  	v20 =	vld.idx.msk [tilespmem:v60+s23+$0x0], $0xffff;
	v54 =	vmul.f32 v48, v40;
	v28 =	vsub.f32 $1.500000000e+00, v51;
	v41 =	vmul.f32 v41, v63  }
0x277: {  	vm3 =	vgt.f32 v15, $0.0e+00;
	v15 =	vld.idx.msk [tilespmem:v37+s24+$0x0], $0xffff;
	v19 =	vmul.f32 v46, v19;
	v57 =	vmul.f32 v53, v52  }
0x278: {  	v14 =	vld.idx.msk [tilespmem:v30+s24+$0x0], $0xffff;
	v58 =	vmul.f32 v54, v48;
	v34 =	vmul.f32 v43, v28  }
0x279: {  	v11 =	vld.idx.msk [tilespmem:v60+s24+$0x0], $0xffff;
	v28 =	vmul.f32 v47, v39;
	v55 =	vmul.f32 v41, v42  }
0x27a: {  	vm5 =	vgt.f32 v17, $0.0e+00;
	v16 =	vld.idx.msk [tilespmem:v9+s24+$0x0], $0xffff;
	v17 =	vmul.f32 v19, v46;
	v19 =	vmul.f32 v8, v45  }
0x27b: {  	v21 =	vld.idx.msk [tilespmem:v30+s23+$0x0], $0xffff;
	v63 =	vsub.f32 $1.500000000e+00, v58;
	v56 =	vmul.f32 v34, v44;
	v30 =	vmul.f32 v28, v47  }
0x27c: {  	v13 =	vld.idx.msk [tilespmem:v36+s24+$0x0], $0xffff;
	v28 =	vsub.f32 $1.500000000e+00, v57;
	v59 =	vmul.f32 v55, v41;
	v60 =	vsub.f32 $1.500000000e+00, v17  }
0x27d: {  	v8 =	vld.idx.msk [tilespmem:v9+s23+$0x0], $0xffff;
	v61 =	vsub.f32 $1.500000000e+00, v19;
	v35 =	vmul.f32 v63, v48;
	v42 =	vmul.f32 v56, v34  }
0x27e: {  	v9 =	vld.idx.msk [tilespmem:v32+s23+$0x0], $0xffff;
	v28 =	vmul.f32 v28, v52;
	v62 =	vsub.f32 $1.500000000e+00, v30;
	v39 =	vsub.f32 $1.500000000e+00, v59  }
0x27f: {  	s0 =	simm.s32 $0x110C0;
	v19 =	vld.idx.msk [tilespmem:v36+s23+$0x0], $0xffff;
	v30 =	vmul.f32 v60, v46;
	v32 =	vmul.f32 v61, v45;
	v36 =	vsub.f32 $1.500000000e+00, v42  }
0x280: {  	s1 =	simm.s32 $0x8;
	s4 =	simm.s32 $0x8A00;
	s2 =	simm.s32 $0x110C0;
	[tilespmem:s0+$0x30] =	vst v38;
	vm6 =	vgt.f32 v31, $0.0e+00;
	v17 =	vld.idx.msk [tilespmem:v33+s23+$0x0], $0xffff;
	v31 =	vmul.f32 v62, v47;
	v33 =	vmul.f32 v39, v41  }
.LBB2_6:
0x281: {  	v37 =	vld [tilespmem:s4+$0xFFFFFE70];
	v28 =	vmul.f32 v28, v26;
	v34 =	vmul.f32 v36, v34  }
0x282: {  	s1 =	sadd.s32 $0x8, s1;
	v27 =	vmul.f32 v30, v27;
	v26 =	vmul.f32 v32, v25;
	v36 =	vld [tilespmem:s4+$0xFFFFFEF0]  }
0x283: {  	v25 =	vmul.f32 v31, v24;
	p0 =	slt.u32 s1, $0xF8;
	v24 =	vmul.f32 v35, v22;
	v30 =	vld [tilespmem:s4+$0xFFFFFE80]  }
0x284: {  	v22 =	vmul.f32 v33, v23;
	v23 =	vmul.f32 v34, v29;
	v31 =	vld [tilespmem:s4+$0xFFFFFF70]  }
0x285: {  	v32 =	vmul.f32 v28, v0;
	v33 =	vmul.f32 v27, v0;
	v29 =	vld [tilespmem:s4+$0xFFFFFE10]  }
0x286: {  	v35 =	vmul.f32 v26, v0;
	v38 =	vmul.f32 v25, v0;
	v34 =	vld [tilespmem:s4+$0xFFFFFFF0]  }
0x287: {  	v37 =	vmul.f32 v37, v37;
	v39 =	vld [tilespmem:s4+$0xFFFFFE90];
	v36 =	vmul.f32 v36, v36  }
0x288: {  	v41 =	vmul.f32 v24, v0;
	v40 =	vmul.f32 v30, v30;
	v30 =	vld [tilespmem:s4+$0x70]  }
0x289: {  	v42 =	vld [tilespmem:s4+$0xFFFFFE20];
	v36 =	vadd.f32 v36, v37;
	v31 =	vmul.f32 v31, v31;
	v37 =	vmul.f32 v22, v0  }
0x28a: {  	v44 =	vmul.f32 v23, v0;
	v29 =	vmul.f32 v29, v29;
	v43 =	vld [tilespmem:s4+$0xF0]  }
0x28b: {  	v32 =	vtrunc.f32 v32;
	v45 =	vld [tilespmem:s4+$0xFFFFFEA0];
	v31 =	vadd.f32 v31, v36;
	v34 =	vmul.f32 v34, v34  }
0x28c: {  	v33 =	vtrunc.f32 v33;
	v36 =	vmul.f32 v39, v39;
	v39 =	vld [tilespmem:s4+$0x170]  }
0x28d: {  	v46 =	vld [tilespmem:s4+$0xFFFFFE30];
	v31 =	vadd.f32 v34, v31;
	v30 =	vmul.f32 v30, v30;
	v34 =	vtrunc.f32 v35  }
0x28e: {  	v38 =	vtrunc.f32 v38;
	v35 =	vadd.f32 v36, v29;
	v29 =	vmul.f32 v42, v42;
	v36 =	vld [tilespmem:s4+$0x1F0]  }
0x28f: {  	v41 =	vtrunc.f32 v41;
	v42 =	vld [tilespmem:s4+$0xFFFFFEB0];
	v30 =	vadd.f32 v30, v31;
	v31 =	vmul.f32 v43, v43  }
0x290: {  	v37 =	vtrunc.f32 v37;
	v43 =	vmul.f32 v45, v45;
	v45 =	vld [tilespmem:s4+$0xFFFFFE40]  }
0x291: {  	v47 =	vld [tilespmem:s4+$0xFFFFFEC0];
	v30 =	vadd.f32 v31, v30;
	v31 =	vmul.f32 v39, v39;
	v39 =	vtrunc.f32 v44  }
0x292: {  	v48 =	vcvt.f32.s32 v32;
	v43 =	vadd.f32 v43, v29;
	v44 =	vmul.f32 v46, v46;
	v46 =	vld [tilespmem:s4+$0xFFFFFE50]  }
0x293: {  	v33 =	vcvt.f32.s32 v33;
	v49 =	vld [tilespmem:s4+$0xFFFFFED0];
	v29 =	vadd.f32 v31, v30;
	v30 =	vmul.f32 v36, v36  }
0x294: {  	vm7 =	vlt.s32 v48, $0x3FF;
	v34 =	vcvt.f32.s32 v34;
	v31 =	vmul.f32 v42, v42;
	v36 =	vld [tilespmem:s4+$0xFFFFFE60]  }
0x295: {  	v38 =	vcvt.f32.s32 v38;
	v42 =	vmul.f32 v45, v45;
	v45 =	vld [tilespmem:s4+$0xFFFFFEE0];
	v29 =	vadd.f32 v30, v29  }
0x296: {  	v32 =	vcvt.f32.s32 v41;
	v50 =	vld [tilespmem:s4+$0xFFFFFE00];
	v44 =	vadd.f32 v31, v44;
	v31 =	vmul.f32 v47, v47  }
0x297: {  	v30 =	vcvt.f32.s32 v37;
	v41 =	vld [tilespmem:s4+$0xFFFFFF00];
	v46 =	vmul.f32 v46, v46;
	v47 =	vmax.f32 v29, $1.000000000e-30  }
0x298: {  	v37 =	vld [tilespmem:s4+$0xFFFFFF10];
	v49 =	vmul.f32 v49, v49;
	v51 =	vshra.s32 v47, $0x1;
	v52 =	vmul.f32 $5.000000000e-01, v47  }
0x299: {  	v42 =	vadd.f32 v31, v42;
	v53 =	vld [tilespmem:s4+$0xFFFFFF20];
	v36 =	vmul.f32 v36, v36;
	v51 =	vsub.s32 $0x5F3759DF, v51  }
0x29a: {  	v54 =	vld [tilespmem:s4+$0xFFFFFF30];
	v46 =	vadd.f32 v49, v46;
	v45 =	vmul.f32 v45, v45;
	v49 =	vmul.f32 v51, v52  }
0x29b: {  	vm12 =	vlt.s32 v33, $0x3FF;
	v31 =	vcvt.f32.s32 v39;
	v50 =	vmul.f32 v50, v50;
	v55 =	vld [tilespmem:s4+$0xFFFFFF40]  }
0x29c: {  	v39 =	vmul.f32 v41, v41;
	v41 =	vld [tilespmem:s4+$0xFFFFFF50];
	v36 =	vadd.f32 v45, v36;
	v45 =	vmul.f32 v51, v49  }
0x29d: {  	vm13 =	vlt.s32 v34, $0x3FF;
	v40 =	vadd.f32 v40, v50;
	v37 =	vmul.f32 v37, v37;
	v49 =	vld [tilespmem:s4+$0xFFFFFF60]  }
0x29e: {  	vm10 =	vlt.s32 v38, $0x3FF;
	v50 =	vld [tilespmem:s4+$0xFFFFFF80];
	v53 =	vmul.f32 v53, v53;
	v45 =	vsub.f32 $1.500000000e+00, v45  }
0x29f: {  	v39 =	vadd.f32 v39, v40;
	v35 =	vadd.f32 v37, v35;
	v37 =	vld [tilespmem:s4+$0xFFFFFF90];
	v40 =	vmul.f32 v54, v54  }
0x2a0: {  	v43 =	vadd.f32 v53, v43;
	v53 =	vld [tilespmem:s4+$0xFFFFFFA0];
	v54 =	vmul.f32 v55, v55;
	v45 =	vmul.f32 v51, v45  }
0x2a1: {  	vm11 =	vlt.s32 v32, $0x3FF;
	v40 =	vadd.f32 v40, v44;
	v44 =	vld [tilespmem:s4+$0xFFFFFFB0];
	v41 =	vmul.f32 v41, v41  }
0x2a2: {  	v42 =	vadd.f32 v54, v42;
	v51 =	vld [tilespmem:s4+$0xFFFFFFC0];
	v49 =	vmul.f32 v49, v49;
	v52 =	vmul.f32 v45, v52  }
0x2a3: {  	vm8 =	vlt.s32 v30, $0x3FF;
	v50 =	vmul.f32 v50, v50;
	v41 =	vadd.f32 v41, v46;
	v46 =	vld [tilespmem:s4+$0xFFFFFFD0]  }
0x2a4: {  	v37 =	vmul.f32 v37, v37;
	v36 =	vadd.f32 v49, v36;
	v49 =	vld [tilespmem:s4+$0xFFFFFFE0];
	v52 =	vmul.f32 v52, v45  }
0x2a5: {  	vm9 =	vlt.s32 v31, $0x3FF;
	v39 =	vadd.f32 v50, v39;
	v50 =	vld [tilespmem:s4+$0x0];
	v53 =	vmul.f32 v53, v53  }
0x2a6: {  	v35 =	vadd.f32 v37, v35;
	v37 =	vld [tilespmem:s4+$0x10];
	v44 =	vmul.f32 v44, v44;
	v52 =	vsub.f32 $1.500000000e+00, v52  }
0x2a7: {  	v48 =	vnsel vm7, $0x3FF, v48;
	v43 =	vadd.f32 v53, v43;
	v53 =	vld [tilespmem:s4+$0x20];
	v51 =	vmul.f32 v51, v51  }
0x2a8: {  	v40 =	vadd.f32 v44, v40;
	v44 =	vld [tilespmem:s4+$0x30];
	v46 =	vmul.f32 v46, v46;
	v45 =	vmul.f32 v52, v45  }
0x2a9: {  	v33 =	vnsel vm12, $0x3FF, v33;
	v42 =	vadd.f32 v51, v42;
	v51 =	vld [tilespmem:s4+$0x40];
	v49 =	vmul.f32 v49, v49  }
0x2aa: {  	v50 =	vmul.f32 v50, v50;
	v41 =	vadd.f32 v46, v41;
	v46 =	vld [tilespmem:s4+$0x50];
	v45 =	vmul.f32 v45, v47  }
0x2ab: {  	v34 =	vnsel vm13, $0x3FF, v34;
	v37 =	vmul.f32 v37, v37;
	v36 =	vadd.f32 v49, v36;
	v47 =	vld [tilespmem:s4+$0x60]  }
0x2ac: {  	v39 =	vadd.f32 v50, v39;
	v49 =	vld [tilespmem:s4+$0x80];
	v50 =	vmul.f32 v53, v53;
	v52 =	vmul.f32 v45, v0  }
0x2ad: {  	v38 =	vnsel vm10, $0x3FF, v38;
	v35 =	vadd.f32 v37, v35;
	v37 =	vld [tilespmem:s4+$0x90];
	v44 =	vmul.f32 v44, v44  }
0x2ae: {  	v43 =	vadd.f32 v50, v43;
	v50 =	vld [tilespmem:s4+$0xA0];
	v51 =	vmul.f32 v51, v51;
	v52 =	vtrunc.f32 v52  }
0x2af: {  	v40 =	vadd.f32 v44, v40;
	v44 =	vld [tilespmem:s4+$0xB0];
	v46 =	vmul.f32 v46, v46;
	v52 =	vcvt.f32.s32 v52  }
0x2b0: {  	v32 =	vnsel vm11, $0x3FF, v32;
	v42 =	vadd.f32 v51, v42;
	v51 =	vld [tilespmem:s4+$0xC0];
	v47 =	vmul.f32 v47, v47  }
0x2b1: {  	v49 =	vmul.f32 v49, v49;
	v41 =	vadd.f32 v46, v41;
	v46 =	vld [tilespmem:s4+$0xD0];
	vm7 =	vlt.s32 v52, $0x3FF  }
0x2b2: {  	v36 =	vadd.f32 v47, v36;
	v47 =	vld [tilespmem:s4+$0xE0];
	v52 =	vnsel vm7, $0x3FF, v52;
	vm7 =	vgt.f32 v29, $0.0e+00  }
0x2b3: {  	v37 =	vmul.f32 v37, v37;
	v29 =	vld [tilespmem:s4+$0x100];
	v50 =	vmul.f32 v50, v50;
	v52 =	vnsel vm7, $0x3FF, v52  }
0x2b4: {  	v30 =	vnsel vm8, $0x3FF, v30;
	v39 =	vadd.f32 v49, v39;
	v49 =	vld [tilespmem:s4+$0x110];
	v44 =	vmul.f32 v44, v44  }
0x2b5: {  	v35 =	vadd.f32 v37, v35;
	v37 =	vadd.f32 v50, v43;
	v43 =	vld [tilespmem:s4+$0x120];
	v50 =	vmul.f32 v51, v51  }
0x2b6: {  	v31 =	vnsel vm9, $0x3FF, v31;
	v40 =	vadd.f32 v44, v40;
	v44 =	vld [tilespmem:s4+$0x130];
	v46 =	vmul.f32 v46, v46  }
0x2b7: {  	v48 =	vnsel vm2, $0x3FF, v48;
	v42 =	vadd.f32 v50, v42;
	v50 =	vld [tilespmem:s4+$0x140];
	v47 =	vmul.f32 v47, v47  }
0x2b8: {  	v51 =	vnsel vm0, $0x3FF, v33;
	v29 =	vmul.f32 v29, v29;
	v41 =	vadd.f32 v46, v41;
	v46 =	vld.idx.msk [tilespmem:v52+s24+$0x0], $0xffff  }
0x2b9: {  	v34 =	vnsel vm1, $0x3FF, v34;
	v33 =	vmul.f32 v49, v49;
	v49 =	vld [tilespmem:s4+$0x150];
	v36 =	vadd.f32 v47, v36  }
0x2ba: {  	v38 =	vnsel vm3, $0x3FF, v38;
	v29 =	vadd.f32 v29, v39;
	v39 =	vmul.f32 v43, v43;
	v43 =	vld.idx.msk [tilespmem:v52+s23+$0x0], $0xffff  }
0x2bb: {  	v47 =	vnsel vm4, $0x3FF, v32;
	v33 =	vadd.f32 v33, v35;
	v35 =	vmul.f32 v44, v44;
	v44 =	vld [tilespmem:s4+$0x160]  }
0x2bc: {  	v32 =	vld [tilespmem:s4+$0x180];
	v37 =	vadd.f32 v39, v37;
	v39 =	vmul.f32 v50, v50;
	v50 =	vnsel vm5, $0x3FF, v30  }
0x2bd: {  	v14 =	vmul.f32 v1, v14;
	v1 =	vmovc v28;
	v52 =	vld [tilespmem:s4+$0x190];
	v35 =	vadd.f32 v35, v40;
	v40 =	vnsel vm6, $0x3FF, v31  }
0x2be: {  	v31 =	vmul.f32 v45, v46;
	v53 =	vld [tilespmem:s4+$0x1A0];
	v39 =	vadd.f32 v39, v42;
	v30 =	vmul.f32 v49, v49  }
0x2bf: {  	v11 =	vmul.f32 v2, v11;
	v14 =	vadd.f32 v14, v21;
	v28 =	vmul.f32 v3, v16;
	v2 =	vmovc v27;
	v42 =	vld [tilespmem:s4+$0x1B0]  }
0x2c0: {  	v3 =	vmovc v26;
	v31 =	vadd.f32 v31, v43;
	v16 =	vld [tilespmem:s4+$0x1C0];
	v21 =	vadd.f32 v30, v41;
	v27 =	vmul.f32 v44, v44  }
0x2c1: {  	s0 =	sadd.s32 $0x80, s0;
	v20 =	vadd.f32 v11, v20;
	v30 =	vmul.f32 v5, v10;
	v26 =	vmul.f32 v32, v32;
	v41 =	vld [tilespmem:s4+$0x1D0];
	[tilespmem:s3+$0xFFFFFFC0] =	vst v14  }
0x2c2: {  	v5 =	vmul.f32 v52, v52;
	v36 =	vadd.f32 v27, v36;
	v43 =	vld [tilespmem:s4+$0x1E0];
	[tilespmem:s0+$0x30] =	vst v31;
	v31 =	vmul.f32 v7, v12  }
0x2c3: {  	v32 =	vmul.f32 v6, v13;
	v44 =	vadd.f32 v26, v29;
	v7 =	vmul.f32 v53, v53;
	v14 =	vld.idx.msk [tilespmem:v48+s24+$0x0], $0xffff  }
0x2c4: {  	v45 =	vadd.f32 v5, v33;
	v12 =	vmul.f32 v42, v42;
	v11 =	vld.idx.msk [tilespmem:v51+s24+$0x0], $0xffff;
	v33 =	vmul.f32 v4, v15  }
0x2c5: {  	v26 =	vmax.f32 v44, $1.000000000e-30;
	v37 =	vadd.f32 v7, v37;
	v29 =	vmul.f32 v16, v16;
	v16 =	vld.idx.msk [tilespmem:v34+s24+$0x0], $0xffff;
	[tilespmem:s3+$0xFFFFFFD0] =	vst v20  }
0x2c6: {  	v27 =	vmax.f32 v45, $1.000000000e-30;
	v35 =	vadd.f32 v12, v35;
	v20 =	vmul.f32 v41, v41;
	v10 =	vld.idx.msk [tilespmem:v38+s24+$0x0], $0xffff;
	v5 =	vmovc v25  }
0x2c7: {  	v25 =	vmax.f32 v37, $1.000000000e-30;
	v39 =	vadd.f32 v29, v39;
	v15 =	vmul.f32 v43, v43;
	v12 =	vld.idx.msk [tilespmem:v47+s24+$0x0], $0xffff;
	v7 =	vmovc v24  }
0x2c8: {  	v6 =	vmovc v22;
	v4 =	vmovc v23;
	v41 =	vshra.s32 v26, $0x1;
	v24 =	vmax.f32 v35, $1.000000000e-30;
	v42 =	vadd.f32 v20, v21;
	v13 =	vld.idx.msk [tilespmem:v50+s24+$0x0], $0xffff  }
0x2c9: {  	v43 =	vmul.f32 $5.000000000e-01, v26;
	v22 =	vmax.f32 v39, $1.000000000e-30;
	v36 =	vadd.f32 v15, v36;
	v15 =	vld.idx.msk [tilespmem:v40+s24+$0x0], $0xffff  }
0x2ca: {  	v46 =	vshra.s32 v27, $0x1;
	v49 =	vmul.f32 $5.000000000e-01, v27;
	v23 =	vmax.f32 v42, $1.000000000e-30;
	v21 =	vld.idx.msk [tilespmem:v48+s23+$0x0], $0xffff  }
0x2cb: {  	v52 =	vmul.f32 $5.000000000e-01, v25;
	v48 =	vshra.s32 v25, $0x1;
	v29 =	vmax.f32 v36, $1.000000000e-30;
	v20 =	vld.idx.msk [tilespmem:v51+s23+$0x0], $0xffff  }
0x2cc: {  	v53 =	vmul.f32 $5.000000000e-01, v24;
	v54 =	vshra.s32 v22, $0x1;
	v51 =	vshra.s32 v24, $0x1;
	v55 =	vld.idx.msk [tilespmem:v34+s23+$0x0], $0xffff  }
0x2cd: {  	v56 =	vmul.f32 $5.000000000e-01, v22;
	v57 =	vmul.f32 $5.000000000e-01, v23;
	v34 =	vshra.s32 v23, $0x1;
	v38 =	vld.idx.msk [tilespmem:v38+s23+$0x0], $0xffff  }
0x2ce: {  	v41 =	vsub.s32 $0x5F3759DF, v41;
	v58 =	vshra.s32 v29, $0x1;
	v59 =	vmul.f32 $5.000000000e-01, v29;
	v47 =	vld.idx.msk [tilespmem:v47+s23+$0x0], $0xffff  }
0x2cf: {  	v46 =	vsub.s32 $0x5F3759DF, v46;
	v48 =	vsub.s32 $0x5F3759DF, v48;
	v51 =	vsub.s32 $0x5F3759DF, v51;
	v50 =	vld.idx.msk [tilespmem:v50+s23+$0x0], $0xffff  }
0x2d0: {  	v54 =	vsub.s32 $0x5F3759DF, v54;
	v34 =	vsub.s32 $0x5F3759DF, v34;
	v58 =	vsub.s32 $0x5F3759DF, v58;
	v40 =	vld.idx.msk [tilespmem:v40+s23+$0x0], $0xffff  }
0x2d1: {  	vm2 =	vgt.f32 v44, $0.0e+00;
	v60 =	vmul.f32 v41, v43;
	v44 =	vmul.f32 v46, v49  }
0x2d2: {  	vm0 =	vgt.f32 v45, $0.0e+00;
	v45 =	vmul.f32 v48, v52;
	v61 =	vmul.f32 v51, v53  }
0x2d3: {  	vm1 =	vgt.f32 v37, $0.0e+00;
	v37 =	vmul.f32 v54, v56;
	v62 =	vmul.f32 v34, v57  }
0x2d4: {  	vm3 =	vgt.f32 v35, $0.0e+00;
	v60 =	vmul.f32 v41, v60;
	v35 =	vmul.f32 v58, v59  }
0x2d5: {  	vm4 =	vgt.f32 v39, $0.0e+00;
	v44 =	vmul.f32 v46, v44;
	v45 =	vmul.f32 v48, v45  }
0x2d6: {  	v39 =	vsub.f32 $1.500000000e+00, v60;
	v37 =	vmul.f32 v54, v37;
	v60 =	vmul.f32 v51, v61  }
0x2d7: {  	v44 =	vsub.f32 $1.500000000e+00, v44;
	v61 =	vmul.f32 v34, v62;
	v35 =	vmul.f32 v58, v35  }
0x2d8: {  	v39 =	vmul.f32 v41, v39;
	v41 =	vsub.f32 $1.500000000e+00, v45;
	v45 =	vsub.f32 $1.500000000e+00, v60  }
0x2d9: {  	v44 =	vmul.f32 v46, v44;
	v37 =	vsub.f32 $1.500000000e+00, v37;
	v46 =	vsub.f32 $1.500000000e+00, v61  }
0x2da: {  	v41 =	vmul.f32 v48, v41;
	v35 =	vsub.f32 $1.500000000e+00, v35;
	v45 =	vmul.f32 v51, v45  }
0x2db: {  	vm5 =	vgt.f32 v42, $0.0e+00;
	v37 =	vmul.f32 v54, v37;
	v46 =	vmul.f32 v34, v46  }
0x2dc: {  	vm6 =	vgt.f32 v36, $0.0e+00;
	v42 =	vmul.f32 v39, v43;
	v34 =	vmul.f32 v58, v35  }
0x2dd: {  	v28 =	vadd.f32 v28, v8;
	v8 =	vmovc v55;
	v35 =	vmul.f32 v44, v49;
	v36 =	vmul.f32 v41, v52  }
0x2de: {  	v30 =	vadd.f32 v30, v9;
	v9 =	vmovc v38;
	v48 =	vmul.f32 v37, v56;
	v43 =	vmul.f32 v45, v53  }
0x2df: {  	v51 =	vadd.f32 v31, v17;
	v38 =	vmul.f32 v46, v57;
	v49 =	vmul.f32 v34, v59;
	[tilespmem:s3+$0xFFFFFFE0] =	vst v28  }
0x2e0: {  	v31 =	vmul.f32 v35, v44;
	v28 =	vmul.f32 v42, v39;
	v42 =	vadd.f32 v32, v19;
	[tilespmem:s3+$0xFFFFFFF0] =	vst v30  }
0x2e1: {  	v32 =	vmul.f32 v43, v45;
	v43 =	vadd.f32 v33, v18;
	v30 =	vmul.f32 v36, v41;
	[tilespmem:s3+$0x0] =	vst v51  }
0x2e2: {  	v17 =	vmovc v47;
	v35 =	vmul.f32 v38, v46;
	v33 =	vmul.f32 v48, v37;
	v28 =	vsub.f32 $1.500000000e+00, v28;
	[tilespmem:s3+$0x10] =	vst v42  }
.Ltmp2:
0x2e3: {  	v31 =	vsub.f32 $1.500000000e+00, v31;
	v19 =	vmovc v50;
	v18 =	vmovc v40;
	v36 =	vmul.f32 v49, v34;
	v38 =	vsub.f32 $1.500000000e+00, v30;
	[tilespmem:s3+$0x20] =	vst v43;
	s3 =	smov.u32 s2;
	s2 =	smov.u32 s0;
	(pc) =	sbr.rel @p0 .LBB2_6-.Ltmp2, $4  }
0x2e4: {  	v33 =	vsub.f32 $1.500000000e+00, v33;
	v28 =	vmul.f32 v28, v39;
	v39 =	vsub.f32 $1.500000000e+00, v32  }
0x2e5: {  	v40 =	vsub.f32 $1.500000000e+00, v35;
	v30 =	vmul.f32 v31, v44;
	v36 =	vsub.f32 $1.500000000e+00, v36  }
0x2e6: {  	v32 =	vmul.f32 v38, v41;
	v31 =	vmul.f32 v39, v45  }
0x2e7: {  	s4 =	sadd.s32 $0x400, s4;
	v35 =	vmul.f32 v33, v37;
	v33 =	vmul.f32 v40, v46  }
0x2e8: {  	v26 =	vmul.f32 v28, v26;
	v28 =	vmul.f32 v36, v34  }
0x2e9: {  	v27 =	vmul.f32 v30, v27;
	v25 =	vmul.f32 v32, v25  }
0x2ea: {  	v24 =	vmul.f32 v31, v24;
	v1 =	vmul.f32 v1, v14  }
0x2eb: {  	v2 =	vmul.f32 v2, v11;
	v22 =	vmul.f32 v35, v22  }
0x2ec: {  	v28 =	vmul.f32 v28, v29;
	v29 =	vmul.f32 v26, v0  }
0x2ed: {  	v23 =	vmul.f32 v33, v23;
	v30 =	vmul.f32 v27, v0  }
0x2ee: {  	v31 =	vmul.f32 v25, v0;
	v29 =	vtrunc.f32 v29  }
0x2ef: {  	v30 =	vtrunc.f32 v30;
	v29 =	vcvt.f32.s32 v29  }
0x2f0: {  	v52 =	vmul.f32 v24, v0;
	v1 =	vadd.f32 v1, v21;
	v30 =	vcvt.f32.s32 v30  }
0x2f1: {  	v2 =	vadd.f32 v2, v20;
	v53 =	vmul.f32 v22, v0;
	vm7 =	vlt.s32 v29, $0x3FF  }
0x2f2: {  	v31 =	vtrunc.f32 v31;
	vm8 =	vlt.s32 v30, $0x3FF;
	v29 =	vnsel vm7, $0x3FF, v29  }
0x2f3: {  	v31 =	vcvt.f32.s32 v31;
	v30 =	vnsel vm8, $0x3FF, v30;
	v29 =	vnsel vm2, $0x3FF, v29  }
0x2f4: {  	v54 =	vmul.f32 v23, v0;
	v32 =	vtrunc.f32 v52;
	v30 =	vnsel vm0, $0x3FF, v30  }
0x2f5: {  	v33 =	vtrunc.f32 v53;
	v32 =	vcvt.f32.s32 v32;
	vm7 =	vlt.s32 v31, $0x3FF  }
0x2f6: {  	v55 =	vmul.f32 v28, v0;
	v33 =	vcvt.f32.s32 v33;
	v31 =	vnsel vm7, $0x3FF, v31  }
0x2f7: {  	v34 =	vtrunc.f32 v54;
	vm2 =	vlt.s32 v32, $0x3FF;
	v31 =	vnsel vm1, $0x3FF, v31  }
0x2f8: {  	v35 =	vtrunc.f32 v55;
	vm0 =	vlt.s32 v33, $0x3FF;
	v32 =	vnsel vm2, $0x3FF, v32;
	v56 =	vld.idx.msk [tilespmem:v29+s24+$0x0], $0xffff  }
0x2f9: {  	v34 =	vcvt.f32.s32 v34;
	v33 =	vnsel vm0, $0x3FF, v33;
	v32 =	vnsel vm3, $0x3FF, v32;
	v37 =	vld.idx.msk [tilespmem:v30+s24+$0x0], $0xffff  }
0x2fa: {  	[tilespmem:s3+$0xFFFFFFC0] =	vst v1;
	v1 =	vmul.f32 v7, v12;
	v35 =	vcvt.f32.s32 v35;
	v33 =	vnsel vm4, $0x3FF, v33;
	v7 =	vld.idx.msk [tilespmem:v29+s23+$0x0], $0xffff  }
0x2fb: {  	v3 =	vmul.f32 v3, v16;
	[tilespmem:s3+$0xFFFFFFD0] =	vst v2;
	vm1 =	vlt.s32 v34, $0x3FF;
	v2 =	vld.idx.msk [tilespmem:v30+s23+$0x0], $0xffff  }
0x2fc: {  	vm0 =	vlt.s32 v35, $0x3FF;
	v34 =	vnsel vm1, $0x3FF, v34;
	v38 =	vld.idx.msk [tilespmem:v31+s24+$0x0], $0xffff  }
0x2fd: {  	v3 =	vadd.f32 v3, v8;
	v35 =	vnsel vm0, $0x3FF, v35;
	v34 =	vnsel vm5, $0x3FF, v34;
	v8 =	vld.idx.msk [tilespmem:v31+s23+$0x0], $0xffff  }
0x2fe: {  	v5 =	vmul.f32 v5, v10;
	v35 =	vnsel vm6, $0x3FF, v35;
	v14 =	vld.idx.msk [tilespmem:v32+s24+$0x0], $0xffff  }
0x2ff: {  	v11 =	vld.idx.msk [tilespmem:v33+s24+$0x0], $0xffff  }
0x300: {  	v6 =	vmul.f32 v6, v13;
	v5 =	vadd.f32 v5, v9;
	[tilespmem:s3+$0xFFFFFFE0] =	vst v3;
	v3 =	vld.idx.msk [tilespmem:v32+s23+$0x0], $0xffff  }
0x301: {  	v4 =	vmul.f32 v4, v15;
	v1 =	vadd.f32 v1, v17;
	v9 =	vld.idx.msk [tilespmem:v33+s23+$0x0], $0xffff  }
0x302: {  	[tilespmem:s3+$0xFFFFFFF0] =	vst v5;
	v5 =	vadd.f32 v6, v19;
	v16 =	vld.idx.msk [tilespmem:v34+s24+$0x0], $0xffff;
	v6 =	vmul.f32 v26, v56  }
0x303: {  	[tilespmem:s3+$0x0] =	vst v1;
	v1 =	vadd.f32 v4, v18;
	v10 =	vld.idx.msk [tilespmem:v35+s24+$0x0], $0xffff;
	v4 =	vmul.f32 v27, v37  }
0x304: {  	[tilespmem:s3+$0x10] =	vst v5;
	v12 =	vld.idx.msk [tilespmem:v34+s23+$0x0], $0xffff;
	v5 =	vadd.f32 v6, v7;
	v6 =	vmul.f32 v25, v38  }
0x305: {  	[tilespmem:s3+$0x20] =	vst v1;
	v7 =	vld.idx.msk [tilespmem:v35+s23+$0x0], $0xffff;
	v1 =	vadd.f32 v4, v2;
	v2 =	vmul.f32 v24, v14  }
0x306: {  	v4 =	vmul.f32 v22, v11;
	[tilespmem:s2+$0xFFFFFFC0] =	vst v5;
	v5 =	vadd.f32 v6, v8  }
0x307: {  	v6 =	vmul.f32 v23, v16;
	[tilespmem:s2+$0xFFFFFFD0] =	vst v1;
	v1 =	vadd.f32 v2, v3  }
0x308: {  	v2 =	vmul.f32 v28, v10;
	v3 =	vadd.f32 v4, v9;
	[tilespmem:s2+$0xFFFFFFE0] =	vst v5  }
0x309: {  	[tilespmem:s2+$0xFFFFFFF0] =	vst v1;
	v1 =	vadd.f32 v6, v12  }
0x30a: {  	[tilespmem:s2+$0x0] =	vst v3;
	v2 =	vadd.f32 v2, v7  }
0x30b: {  	[tilespmem:s2+$0x10] =	vst v1  }
0x30c: {  	[tilespmem:s2+$0x20] =	vst v2  }
0x30d: {  	[hbm4b:s11+s6] =	stream.linear.scatter [tilespmem:s28], [sflag:$0x4], $0x1000, $0x38;
	[tilespmem:$0x13480] =	vst v63  }
0x30e: {  	_ = 	snop  }
0x30f: {  	[tilespmem:s21], [sflag:$0x2] =	stream.linear.gather [hbm4b:s12+s6], $0x8000, $0x38;
	[tilespmem:$0x13480] =	vst v63  }
0x310: {  	_ =	swait.ge [sflag:s22], $0x8000  }
0x311: {  	[sflag:s22] =	ssyncset.done $0x0  }
0x312: {  	[sflag:s22] =	ssyncadd.s32 $0xFFFF8000  }
0x313: {  	_ =	swait.ge [sflag:s29], $0x1000  }
0x314: {  	[sflag:s29] =	ssyncset.done $0x0  }
0x315: {  	s0 =	simm.s32 $0x200;
	[sflag:s29] =	ssyncadd.s32 $0xFFFFF000  }
0x316: {  	v1 =	vld [tilespmem:s0+$0xFFFFFE70]  }
0x317: {  	v2 =	vld [tilespmem:s0+$0xFFFFFEF0]  }
0x318: {  	v3 =	vld [tilespmem:s0+$0xFFFFFE80]  }
0x319: {  	v4 =	vld [tilespmem:s0+$0xFFFFFF70]  }
0x31a: {  	v5 =	vld [tilespmem:s0+$0xFFFFFE10]  }
0x31b: {  	v6 =	vld [tilespmem:s0+$0xFFFFFFF0]  }
0x31c: {  	v7 =	vld [tilespmem:s0+$0xFFFFFE90]  }
0x31d: {  	v8 =	vld [tilespmem:s0+$0x70]  }
0x31e: {  	v9 =	vld [tilespmem:s0+$0xFFFFFE20]  }
0x31f: {  	v10 =	vld [tilespmem:s0+$0xFFFFFEA0]  }
0x320: {  	v11 =	vld [tilespmem:s0+$0xFFFFFE30]  }
0x321: {  	v12 =	vld [tilespmem:s0+$0xFFFFFEB0]  }
0x322: {  	v13 =	vld [tilespmem:s0+$0xFFFFFEC0];
	v1 =	vmul.f32 v1, v1;
	v2 =	vmul.f32 v2, v2  }
0x323: {  	v14 =	vld [tilespmem:s0+$0xFFFFFED0]  }
0x324: {  	v15 =	vld [tilespmem:s0+$0xFFFFFEE0];
	v1 =	vadd.f32 v2, v1;
	v2 =	vmul.f32 v4, v4  }
0x325: {  	v4 =	vld [tilespmem:s0+$0xF0]  }
0x326: {  	v16 =	vld [tilespmem:s0+$0xFFFFFF00];
	v1 =	vadd.f32 v2, v1;
	v2 =	vmul.f32 v6, v6  }
0x327: {  	v6 =	vld [tilespmem:s0+$0x170]  }
0x328: {  	v18 =	vld [tilespmem:s0+$0xFFFFFF10];
	v1 =	vadd.f32 v2, v1;
	v2 =	vmul.f32 v8, v8  }
0x329: {  	v8 =	vld [tilespmem:s0+$0x1F0]  }
0x32a: {  	v21 =	vld [tilespmem:s0+$0xFFFFFF20];
	v1 =	vadd.f32 v2, v1;
	v2 =	vmul.f32 v4, v4  }
0x32b: {  	v22 =	vld [tilespmem:s0+$0xFFFFFF30]  }
0x32c: {  	v24 =	vld [tilespmem:s0+$0xFFFFFF40];
	v1 =	vadd.f32 v2, v1;
	v2 =	vmul.f32 v6, v6  }
0x32d: {  	v25 =	vld [tilespmem:s0+$0xFFFFFF50]  }
0x32e: {  	v26 =	vld [tilespmem:s0+$0xFFFFFF60];
	v1 =	vadd.f32 v2, v1;
	v2 =	vmul.f32 v8, v8  }
0x32f: {  	v3 =	vmul.f32 v3, v3;
	v4 =	vld [tilespmem:s0+$0xFFFFFE40]  }
0x330: {  	v27 =	vld [tilespmem:s0+$0xFFFFFF80];
	v5 =	vmul.f32 v5, v5;
	v7 =	vmul.f32 v7, v7;
	v1 =	vadd.f32 v2, v1  }
0x331: {  	v9 =	vmul.f32 v9, v9;
	v10 =	vmul.f32 v10, v10;
	v8 =	vld [tilespmem:s0+$0xFFFFFE60]  }
0x332: {  	v11 =	vmul.f32 v11, v11;
	v12 =	vmul.f32 v12, v12;
	v6 =	vld [tilespmem:s0+$0xFFFFFE50];
	v17 =	vmax.f32 v1, $1.000000000e-30  }
0x333: {  	v5 =	vadd.f32 v7, v5;
	v2 =	vld [tilespmem:s0+$0xFFFFFE00];
	v19 =	vshra.s32 v17, $0x1;
	v20 =	vmul.f32 $5.000000000e-01, v17  }
0x334: {  	v28 =	vld [tilespmem:s0+$0xFFFFFF90];
	v7 =	vmul.f32 v13, v13;
	v4 =	vmul.f32 v4, v4;
	v19 =	vsub.s32 $0x5F3759DF, v19  }
0x335: {  	v16 =	vmul.f32 v16, v16;
	v13 =	vld [tilespmem:s0+$0xFFFFFFC0];
	v9 =	vadd.f32 v10, v9;
	v23 =	vmul.f32 v19, v20  }
0x336: {  	v29 =	vld [tilespmem:s0+$0xFFFFFFA0];
	v10 =	vmul.f32 v14, v14;
	v4 =	vadd.f32 v7, v4;
	v7 =	vmul.f32 v8, v8  }
0x337: {  	s18 =	simm.s32 $0x600;
	v11 =	vadd.f32 v12, v11;
	v12 =	vld [tilespmem:s0+$0xFFFFFFE0];
	v8 =	vmul.f32 v15, v15;
	v23 =	vmul.f32 v19, v23  }
0x338: {  	v46 =	vld [tilespmem:s18+$0xFFFFFF90];
	v6 =	vmul.f32 v6, v6;
	v2 =	vmul.f32 v2, v2  }
0x339: {  	v14 =	vld [tilespmem:s0+$0xFFFFFFD0];
	v7 =	vadd.f32 v8, v7;
	v8 =	vmul.f32 v18, v18;
	v23 =	vsub.f32 $1.500000000e+00, v23  }
0x33a: {  	v13 =	vmul.f32 v13, v13;
	v15 =	vld [tilespmem:s0+$0x0];
	v6 =	vadd.f32 v10, v6;
	v2 =	vadd.f32 v3, v2  }
0x33b: {  	v10 =	vld [tilespmem:s0+$0x20];
	v5 =	vadd.f32 v8, v5;
	v8 =	vmul.f32 v22, v22;
	v19 =	vmul.f32 v19, v23  }
0x33c: {  	v12 =	vmul.f32 v12, v12;
	v18 =	vmul.f32 v21, v21;
	v3 =	vld [tilespmem:s0+$0x10];
	v2 =	vadd.f32 v16, v2  }
0x33d: {  	v16 =	vld [tilespmem:s0+$0x30];
	v8 =	vadd.f32 v8, v11;
	v11 =	vmul.f32 v26, v26;
	v20 =	vmul.f32 v19, v20  }
0x33e: {  	v21 =	vld [tilespmem:s0+$0x40];
	v9 =	vadd.f32 v18, v9;
	v18 =	vmul.f32 v25, v25;
	v25 =	vmul.f32 v28, v28  }
0x33f: {  	v22 =	vld [tilespmem:s0+$0x50];
	v7 =	vadd.f32 v11, v7;
	v11 =	vmul.f32 v29, v29;
	v20 =	vmul.f32 v20, v19  }
0x340: {  	v15 =	vmul.f32 v15, v15;
	v10 =	vmul.f32 v10, v10;
	v6 =	vadd.f32 v18, v6;
	v18 =	vld [tilespmem:s0+$0x80]  }
0x341: {  	v26 =	vld [tilespmem:s0+$0x90];
	v3 =	vmul.f32 v3, v3;
	v9 =	vadd.f32 v11, v9;
	v20 =	vsub.f32 $1.500000000e+00, v20  }
0x342: {  	v23 =	vld [tilespmem:s0+$0xFFFFFFB0];
	v11 =	vmul.f32 v14, v14;
	v7 =	vadd.f32 v12, v7;
	v12 =	vmul.f32 v16, v16  }
0x343: {  	v5 =	vadd.f32 v25, v5;
	v25 =	vld [tilespmem:s0+$0xB0];
	v19 =	vmul.f32 v20, v19;
	v20 =	vmul.f32 v24, v24  }
0x344: {  	v14 =	vld [tilespmem:s0+$0xC0];
	v6 =	vadd.f32 v11, v6;
	v9 =	vadd.f32 v10, v9;
	v10 =	vmul.f32 v22, v22  }
0x345: {  	v16 =	vld [tilespmem:s0+$0x110];
	v3 =	vadd.f32 v3, v5;
	v4 =	vadd.f32 v20, v4;
	v20 =	vmul.f32 v27, v27  }
0x346: {  	v5 =	vmul.f32 v21, v21;
	v6 =	vadd.f32 v10, v6;
	v17 =	vmul.f32 v19, v17;
	v19 =	vld [tilespmem:s0+$0x60]  }
0x347: {  	v11 =	vld [tilespmem:s0+$0x100];
	v10 =	vmul.f32 v26, v26;
	v2 =	vadd.f32 v20, v2;
	v20 =	vmul.f32 v23, v23  }
0x348: {  	v18 =	vmul.f32 v18, v18;
	v24 =	vmul.f32 v17, v0;
	v23 =	vld [tilespmem:s0+$0xA0];
	v4 =	vadd.f32 v13, v4  }
0x349: {  	v3 =	vadd.f32 v10, v3;
	v10 =	vmul.f32 v14, v14;
	v13 =	vld [tilespmem:s0+$0xD0];
	v8 =	vadd.f32 v20, v8  }
0x34a: {  	v24 =	vtrunc.f32 v24;
	v20 =	vld [tilespmem:s0+$0xE0];
	v2 =	vadd.f32 v15, v2;
	v4 =	vadd.f32 v5, v4  }
0x34b: {  	v15 =	vld [tilespmem:s0+$0x120];
	v24 =	vcvt.f32.s32 v24;
	v5 =	vmul.f32 v19, v19;
	v8 =	vadd.f32 v12, v8  }
0x34c: {  	v19 =	vld [tilespmem:s0+$0x140];
	v2 =	vadd.f32 v18, v2;
	v4 =	vadd.f32 v10, v4  }
0x34d: {  	v12 =	vld [tilespmem:s0+$0x130];
	vm0 =	vlt.s32 v24, $0x3FF;
	v5 =	vadd.f32 v5, v7;
	v7 =	vmul.f32 v25, v25  }
0x34e: {  	v18 =	vld [tilespmem:s0+$0x150];
	v21 =	vmul.f32 v23, v23;
	v24 =	vnsel vm0, $0x3FF, v24;
	vm0 =	vgt.f32 v1, $0.0e+00  }
0x34f: {  	v7 =	vadd.f32 v7, v8;
	v8 =	vmul.f32 v13, v13;
	v13 =	vmul.f32 v20, v20;
	v20 =	vld [tilespmem:s0+$0x180]  }
0x350: {  	v14 =	vld [tilespmem:s0+$0x160];
	v10 =	vmul.f32 v11, v11;
	v11 =	vmul.f32 v16, v16;
	v1 =	vnsel vm0, $0x3FF, v24  }
0x351: {  	v16 =	vld [tilespmem:s0+$0x190];
	v9 =	vadd.f32 v21, v9;
	v6 =	vadd.f32 v8, v6;
	v8 =	vmul.f32 v15, v15  }
0x352: {  	v2 =	vadd.f32 v10, v2;
	v5 =	vadd.f32 v13, v5;
	v13 =	vld [tilespmem:s0+$0x1A0];
	v10 =	vmul.f32 v12, v12  }
0x353: {  	v3 =	vadd.f32 v11, v3;
	v11 =	vld [tilespmem:s0+$0x1B0];
	v8 =	vadd.f32 v8, v9;
	v9 =	vmul.f32 v19, v19  }
0x354: {  	v12 =	vmul.f32 v18, v18;
	v15 =	vld [tilespmem:s0+$0x1C0];
	v7 =	vadd.f32 v10, v7;
	v10 =	vmul.f32 v20, v20  }
0x355: {  	v22 =	vld.idx.msk [tilespmem:v1+s24+$0x0], $0xffff;
	v4 =	vadd.f32 v9, v4;
	v9 =	vmul.f32 v14, v14  }
0x356: {  	v18 =	vld [tilespmem:s0+$0x1D0];
	v6 =	vadd.f32 v12, v6;
	v14 =	vmul.f32 v16, v16;
	v12 =	vadd.f32 v10, v2  }
0x357: {  	v50 =	vmul.f32 v46, v46;
	v16 =	vld [tilespmem:s0+$0x1E0];
	v2 =	vmul.f32 v13, v13;
	v5 =	vadd.f32 v9, v5  }
0x358: {  	v13 =	vadd.f32 v14, v3;
	v3 =	vmul.f32 v11, v11;
	v11 =	vmax.f32 v12, $1.000000000e-30  }
0x359: {  	v14 =	vadd.f32 v2, v8;
	v2 =	vmul.f32 v15, v15;
	vm0 =	vgt.f32 v12, $0.0e+00  }
0x35a: {  	v17 =	vmul.f32 v17, v22;
	v15 =	vmax.f32 v13, $1.000000000e-30;
	v19 =	vadd.f32 v3, v7  }
0x35b: {  	v3 =	vmul.f32 v18, v18;
	v7 =	vmax.f32 v14, $1.000000000e-30;
	v10 =	vadd.f32 v2, v4  }
0x35c: {  	v2 =	vmul.f32 v16, v16;
	v4 =	vshra.s32 v11, $0x1;
	v16 =	vmax.f32 v19, $1.000000000e-30  }
0x35d: {  	v9 =	vadd.f32 v3, v6;
	v3 =	vmul.f32 $5.000000000e-01, v11;
	v18 =	vshra.s32 v7, $0x1  }
0x35e: {  	v12 =	vld [tilespmem:s18+$0x70];
	v21 =	vmul.f32 $5.000000000e-01, v7;
	v4 =	vsub.s32 $0x5F3759DF, v4;
	v6 =	vmax.f32 v10, $1.000000000e-30  }
0x35f: {  	v8 =	vadd.f32 v2, v5;
	v2 =	vshra.s32 v15, $0x1;
	v5 =	vmul.f32 $5.000000000e-01, v15  }
0x360: {  	v23 =	vshra.s32 v16, $0x1;
	v24 =	vmul.f32 $5.000000000e-01, v16;
	v18 =	vsub.s32 $0x5F3759DF, v18  }
0x361: {  	v20 =	vmax.f32 v9, $1.000000000e-30;
	v25 =	vshra.s32 v6, $0x1;
	v26 =	vmul.f32 $5.000000000e-01, v6  }
0x362: {  	v2 =	vsub.s32 $0x5F3759DF, v2;
	v23 =	vsub.s32 $0x5F3759DF, v23;
	v31 =	vmul.f32 v4, v3  }
0x363: {  	v58 =	vmul.f32 v18, v21;
	v12 =	vmul.f32 v12, v12;
	v22 =	vmax.f32 v8, $1.000000000e-30  }
0x364: {  	v27 =	vshra.s32 v20, $0x1;
	v28 =	vmul.f32 $5.000000000e-01, v20;
	v57 =	vmul.f32 v2, v5  }
0x365: {  	v25 =	vsub.s32 $0x5F3759DF, v25;
	v59 =	vmul.f32 v23, v24;
	v30 =	vmul.f32 $5.000000000e-01, v22  }
0x366: {  	v27 =	vsub.s32 $0x5F3759DF, v27;
	v60 =	vmul.f32 v25, v26;
	v31 =	vmul.f32 v4, v31  }
0x367: {  	v43 =	vld [tilespmem:s18+$0xFFFFFF20];
	v29 =	vshra.s32 v22, $0x1;
	v33 =	vmul.f32 v18, v58;
	v61 =	vmul.f32 v27, v28  }
0x368: {  	v47 =	vld [tilespmem:s18+$0xFFFFFFB0];
	v29 =	vsub.s32 $0x5F3759DF, v29;
	v32 =	vmul.f32 v2, v57;
	v34 =	vmul.f32 v23, v59  }
0x369: {  	v62 =	vmul.f32 v29, v30;
	v31 =	vsub.f32 $1.500000000e+00, v31;
	v35 =	vmul.f32 v25, v60  }
0x36a: {  	v32 =	vsub.f32 $1.500000000e+00, v32;
	v36 =	vmul.f32 v27, v61;
	v63 =	vsub.f32 $1.500000000e+00, v34  }
0x36b: {  	v37 =	vmul.f32 v29, v62;
	v4 =	vmul.f32 v4, v31;
	v31 =	vsub.f32 $1.500000000e+00, v33  }
0x36c: {  	v38 =	vsub.f32 $1.500000000e+00, v35;
	v35 =	vmul.f32 v43, v43;
	v2 =	vmul.f32 v2, v32  }
0x36d: {  	v39 =	vsub.f32 $1.500000000e+00, v36;
	v23 =	vmul.f32 v23, v63;
	v32 =	vmul.f32 v47, v47  }
0x36e: {  	v18 =	vmul.f32 v18, v31;
	v25 =	vmul.f32 v25, v38  }
0x36f: {  	v31 =	vsub.f32 $1.500000000e+00, v37;
	v3 =	vmul.f32 v4, v3;
	v27 =	vmul.f32 v27, v39  }
0x370: {  	v5 =	vmul.f32 v2, v5;
	v24 =	vmul.f32 v23, v24  }
0x371: {  	v29 =	vmul.f32 v29, v31;
	v21 =	vmul.f32 v18, v21  }
0x372: {  	v26 =	vmul.f32 v25, v26;
	v3 =	vmul.f32 v3, v4  }
0x373: {  	v28 =	vmul.f32 v27, v28;
	v5 =	vmul.f32 v5, v2  }
0x374: {  	v24 =	vmul.f32 v24, v23;
	v21 =	vmul.f32 v21, v18  }
0x375: {  	v30 =	vmul.f32 v29, v30;
	v3 =	vsub.f32 $1.500000000e+00, v3;
	v26 =	vmul.f32 v26, v25  }
0x376: {  	v31 =	vld.idx.msk [tilespmem:v1+s23+$0x0], $0xffff;
	v28 =	vmul.f32 v28, v27;
	v1 =	vsub.f32 $1.500000000e+00, v5;
	v5 =	vsub.f32 $1.500000000e+00, v21  }
0x377: {  	v21 =	vmul.f32 v30, v29;
	v3 =	vmul.f32 v3, v4;
	v4 =	vsub.f32 $1.500000000e+00, v24  }
0x378: {  	v24 =	vsub.f32 $1.500000000e+00, v26;
	v26 =	vld [tilespmem:s18+$0xFFFFFE70];
	v2 =	vmul.f32 v1, v2;
	v1 =	vsub.f32 $1.500000000e+00, v28  }
0x379: {  	v28 =	vld [tilespmem:s18+$0xFFFFFEF0];
	v5 =	vmul.f32 v5, v18;
	v4 =	vmul.f32 v4, v23  }
0x37a: {  	v18 =	vsub.f32 $1.500000000e+00, v21;
	v21 =	vmul.f32 v24, v25;
	v24 =	vmul.f32 v1, v27  }
0x37b: {  	v1 =	vmul.f32 v3, v11;
	v11 =	vld [tilespmem:s18+$0xFFFFFF70];
	v2 =	vmul.f32 v2, v15  }
0x37c: {  	v25 =	vmul.f32 v18, v29;
	v3 =	vmul.f32 v5, v7  }
0x37d: {  	vm1 =	vgt.f32 v13, $0.0e+00;
	v5 =	vmul.f32 v4, v16;
	v16 =	vld [tilespmem:s18+$0xFFFFFFF0];
	v7 =	vmul.f32 v21, v6  }
0x37e: {  	vm2 =	vgt.f32 v14, $0.0e+00;
	v23 =	vld [tilespmem:s18+$0xFFFFFE80];
	v26 =	vmul.f32 v26, v26;
	v27 =	vmul.f32 v28, v28  }
0x37f: {  	vm3 =	vgt.f32 v19, $0.0e+00;
	v15 =	vld [tilespmem:s18+$0xFFFFFE10];
	v6 =	vmul.f32 v24, v20;
	v13 =	vmul.f32 v1, v0  }
0x380: {  	v4 =	vmul.f32 v25, v22;
	v21 =	vadd.f32 v27, v26;
	v11 =	vmul.f32 v11, v11  }
0x381: {  	v18 =	vadd.f32 v17, v31;
	v24 =	vld [tilespmem:s18+$0xF0];
	v22 =	vmul.f32 v2, v0;
	v25 =	vmul.f32 v3, v0  }
0x382: {  	v17 =	vld [tilespmem:s18+$0xFFFFFE90];
	v14 =	vmul.f32 v5, v0;
	v16 =	vmul.f32 v16, v16;
	v11 =	vadd.f32 v11, v21  }
0x383: {  	vm4 =	vgt.f32 v10, $0.0e+00;
	v10 =	vtrunc.f32 v13;
	v21 =	vmul.f32 v23, v23;
	v23 =	vld [tilespmem:s18+$0x170]  }
0x384: {  	v40 =	vld [tilespmem:s18+$0xFFFFFF10];
	v27 =	vmul.f32 v7, v0;
	v15 =	vmul.f32 v15, v15;
	v11 =	vadd.f32 v16, v11  }
0x385: {  	v19 =	vld [tilespmem:s18+$0x1F0];
	vm5 =	vgt.f32 v9, $0.0e+00;
	v29 =	vmul.f32 v4, v0;
	v22 =	vtrunc.f32 v22  }
0x386: {  	v20 =	vld [tilespmem:s18+$0xFFFFFE20];
	v9 =	vtrunc.f32 v25;
	v11 =	vadd.f32 v12, v11;
	v12 =	vmul.f32 v24, v24  }
0x387: {  	v45 =	vld [tilespmem:s18+$0xFFFFFF40];
	v14 =	vtrunc.f32 v14;
	v10 =	vcvt.f32.s32 v10  }
0x388: {  	v48 =	vld [tilespmem:s18+$0xFFFFFFC0];
	v13 =	vmul.f32 v17, v17;
	v11 =	vadd.f32 v12, v11;
	v12 =	vmul.f32 v23, v23  }
0x389: {  	v49 =	vld [tilespmem:s18+$0xFFFFFFE0];
	v22 =	vcvt.f32.s32 v22;
	v9 =	vcvt.f32.s32 v9  }
0x38a: {  	v57 =	vld [tilespmem:s18+$0x110];
	v14 =	vcvt.f32.s32 v14;
	v11 =	vadd.f32 v12, v11;
	v12 =	vmul.f32 v19, v19  }
0x38b: {  	vm6 =	vgt.f32 v8, $0.0e+00;
	v30 =	vld [tilespmem:s18+$0xFFFFFEB0];
	v20 =	vmul.f32 v20, v20;
	v8 =	vtrunc.f32 v27  }
0x38c: {  	v25 =	vld [tilespmem:s18+$0xFFFFFED0];
	v27 =	vtrunc.f32 v29;
	vm7 =	vlt.s32 v10, $0x3FF;
	v11 =	vadd.f32 v12, v11  }
0x38d: {  	v26 =	vld [tilespmem:s18+$0xFFFFFEA0];
	v8 =	vcvt.f32.s32 v8;
	vm13 =	vlt.s32 v22, $0x3FF;
	v27 =	vcvt.f32.s32 v27  }
0x38e: {  	v28 =	vld [tilespmem:s18+$0xFFFFFE30];
	vm12 =	vlt.s32 v9, $0x3FF;
	vm10 =	vlt.s32 v14, $0x3FF;
	v31 =	vmax.f32 v11, $1.000000000e-30  }
0x38f: {  	v17 =	vld [tilespmem:s18+$0xFFFFFE40];
	v10 =	vnsel vm7, $0x3FF, v10;
	v41 =	vshra.s32 v31, $0x1;
	v42 =	vmul.f32 $5.000000000e-01, v31  }
0x390: {  	v16 =	vmul.f32 v6, v0;
	v22 =	vnsel vm13, $0x3FF, v22;
	v24 =	vld [tilespmem:s18+$0xFFFFFEC0];
	v33 =	vsub.s32 $0x5F3759DF, v41  }
0x391: {  	v9 =	vnsel vm12, $0x3FF, v9;
	v25 =	vmul.f32 v25, v25;
	v23 =	vld [tilespmem:s18+$0xFFFFFE50];
	v44 =	vmul.f32 v33, v42  }
0x392: {  	v60 =	vnsel vm1, $0x3FF, v22;
	v22 =	vmul.f32 v57, v57;
	v19 =	vmul.f32 v26, v26;
	v26 =	vld [tilespmem:s18+$0xFFFFFE60]  }
0x393: {  	v29 =	vld [tilespmem:s18+$0xFFFFFEE0];
	v14 =	vnsel vm10, $0x3FF, v14;
	v16 =	vtrunc.f32 v16;
	v36 =	vmul.f32 v33, v44  }
0x394: {  	v17 =	vmul.f32 v17, v17;
	v12 =	vadd.f32 v13, v15;
	v13 =	vmul.f32 v28, v28;
	v15 =	vld [tilespmem:s18+$0xFFFFFE00]  }
0x395: {  	v51 =	vld [tilespmem:s18+$0x50];
	v19 =	vadd.f32 v19, v20;
	v20 =	vmul.f32 v24, v24;
	v36 =	vsub.f32 $1.500000000e+00, v36  }
0x396: {  	vm11 =	vlt.s32 v8, $0x3FF;
	v28 =	vmul.f32 v30, v30;
	v30 =	vld [tilespmem:s18+$0xFFFFFF00];
	v23 =	vmul.f32 v23, v23  }
0x397: {  	v17 =	vadd.f32 v20, v17;
	v20 =	vmul.f32 v26, v26;
	v26 =	vld [tilespmem:s18+$0xFFFFFF60];
	v33 =	vmul.f32 v33, v36  }
0x398: {  	v16 =	vcvt.f32.s32 v16;
	v23 =	vadd.f32 v25, v23;
	v25 =	vmul.f32 v29, v29;
	v29 =	vld [tilespmem:s18+$0xFFFFFF80]  }
0x399: {  	vm9 =	vlt.s32 v27, $0x3FF;
	v24 =	vld [tilespmem:s18+$0xFFFFFF30];
	v15 =	vmul.f32 v15, v15;
	v34 =	vmul.f32 v33, v42  }
0x39a: {  	vm8 =	vlt.s32 v16, $0x3FF;
	v13 =	vadd.f32 v28, v13;
	v20 =	vadd.f32 v25, v20;
	v25 =	vld [tilespmem:s18+$0xFFFFFFA0]  }
0x39b: {  	v28 =	vld [tilespmem:s18+$0xFFFFFF50];
	v30 =	vmul.f32 v30, v30;
	v15 =	vadd.f32 v21, v15;
	v34 =	vmul.f32 v34, v33  }
0x39c: {  	v52 =	vld [tilespmem:s18+$0x60];
	v19 =	vadd.f32 v35, v19;
	v21 =	vmul.f32 v40, v40;
	v26 =	vmul.f32 v26, v26  }
0x39d: {  	v53 =	vld [tilespmem:s18+$0x80];
	v29 =	vmul.f32 v29, v29;
	v15 =	vadd.f32 v30, v15;
	v34 =	vsub.f32 $1.500000000e+00, v34  }
0x39e: {  	v12 =	vadd.f32 v21, v12;
	v21 =	vmul.f32 v24, v24;
	v24 =	vld [tilespmem:s18+$0xFFFFFFD0];
	v30 =	vmul.f32 v45, v45  }
0x39f: {  	v20 =	vadd.f32 v26, v20;
	v26 =	vld [tilespmem:s18+$0x30];
	v25 =	vmul.f32 v25, v25;
	v33 =	vmul.f32 v34, v33  }
0x3a0: {  	v13 =	vadd.f32 v21, v13;
	v21 =	vmul.f32 v28, v28;
	v28 =	vld [tilespmem:s18+$0x0];
	v17 =	vadd.f32 v30, v17  }
0x3a1: {  	v30 =	vld [tilespmem:s18+$0x10];
	v15 =	vadd.f32 v29, v15;
	v12 =	vadd.f32 v50, v12;
	v31 =	vmul.f32 v33, v31  }
0x3a2: {  	v55 =	vld [tilespmem:s18+$0x90];
	v19 =	vadd.f32 v25, v19;
	v25 =	vmul.f32 v48, v48;
	v21 =	vadd.f32 v21, v23  }
0x3a3: {  	v23 =	vld [tilespmem:s18+$0x20];
	v13 =	vadd.f32 v32, v13;
	v24 =	vmul.f32 v24, v24;
	v54 =	vmul.f32 v31, v0  }
0x3a4: {  	v56 =	vld [tilespmem:s18+$0xE0];
	v17 =	vadd.f32 v25, v17;
	v25 =	vmul.f32 v49, v49;
	v26 =	vmul.f32 v26, v26  }
0x3a5: {  	v29 =	vld [tilespmem:s18+$0x40];
	v28 =	vmul.f32 v28, v28;
	v21 =	vadd.f32 v24, v21;
	v36 =	vtrunc.f32 v54  }
0x3a6: {  	v58 =	vld [tilespmem:s18+$0x120];
	v30 =	vmul.f32 v30, v30;
	v20 =	vadd.f32 v25, v20;
	v36 =	vcvt.f32.s32 v36  }
0x3a7: {  	v24 =	vld [tilespmem:s18+$0xA0];
	v13 =	vadd.f32 v26, v13;
	v26 =	vmul.f32 v51, v51;
	v15 =	vadd.f32 v28, v15  }
0x3a8: {  	v23 =	vmul.f32 v23, v23;
	v28 =	vld [tilespmem:s18+$0xC0];
	v12 =	vadd.f32 v30, v12;
	vm7 =	vlt.s32 v36, $0x3FF  }
0x3a9: {  	v25 =	vld [tilespmem:s18+$0xB0];
	v21 =	vadd.f32 v26, v21;
	v26 =	vmul.f32 v55, v55;
	v36 =	vnsel vm7, $0x3FF, v36  }
0x3aa: {  	v59 =	vld [tilespmem:s18+$0x130];
	vm7 =	vgt.f32 v11, $0.0e+00;
	v11 =	vadd.f32 v23, v19;
	v19 =	vmul.f32 v29, v29  }
0x3ab: {  	v16 =	vnsel vm8, $0x3FF, v16;
	v30 =	vld [tilespmem:s18+$0xD0];
	v33 =	vmul.f32 v52, v52;
	v12 =	vadd.f32 v26, v12  }
0x3ac: {  	v24 =	vmul.f32 v24, v24;
	v23 =	vld [tilespmem:s18+$0x100];
	v17 =	vadd.f32 v19, v17;
	v19 =	vmul.f32 v53, v53  }
0x3ad: {  	v26 =	vmul.f32 v28, v28;
	v12 =	vadd.f32 v22, v12;
	v22 =	vld [tilespmem:s18+$0x1A0];
	v29 =	vnsel vm7, $0x3FF, v36  }
0x3ae: {  	v36 =	vnsel vm5, $0x3FF, v16;
	v16 =	vld [tilespmem:s18+$0x1C0];
	v15 =	vadd.f32 v19, v15;
	v19 =	vmul.f32 v25, v25  }
0x3af: {  	v9 =	vnsel vm2, $0x3FF, v9;
	v20 =	vadd.f32 v33, v20;
	v11 =	vadd.f32 v24, v11;
	v24 =	vld [tilespmem:s18+$0x150]  }
0x3b0: {  	v25 =	vld [tilespmem:s18+$0x140];
	v17 =	vadd.f32 v26, v17;
	v26 =	vmul.f32 v56, v56;
	v13 =	vadd.f32 v19, v13  }
0x3b1: {  	v19 =	vmul.f32 v30, v30;
	v30 =	vnsel vm0, $0x3FF, v10;
	v10 =	vmul.f32 v23, v23;
	v23 =	vld [tilespmem:s18+$0x180]  }
0x3b2: {  	v8 =	vnsel vm11, $0x3FF, v8;
	v27 =	vnsel vm9, $0x3FF, v27;
	v20 =	vadd.f32 v26, v20;
	v26 =	vld [tilespmem:s18+$0x190]  }
0x3b3: {  	v37 =	vnsel vm6, $0x3FF, v27;
	v32 =	vnsel vm3, $0x3FF, v14;
	v14 =	vmul.f32 v59, v59;
	v28 =	vld.idx.msk [tilespmem:v29+s24+$0x0], $0xffff  }
0x3b4: {  	v19 =	vadd.f32 v19, v21;
	v21 =	vld [tilespmem:s18+$0x160];
	v10 =	vadd.f32 v10, v15;
	v15 =	vmul.f32 v58, v58  }
0x3b5: {  	v33 =	vnsel vm4, $0x3FF, v8;
	v29 =	vld.idx.msk [tilespmem:v29+s23+$0x0], $0xffff;
	v13 =	vadd.f32 v14, v13;
	v14 =	vmul.f32 v24, v24  }
0x3b6: {  	v22 =	vmul.f32 v22, v22;
	v8 =	vadd.f32 v15, v11;
	v11 =	vmul.f32 v25, v25;
	v15 =	vld [tilespmem:s18+$0x1B0]  }
0x3b7: {  	v14 =	vadd.f32 v14, v19;
	v19 =	vmul.f32 v23, v23;
	v24 =	vmul.f32 v26, v26  }
0x3b8: {  	v11 =	vadd.f32 v11, v17;
	v17 =	vmul.f32 v31, v28;
	v8 =	vadd.f32 v22, v8  }
0x3b9: {  	v16 =	vmul.f32 v16, v16;
	v23 =	vld [tilespmem:s18+$0x1D0];
	v21 =	vmul.f32 v21, v21;
	v10 =	vadd.f32 v19, v10  }
0x3ba: {  	v12 =	vadd.f32 v24, v12;
	v38 =	vadd.f32 v17, v29;
	v25 =	vmax.f32 v8, $1.000000000e-30  }
0x3bb: {  	v17 =	vld [tilespmem:s18+$0x1E0];
	vm1 =	vgt.f32 v8, $0.0e+00;
	v15 =	vmul.f32 v15, v15;
	v19 =	vadd.f32 v21, v20  }
0x3bc: {  	v26 =	vmax.f32 v10, $1.000000000e-30;
	v27 =	vmax.f32 v12, $1.000000000e-30;
	v20 =	vadd.f32 v16, v11  }
0x3bd: {  	v21 =	vmul.f32 $5.000000000e-01, v25;
	vm2 =	vgt.f32 v10, $0.0e+00;
	v16 =	vshra.s32 v26, $0x1  }
0x3be: {  	v15 =	vadd.f32 v15, v13;
	v13 =	vmul.f32 v23, v23;
	v22 =	vmax.f32 v20, $1.000000000e-30  }
0x3bf: {  	v16 =	vsub.s32 $0x5F3759DF, v16;
	v61 =	vshra.s32 v22, $0x1;
	v40 =	vmul.f32 $5.000000000e-01, v22  }
0x3c0: {  	v11 =	vmul.f32 v17, v17;
	v24 =	vmax.f32 v15, $1.000000000e-30;
	v17 =	vadd.f32 v13, v14  }
0x3c1: {  	v13 =	vmul.f32 $5.000000000e-01, v26;
	v14 =	vshra.s32 v25, $0x1;
	v34 =	vsub.s32 $0x5F3759DF, v61  }
0x3c2: {  	v28 =	vshra.s32 v24, $0x1;
	v39 =	vmul.f32 $5.000000000e-01, v24;
	v45 =	vsub.s32 $0x5F3759DF, v14  }
0x3c3: {  	v49 =	vmul.f32 v34, v40;
	v31 =	vadd.f32 v11, v19;
	v11 =	vshra.s32 v27, $0x1  }
0x3c4: {  	v19 =	vmul.f32 $5.000000000e-01, v27;
	v23 =	vmax.f32 v17, $1.000000000e-30;
	v28 =	vsub.s32 $0x5F3759DF, v28  }
0x3c5: {  	v14 =	vmul.f32 v16, v13;
	v47 =	vmul.f32 v45, v21;
	v41 =	vshra.s32 v23, $0x1  }
0x3c6: {  	v42 =	vmul.f32 $5.000000000e-01, v23;
	v11 =	vsub.s32 $0x5F3759DF, v11;
	v48 =	vmul.f32 v28, v39  }
0x3c7: {  	v49 =	vmul.f32 v34, v49;
	v29 =	vmax.f32 v31, $1.000000000e-30;
	v46 =	vmul.f32 v11, v19  }
0x3c8: {  	v41 =	vsub.s32 $0x5F3759DF, v41;
	v14 =	vmul.f32 v16, v14;
	v47 =	vmul.f32 v45, v47  }
0x3c9: {  	v43 =	vshra.s32 v29, $0x1;
	v44 =	vmul.f32 $5.000000000e-01, v29;
	v50 =	vmul.f32 v41, v42  }
0x3ca: {  	v48 =	vmul.f32 v28, v48;
	v62 =	vsub.f32 $1.500000000e+00, v49;
	v46 =	vmul.f32 v11, v46  }
0x3cb: {  	v43 =	vsub.s32 $0x5F3759DF, v43;
	v14 =	vsub.f32 $1.500000000e+00, v14;
	v47 =	vsub.f32 $1.500000000e+00, v47  }
0x3cc: {  	v51 =	vmul.f32 v43, v44;
	v50 =	vmul.f32 v41, v50;
	v46 =	vsub.f32 $1.500000000e+00, v46  }
0x3cd: {  	s3 =	simm.s32 $0x10040;
	v52 =	vmul.f32 v16, v14;
	v16 =	vsub.f32 $1.500000000e+00, v48;
	v45 =	vmul.f32 v45, v47  }
0x3ce: {  	[tilespmem:s3+$0x30] =	vst v18;
	v18 =	vld.idx.msk [tilespmem:v37+s23+$0x0], $0xffff;
	vm0 =	vgt.f32 v12, $0.0e+00;
	v48 =	vmul.f32 v34, v62;
	v51 =	vmul.f32 v43, v51  }
0x3cf: {  	v10 =	vld.idx.msk [tilespmem:v32+s24+$0x0], $0xffff;
	v63 =	vsub.f32 $1.500000000e+00, v50;
	v46 =	vmul.f32 v11, v46;
	v47 =	vmul.f32 v28, v16  }
0x3d0: {  	v12 =	vld.idx.msk [tilespmem:v33+s24+$0x0], $0xffff;
	vm4 =	vgt.f32 v20, $0.0e+00;
	v53 =	vmul.f32 v52, v13;
	v8 =	vmul.f32 v45, v21  }
0x3d1: {  	v20 =	vld.idx.msk [tilespmem:v60+s23+$0x0], $0xffff;
	v54 =	vmul.f32 v48, v40;
	v28 =	vsub.f32 $1.500000000e+00, v51;
	v41 =	vmul.f32 v41, v63  }
0x3d2: {  	vm3 =	vgt.f32 v15, $0.0e+00;
	v15 =	vld.idx.msk [tilespmem:v37+s24+$0x0], $0xffff;
	v19 =	vmul.f32 v46, v19;
	v57 =	vmul.f32 v53, v52  }
0x3d3: {  	v14 =	vld.idx.msk [tilespmem:v30+s24+$0x0], $0xffff;
	v58 =	vmul.f32 v54, v48;
	v34 =	vmul.f32 v43, v28  }
0x3d4: {  	v11 =	vld.idx.msk [tilespmem:v60+s24+$0x0], $0xffff;
	v28 =	vmul.f32 v47, v39;
	v55 =	vmul.f32 v41, v42  }
0x3d5: {  	vm5 =	vgt.f32 v17, $0.0e+00;
	v16 =	vld.idx.msk [tilespmem:v9+s24+$0x0], $0xffff;
	v17 =	vmul.f32 v19, v46;
	v19 =	vmul.f32 v8, v45  }
0x3d6: {  	v21 =	vld.idx.msk [tilespmem:v30+s23+$0x0], $0xffff;
	v63 =	vsub.f32 $1.500000000e+00, v58;
	v56 =	vmul.f32 v34, v44;
	v30 =	vmul.f32 v28, v47  }
0x3d7: {  	v13 =	vld.idx.msk [tilespmem:v36+s24+$0x0], $0xffff;
	v28 =	vsub.f32 $1.500000000e+00, v57;
	v59 =	vmul.f32 v55, v41;
	v60 =	vsub.f32 $1.500000000e+00, v17  }
0x3d8: {  	v8 =	vld.idx.msk [tilespmem:v9+s23+$0x0], $0xffff;
	v61 =	vsub.f32 $1.500000000e+00, v19;
	v35 =	vmul.f32 v63, v48;
	v42 =	vmul.f32 v56, v34  }
0x3d9: {  	v9 =	vld.idx.msk [tilespmem:v32+s23+$0x0], $0xffff;
	v28 =	vmul.f32 v28, v52;
	v62 =	vsub.f32 $1.500000000e+00, v30;
	v39 =	vsub.f32 $1.500000000e+00, v59  }
0x3da: {  	s0 =	simm.s32 $0x100C0;
	v19 =	vld.idx.msk [tilespmem:v36+s23+$0x0], $0xffff;
	v30 =	vmul.f32 v60, v46;
	v32 =	vmul.f32 v61, v45;
	v36 =	vsub.f32 $1.500000000e+00, v42  }
0x3db: {  	s1 =	simm.s32 $0x8;
	s4 =	simm.s32 $0xA00;
	s2 =	simm.s32 $0x100C0;
	[tilespmem:s0+$0x30] =	vst v38;
	vm6 =	vgt.f32 v31, $0.0e+00;
	v17 =	vld.idx.msk [tilespmem:v33+s23+$0x0], $0xffff;
	v31 =	vmul.f32 v62, v47;
	v33 =	vmul.f32 v39, v41  }
.LBB2_8:
0x3dc: {  	v37 =	vld [tilespmem:s4+$0xFFFFFE70];
	v28 =	vmul.f32 v28, v26;
	v34 =	vmul.f32 v36, v34  }
0x3dd: {  	s1 =	sadd.s32 $0x8, s1;
	v27 =	vmul.f32 v30, v27;
	v26 =	vmul.f32 v32, v25;
	v36 =	vld [tilespmem:s4+$0xFFFFFEF0]  }
0x3de: {  	v25 =	vmul.f32 v31, v24;
	p0 =	slt.u32 s1, $0xF8;
	v24 =	vmul.f32 v35, v22;
	v30 =	vld [tilespmem:s4+$0xFFFFFE80]  }
0x3df: {  	v22 =	vmul.f32 v33, v23;
	v23 =	vmul.f32 v34, v29;
	v31 =	vld [tilespmem:s4+$0xFFFFFF70]  }
0x3e0: {  	v32 =	vmul.f32 v28, v0;
	v33 =	vmul.f32 v27, v0;
	v29 =	vld [tilespmem:s4+$0xFFFFFE10]  }
0x3e1: {  	v35 =	vmul.f32 v26, v0;
	v38 =	vmul.f32 v25, v0;
	v34 =	vld [tilespmem:s4+$0xFFFFFFF0]  }
0x3e2: {  	v37 =	vmul.f32 v37, v37;
	v39 =	vld [tilespmem:s4+$0xFFFFFE90];
	v36 =	vmul.f32 v36, v36  }
0x3e3: {  	v41 =	vmul.f32 v24, v0;
	v40 =	vmul.f32 v30, v30;
	v30 =	vld [tilespmem:s4+$0x70]  }
0x3e4: {  	v42 =	vld [tilespmem:s4+$0xFFFFFE20];
	v36 =	vadd.f32 v36, v37;
	v31 =	vmul.f32 v31, v31;
	v37 =	vmul.f32 v22, v0  }
0x3e5: {  	v44 =	vmul.f32 v23, v0;
	v29 =	vmul.f32 v29, v29;
	v43 =	vld [tilespmem:s4+$0xF0]  }
0x3e6: {  	v32 =	vtrunc.f32 v32;
	v45 =	vld [tilespmem:s4+$0xFFFFFEA0];
	v31 =	vadd.f32 v31, v36;
	v34 =	vmul.f32 v34, v34  }
0x3e7: {  	v33 =	vtrunc.f32 v33;
	v36 =	vmul.f32 v39, v39;
	v39 =	vld [tilespmem:s4+$0x170]  }
0x3e8: {  	v46 =	vld [tilespmem:s4+$0xFFFFFE30];
	v31 =	vadd.f32 v34, v31;
	v30 =	vmul.f32 v30, v30;
	v34 =	vtrunc.f32 v35  }
0x3e9: {  	v38 =	vtrunc.f32 v38;
	v35 =	vadd.f32 v36, v29;
	v29 =	vmul.f32 v42, v42;
	v36 =	vld [tilespmem:s4+$0x1F0]  }
0x3ea: {  	v41 =	vtrunc.f32 v41;
	v42 =	vld [tilespmem:s4+$0xFFFFFEB0];
	v30 =	vadd.f32 v30, v31;
	v31 =	vmul.f32 v43, v43  }
0x3eb: {  	v37 =	vtrunc.f32 v37;
	v43 =	vmul.f32 v45, v45;
	v45 =	vld [tilespmem:s4+$0xFFFFFE40]  }
0x3ec: {  	v47 =	vld [tilespmem:s4+$0xFFFFFEC0];
	v30 =	vadd.f32 v31, v30;
	v31 =	vmul.f32 v39, v39;
	v39 =	vtrunc.f32 v44  }
0x3ed: {  	v48 =	vcvt.f32.s32 v32;
	v43 =	vadd.f32 v43, v29;
	v44 =	vmul.f32 v46, v46;
	v46 =	vld [tilespmem:s4+$0xFFFFFE50]  }
0x3ee: {  	v33 =	vcvt.f32.s32 v33;
	v49 =	vld [tilespmem:s4+$0xFFFFFED0];
	v29 =	vadd.f32 v31, v30;
	v30 =	vmul.f32 v36, v36  }
0x3ef: {  	vm7 =	vlt.s32 v48, $0x3FF;
	v34 =	vcvt.f32.s32 v34;
	v31 =	vmul.f32 v42, v42;
	v36 =	vld [tilespmem:s4+$0xFFFFFE60]  }
0x3f0: {  	v38 =	vcvt.f32.s32 v38;
	v42 =	vmul.f32 v45, v45;
	v45 =	vld [tilespmem:s4+$0xFFFFFEE0];
	v29 =	vadd.f32 v30, v29  }
0x3f1: {  	v32 =	vcvt.f32.s32 v41;
	v50 =	vld [tilespmem:s4+$0xFFFFFE00];
	v44 =	vadd.f32 v31, v44;
	v31 =	vmul.f32 v47, v47  }
0x3f2: {  	v30 =	vcvt.f32.s32 v37;
	v41 =	vld [tilespmem:s4+$0xFFFFFF00];
	v46 =	vmul.f32 v46, v46;
	v47 =	vmax.f32 v29, $1.000000000e-30  }
0x3f3: {  	v37 =	vld [tilespmem:s4+$0xFFFFFF10];
	v49 =	vmul.f32 v49, v49;
	v51 =	vshra.s32 v47, $0x1;
	v52 =	vmul.f32 $5.000000000e-01, v47  }
0x3f4: {  	v42 =	vadd.f32 v31, v42;
	v53 =	vld [tilespmem:s4+$0xFFFFFF20];
	v36 =	vmul.f32 v36, v36;
	v51 =	vsub.s32 $0x5F3759DF, v51  }
0x3f5: {  	v54 =	vld [tilespmem:s4+$0xFFFFFF30];
	v46 =	vadd.f32 v49, v46;
	v45 =	vmul.f32 v45, v45;
	v49 =	vmul.f32 v51, v52  }
0x3f6: {  	vm12 =	vlt.s32 v33, $0x3FF;
	v31 =	vcvt.f32.s32 v39;
	v50 =	vmul.f32 v50, v50;
	v55 =	vld [tilespmem:s4+$0xFFFFFF40]  }
0x3f7: {  	v39 =	vmul.f32 v41, v41;
	v41 =	vld [tilespmem:s4+$0xFFFFFF50];
	v36 =	vadd.f32 v45, v36;
	v45 =	vmul.f32 v51, v49  }
0x3f8: {  	vm13 =	vlt.s32 v34, $0x3FF;
	v40 =	vadd.f32 v40, v50;
	v37 =	vmul.f32 v37, v37;
	v49 =	vld [tilespmem:s4+$0xFFFFFF60]  }
0x3f9: {  	vm10 =	vlt.s32 v38, $0x3FF;
	v50 =	vld [tilespmem:s4+$0xFFFFFF80];
	v53 =	vmul.f32 v53, v53;
	v45 =	vsub.f32 $1.500000000e+00, v45  }
0x3fa: {  	v39 =	vadd.f32 v39, v40;
	v35 =	vadd.f32 v37, v35;
	v37 =	vld [tilespmem:s4+$0xFFFFFF90];
	v40 =	vmul.f32 v54, v54  }
0x3fb: {  	v43 =	vadd.f32 v53, v43;
	v53 =	vld [tilespmem:s4+$0xFFFFFFA0];
	v54 =	vmul.f32 v55, v55;
	v45 =	vmul.f32 v51, v45  }
0x3fc: {  	vm11 =	vlt.s32 v32, $0x3FF;
	v40 =	vadd.f32 v40, v44;
	v44 =	vld [tilespmem:s4+$0xFFFFFFB0];
	v41 =	vmul.f32 v41, v41  }
0x3fd: {  	v42 =	vadd.f32 v54, v42;
	v51 =	vld [tilespmem:s4+$0xFFFFFFC0];
	v49 =	vmul.f32 v49, v49;
	v52 =	vmul.f32 v45, v52  }
0x3fe: {  	vm8 =	vlt.s32 v30, $0x3FF;
	v50 =	vmul.f32 v50, v50;
	v41 =	vadd.f32 v41, v46;
	v46 =	vld [tilespmem:s4+$0xFFFFFFD0]  }
0x3ff: {  	v37 =	vmul.f32 v37, v37;
	v36 =	vadd.f32 v49, v36;
	v49 =	vld [tilespmem:s4+$0xFFFFFFE0];
	v52 =	vmul.f32 v52, v45  }
0x400: {  	vm9 =	vlt.s32 v31, $0x3FF;
	v39 =	vadd.f32 v50, v39;
	v50 =	vld [tilespmem:s4+$0x0];
	v53 =	vmul.f32 v53, v53  }
0x401: {  	v35 =	vadd.f32 v37, v35;
	v37 =	vld [tilespmem:s4+$0x10];
	v44 =	vmul.f32 v44, v44;
	v52 =	vsub.f32 $1.500000000e+00, v52  }
0x402: {  	v48 =	vnsel vm7, $0x3FF, v48;
	v43 =	vadd.f32 v53, v43;
	v53 =	vld [tilespmem:s4+$0x20];
	v51 =	vmul.f32 v51, v51  }
0x403: {  	v40 =	vadd.f32 v44, v40;
	v44 =	vld [tilespmem:s4+$0x30];
	v46 =	vmul.f32 v46, v46;
	v45 =	vmul.f32 v52, v45  }
0x404: {  	v33 =	vnsel vm12, $0x3FF, v33;
	v42 =	vadd.f32 v51, v42;
	v51 =	vld [tilespmem:s4+$0x40];
	v49 =	vmul.f32 v49, v49  }
0x405: {  	v50 =	vmul.f32 v50, v50;
	v41 =	vadd.f32 v46, v41;
	v46 =	vld [tilespmem:s4+$0x50];
	v45 =	vmul.f32 v45, v47  }
0x406: {  	v34 =	vnsel vm13, $0x3FF, v34;
	v37 =	vmul.f32 v37, v37;
	v36 =	vadd.f32 v49, v36;
	v47 =	vld [tilespmem:s4+$0x60]  }
0x407: {  	v39 =	vadd.f32 v50, v39;
	v49 =	vld [tilespmem:s4+$0x80];
	v50 =	vmul.f32 v53, v53;
	v52 =	vmul.f32 v45, v0  }
0x408: {  	v38 =	vnsel vm10, $0x3FF, v38;
	v35 =	vadd.f32 v37, v35;
	v37 =	vld [tilespmem:s4+$0x90];
	v44 =	vmul.f32 v44, v44  }
0x409: {  	v43 =	vadd.f32 v50, v43;
	v50 =	vld [tilespmem:s4+$0xA0];
	v51 =	vmul.f32 v51, v51;
	v52 =	vtrunc.f32 v52  }
0x40a: {  	v40 =	vadd.f32 v44, v40;
	v44 =	vld [tilespmem:s4+$0xB0];
	v46 =	vmul.f32 v46, v46;
	v52 =	vcvt.f32.s32 v52  }
0x40b: {  	v32 =	vnsel vm11, $0x3FF, v32;
	v42 =	vadd.f32 v51, v42;
	v51 =	vld [tilespmem:s4+$0xC0];
	v47 =	vmul.f32 v47, v47  }
0x40c: {  	v49 =	vmul.f32 v49, v49;
	v41 =	vadd.f32 v46, v41;
	v46 =	vld [tilespmem:s4+$0xD0];
	vm7 =	vlt.s32 v52, $0x3FF  }
0x40d: {  	v36 =	vadd.f32 v47, v36;
	v47 =	vld [tilespmem:s4+$0xE0];
	v52 =	vnsel vm7, $0x3FF, v52;
	vm7 =	vgt.f32 v29, $0.0e+00  }
0x40e: {  	v37 =	vmul.f32 v37, v37;
	v29 =	vld [tilespmem:s4+$0x100];
	v50 =	vmul.f32 v50, v50;
	v52 =	vnsel vm7, $0x3FF, v52  }
0x40f: {  	v30 =	vnsel vm8, $0x3FF, v30;
	v39 =	vadd.f32 v49, v39;
	v49 =	vld [tilespmem:s4+$0x110];
	v44 =	vmul.f32 v44, v44  }
0x410: {  	v35 =	vadd.f32 v37, v35;
	v37 =	vadd.f32 v50, v43;
	v43 =	vld [tilespmem:s4+$0x120];
	v50 =	vmul.f32 v51, v51  }
0x411: {  	v31 =	vnsel vm9, $0x3FF, v31;
	v40 =	vadd.f32 v44, v40;
	v44 =	vld [tilespmem:s4+$0x130];
	v46 =	vmul.f32 v46, v46  }
0x412: {  	v48 =	vnsel vm2, $0x3FF, v48;
	v42 =	vadd.f32 v50, v42;
	v50 =	vld [tilespmem:s4+$0x140];
	v47 =	vmul.f32 v47, v47  }
0x413: {  	v51 =	vnsel vm0, $0x3FF, v33;
	v29 =	vmul.f32 v29, v29;
	v41 =	vadd.f32 v46, v41;
	v46 =	vld.idx.msk [tilespmem:v52+s24+$0x0], $0xffff  }
0x414: {  	v34 =	vnsel vm1, $0x3FF, v34;
	v33 =	vmul.f32 v49, v49;
	v49 =	vld [tilespmem:s4+$0x150];
	v36 =	vadd.f32 v47, v36  }
0x415: {  	v38 =	vnsel vm3, $0x3FF, v38;
	v29 =	vadd.f32 v29, v39;
	v39 =	vmul.f32 v43, v43;
	v43 =	vld.idx.msk [tilespmem:v52+s23+$0x0], $0xffff  }
0x416: {  	v47 =	vnsel vm4, $0x3FF, v32;
	v33 =	vadd.f32 v33, v35;
	v35 =	vmul.f32 v44, v44;
	v44 =	vld [tilespmem:s4+$0x160]  }
0x417: {  	v32 =	vld [tilespmem:s4+$0x180];
	v37 =	vadd.f32 v39, v37;
	v39 =	vmul.f32 v50, v50;
	v50 =	vnsel vm5, $0x3FF, v30  }
0x418: {  	v14 =	vmul.f32 v1, v14;
	v1 =	vmovc v28;
	v52 =	vld [tilespmem:s4+$0x190];
	v35 =	vadd.f32 v35, v40;
	v40 =	vnsel vm6, $0x3FF, v31  }
0x419: {  	v31 =	vmul.f32 v45, v46;
	v53 =	vld [tilespmem:s4+$0x1A0];
	v39 =	vadd.f32 v39, v42;
	v30 =	vmul.f32 v49, v49  }
0x41a: {  	v11 =	vmul.f32 v2, v11;
	v14 =	vadd.f32 v14, v21;
	v28 =	vmul.f32 v3, v16;
	v2 =	vmovc v27;
	v42 =	vld [tilespmem:s4+$0x1B0]  }
0x41b: {  	v3 =	vmovc v26;
	v31 =	vadd.f32 v31, v43;
	v16 =	vld [tilespmem:s4+$0x1C0];
	v21 =	vadd.f32 v30, v41;
	v27 =	vmul.f32 v44, v44  }
0x41c: {  	s0 =	sadd.s32 $0x80, s0;
	v20 =	vadd.f32 v11, v20;
	v30 =	vmul.f32 v5, v10;
	v26 =	vmul.f32 v32, v32;
	v41 =	vld [tilespmem:s4+$0x1D0];
	[tilespmem:s3+$0xFFFFFFC0] =	vst v14  }
0x41d: {  	v5 =	vmul.f32 v52, v52;
	v36 =	vadd.f32 v27, v36;
	v43 =	vld [tilespmem:s4+$0x1E0];
	[tilespmem:s0+$0x30] =	vst v31;
	v31 =	vmul.f32 v7, v12  }
0x41e: {  	v32 =	vmul.f32 v6, v13;
	v44 =	vadd.f32 v26, v29;
	v7 =	vmul.f32 v53, v53;
	v14 =	vld.idx.msk [tilespmem:v48+s24+$0x0], $0xffff  }
0x41f: {  	v45 =	vadd.f32 v5, v33;
	v12 =	vmul.f32 v42, v42;
	v11 =	vld.idx.msk [tilespmem:v51+s24+$0x0], $0xffff;
	v33 =	vmul.f32 v4, v15  }
0x420: {  	v26 =	vmax.f32 v44, $1.000000000e-30;
	v37 =	vadd.f32 v7, v37;
	v29 =	vmul.f32 v16, v16;
	v16 =	vld.idx.msk [tilespmem:v34+s24+$0x0], $0xffff;
	[tilespmem:s3+$0xFFFFFFD0] =	vst v20  }
0x421: {  	v27 =	vmax.f32 v45, $1.000000000e-30;
	v35 =	vadd.f32 v12, v35;
	v20 =	vmul.f32 v41, v41;
	v10 =	vld.idx.msk [tilespmem:v38+s24+$0x0], $0xffff;
	v5 =	vmovc v25  }
0x422: {  	v25 =	vmax.f32 v37, $1.000000000e-30;
	v39 =	vadd.f32 v29, v39;
	v15 =	vmul.f32 v43, v43;
	v12 =	vld.idx.msk [tilespmem:v47+s24+$0x0], $0xffff;
	v7 =	vmovc v24  }
0x423: {  	v6 =	vmovc v22;
	v4 =	vmovc v23;
	v41 =	vshra.s32 v26, $0x1;
	v24 =	vmax.f32 v35, $1.000000000e-30;
	v42 =	vadd.f32 v20, v21;
	v13 =	vld.idx.msk [tilespmem:v50+s24+$0x0], $0xffff  }
0x424: {  	v43 =	vmul.f32 $5.000000000e-01, v26;
	v22 =	vmax.f32 v39, $1.000000000e-30;
	v36 =	vadd.f32 v15, v36;
	v15 =	vld.idx.msk [tilespmem:v40+s24+$0x0], $0xffff  }
0x425: {  	v46 =	vshra.s32 v27, $0x1;
	v49 =	vmul.f32 $5.000000000e-01, v27;
	v23 =	vmax.f32 v42, $1.000000000e-30;
	v21 =	vld.idx.msk [tilespmem:v48+s23+$0x0], $0xffff  }
0x426: {  	v52 =	vmul.f32 $5.000000000e-01, v25;
	v48 =	vshra.s32 v25, $0x1;
	v29 =	vmax.f32 v36, $1.000000000e-30;
	v20 =	vld.idx.msk [tilespmem:v51+s23+$0x0], $0xffff  }
0x427: {  	v53 =	vmul.f32 $5.000000000e-01, v24;
	v54 =	vshra.s32 v22, $0x1;
	v51 =	vshra.s32 v24, $0x1;
	v55 =	vld.idx.msk [tilespmem:v34+s23+$0x0], $0xffff  }
0x428: {  	v56 =	vmul.f32 $5.000000000e-01, v22;
	v57 =	vmul.f32 $5.000000000e-01, v23;
	v34 =	vshra.s32 v23, $0x1;
	v38 =	vld.idx.msk [tilespmem:v38+s23+$0x0], $0xffff  }
0x429: {  	v41 =	vsub.s32 $0x5F3759DF, v41;
	v58 =	vshra.s32 v29, $0x1;
	v59 =	vmul.f32 $5.000000000e-01, v29;
	v47 =	vld.idx.msk [tilespmem:v47+s23+$0x0], $0xffff  }
0x42a: {  	v46 =	vsub.s32 $0x5F3759DF, v46;
	v48 =	vsub.s32 $0x5F3759DF, v48;
	v51 =	vsub.s32 $0x5F3759DF, v51;
	v50 =	vld.idx.msk [tilespmem:v50+s23+$0x0], $0xffff  }
0x42b: {  	v54 =	vsub.s32 $0x5F3759DF, v54;
	v34 =	vsub.s32 $0x5F3759DF, v34;
	v58 =	vsub.s32 $0x5F3759DF, v58;
	v40 =	vld.idx.msk [tilespmem:v40+s23+$0x0], $0xffff  }
0x42c: {  	vm2 =	vgt.f32 v44, $0.0e+00;
	v60 =	vmul.f32 v41, v43;
	v44 =	vmul.f32 v46, v49  }
0x42d: {  	vm0 =	vgt.f32 v45, $0.0e+00;
	v45 =	vmul.f32 v48, v52;
	v61 =	vmul.f32 v51, v53  }
0x42e: {  	vm1 =	vgt.f32 v37, $0.0e+00;
	v37 =	vmul.f32 v54, v56;
	v62 =	vmul.f32 v34, v57  }
0x42f: {  	vm3 =	vgt.f32 v35, $0.0e+00;
	v60 =	vmul.f32 v41, v60;
	v35 =	vmul.f32 v58, v59  }
0x430: {  	vm4 =	vgt.f32 v39, $0.0e+00;
	v44 =	vmul.f32 v46, v44;
	v45 =	vmul.f32 v48, v45  }
0x431: {  	v39 =	vsub.f32 $1.500000000e+00, v60;
	v37 =	vmul.f32 v54, v37;
	v60 =	vmul.f32 v51, v61  }
0x432: {  	v44 =	vsub.f32 $1.500000000e+00, v44;
	v61 =	vmul.f32 v34, v62;
	v35 =	vmul.f32 v58, v35  }
0x433: {  	v39 =	vmul.f32 v41, v39;
	v41 =	vsub.f32 $1.500000000e+00, v45;
	v45 =	vsub.f32 $1.500000000e+00, v60  }
0x434: {  	v44 =	vmul.f32 v46, v44;
	v37 =	vsub.f32 $1.500000000e+00, v37;
	v46 =	vsub.f32 $1.500000000e+00, v61  }
0x435: {  	v41 =	vmul.f32 v48, v41;
	v35 =	vsub.f32 $1.500000000e+00, v35;
	v45 =	vmul.f32 v51, v45  }
0x436: {  	vm5 =	vgt.f32 v42, $0.0e+00;
	v37 =	vmul.f32 v54, v37;
	v46 =	vmul.f32 v34, v46  }
0x437: {  	vm6 =	vgt.f32 v36, $0.0e+00;
	v42 =	vmul.f32 v39, v43;
	v34 =	vmul.f32 v58, v35  }
0x438: {  	v28 =	vadd.f32 v28, v8;
	v8 =	vmovc v55;
	v35 =	vmul.f32 v44, v49;
	v36 =	vmul.f32 v41, v52  }
0x439: {  	v30 =	vadd.f32 v30, v9;
	v9 =	vmovc v38;
	v48 =	vmul.f32 v37, v56;
	v43 =	vmul.f32 v45, v53  }
0x43a: {  	v51 =	vadd.f32 v31, v17;
	v38 =	vmul.f32 v46, v57;
	v49 =	vmul.f32 v34, v59;
	[tilespmem:s3+$0xFFFFFFE0] =	vst v28  }
0x43b: {  	v31 =	vmul.f32 v35, v44;
	v28 =	vmul.f32 v42, v39;
	v42 =	vadd.f32 v32, v19;
	[tilespmem:s3+$0xFFFFFFF0] =	vst v30  }
0x43c: {  	v32 =	vmul.f32 v43, v45;
	v43 =	vadd.f32 v33, v18;
	v30 =	vmul.f32 v36, v41;
	[tilespmem:s3+$0x0] =	vst v51  }
0x43d: {  	v17 =	vmovc v47;
	v35 =	vmul.f32 v38, v46;
	v33 =	vmul.f32 v48, v37;
	v28 =	vsub.f32 $1.500000000e+00, v28;
	[tilespmem:s3+$0x10] =	vst v42  }
.Ltmp3:
0x43e: {  	v31 =	vsub.f32 $1.500000000e+00, v31;
	v19 =	vmovc v50;
	v18 =	vmovc v40;
	v36 =	vmul.f32 v49, v34;
	v38 =	vsub.f32 $1.500000000e+00, v30;
	[tilespmem:s3+$0x20] =	vst v43;
	s3 =	smov.u32 s2;
	s2 =	smov.u32 s0;
	(pc) =	sbr.rel @p0 .LBB2_8-.Ltmp3, $4  }
0x43f: {  	v33 =	vsub.f32 $1.500000000e+00, v33;
	v28 =	vmul.f32 v28, v39;
	v39 =	vsub.f32 $1.500000000e+00, v32  }
0x440: {  	v40 =	vsub.f32 $1.500000000e+00, v35;
	v30 =	vmul.f32 v31, v44;
	v36 =	vsub.f32 $1.500000000e+00, v36  }
0x441: {  	v32 =	vmul.f32 v38, v41;
	v31 =	vmul.f32 v39, v45  }
0x442: {  	s4 =	sadd.s32 $0x400, s4;
	v35 =	vmul.f32 v33, v37;
	v33 =	vmul.f32 v40, v46  }
0x443: {  	v26 =	vmul.f32 v28, v26;
	v28 =	vmul.f32 v36, v34  }
0x444: {  	v27 =	vmul.f32 v30, v27;
	v25 =	vmul.f32 v32, v25  }
0x445: {  	v24 =	vmul.f32 v31, v24;
	v1 =	vmul.f32 v1, v14  }
0x446: {  	v2 =	vmul.f32 v2, v11;
	v22 =	vmul.f32 v35, v22  }
0x447: {  	v28 =	vmul.f32 v28, v29;
	v29 =	vmul.f32 v26, v0  }
0x448: {  	v23 =	vmul.f32 v33, v23;
	v30 =	vmul.f32 v27, v0  }
0x449: {  	v31 =	vmul.f32 v25, v0;
	v29 =	vtrunc.f32 v29  }
0x44a: {  	v30 =	vtrunc.f32 v30;
	v29 =	vcvt.f32.s32 v29  }
0x44b: {  	v52 =	vmul.f32 v24, v0;
	v1 =	vadd.f32 v1, v21;
	v30 =	vcvt.f32.s32 v30  }
0x44c: {  	v2 =	vadd.f32 v2, v20;
	v53 =	vmul.f32 v22, v0;
	vm7 =	vlt.s32 v29, $0x3FF  }
0x44d: {  	v31 =	vtrunc.f32 v31;
	vm8 =	vlt.s32 v30, $0x3FF;
	v29 =	vnsel vm7, $0x3FF, v29  }
0x44e: {  	v31 =	vcvt.f32.s32 v31;
	v30 =	vnsel vm8, $0x3FF, v30;
	v29 =	vnsel vm2, $0x3FF, v29  }
0x44f: {  	v54 =	vmul.f32 v23, v0;
	v32 =	vtrunc.f32 v52;
	v30 =	vnsel vm0, $0x3FF, v30  }
0x450: {  	v33 =	vtrunc.f32 v53;
	v32 =	vcvt.f32.s32 v32;
	vm7 =	vlt.s32 v31, $0x3FF  }
0x451: {  	v55 =	vmul.f32 v28, v0;
	v33 =	vcvt.f32.s32 v33;
	v31 =	vnsel vm7, $0x3FF, v31  }
0x452: {  	v34 =	vtrunc.f32 v54;
	vm2 =	vlt.s32 v32, $0x3FF;
	v31 =	vnsel vm1, $0x3FF, v31  }
0x453: {  	v35 =	vtrunc.f32 v55;
	vm0 =	vlt.s32 v33, $0x3FF;
	v32 =	vnsel vm2, $0x3FF, v32;
	v56 =	vld.idx.msk [tilespmem:v29+s24+$0x0], $0xffff  }
0x454: {  	v34 =	vcvt.f32.s32 v34;
	v33 =	vnsel vm0, $0x3FF, v33;
	v32 =	vnsel vm3, $0x3FF, v32;
	v37 =	vld.idx.msk [tilespmem:v30+s24+$0x0], $0xffff  }
0x455: {  	[tilespmem:s3+$0xFFFFFFC0] =	vst v1;
	v1 =	vmul.f32 v7, v12;
	v35 =	vcvt.f32.s32 v35;
	v33 =	vnsel vm4, $0x3FF, v33;
	v7 =	vld.idx.msk [tilespmem:v29+s23+$0x0], $0xffff  }
0x456: {  	v3 =	vmul.f32 v3, v16;
	[tilespmem:s3+$0xFFFFFFD0] =	vst v2;
	vm1 =	vlt.s32 v34, $0x3FF;
	v2 =	vld.idx.msk [tilespmem:v30+s23+$0x0], $0xffff  }
0x457: {  	vm0 =	vlt.s32 v35, $0x3FF;
	v34 =	vnsel vm1, $0x3FF, v34;
	v38 =	vld.idx.msk [tilespmem:v31+s24+$0x0], $0xffff  }
0x458: {  	v3 =	vadd.f32 v3, v8;
	v35 =	vnsel vm0, $0x3FF, v35;
	v34 =	vnsel vm5, $0x3FF, v34;
	v8 =	vld.idx.msk [tilespmem:v31+s23+$0x0], $0xffff  }
0x459: {  	v5 =	vmul.f32 v5, v10;
	v35 =	vnsel vm6, $0x3FF, v35;
	v14 =	vld.idx.msk [tilespmem:v32+s24+$0x0], $0xffff  }
0x45a: {  	v11 =	vld.idx.msk [tilespmem:v33+s24+$0x0], $0xffff  }
0x45b: {  	v6 =	vmul.f32 v6, v13;
	v5 =	vadd.f32 v5, v9;
	[tilespmem:s3+$0xFFFFFFE0] =	vst v3;
	v3 =	vld.idx.msk [tilespmem:v32+s23+$0x0], $0xffff  }
0x45c: {  	v4 =	vmul.f32 v4, v15;
	v1 =	vadd.f32 v1, v17;
	v9 =	vld.idx.msk [tilespmem:v33+s23+$0x0], $0xffff  }
0x45d: {  	[tilespmem:s3+$0xFFFFFFF0] =	vst v5;
	v5 =	vadd.f32 v6, v19;
	v16 =	vld.idx.msk [tilespmem:v34+s24+$0x0], $0xffff;
	v6 =	vmul.f32 v26, v56  }
0x45e: {  	[tilespmem:s3+$0x0] =	vst v1;
	v1 =	vadd.f32 v4, v18;
	v10 =	vld.idx.msk [tilespmem:v35+s24+$0x0], $0xffff;
	v4 =	vmul.f32 v27, v37  }
0x45f: {  	[tilespmem:s3+$0x10] =	vst v5;
	v12 =	vld.idx.msk [tilespmem:v34+s23+$0x0], $0xffff;
	v5 =	vadd.f32 v6, v7;
	v6 =	vmul.f32 v25, v38  }
0x460: {  	[tilespmem:s3+$0x20] =	vst v1;
	v7 =	vld.idx.msk [tilespmem:v35+s23+$0x0], $0xffff;
	v1 =	vadd.f32 v4, v2;
	v2 =	vmul.f32 v24, v14  }
0x461: {  	v4 =	vmul.f32 v22, v11;
	[tilespmem:s2+$0xFFFFFFC0] =	vst v5;
	v5 =	vadd.f32 v6, v8  }
0x462: {  	v6 =	vmul.f32 v23, v16;
	[tilespmem:s2+$0xFFFFFFD0] =	vst v1;
	v1 =	vadd.f32 v2, v3  }
0x463: {  	v2 =	vmul.f32 v28, v10;
	v3 =	vadd.f32 v4, v9;
	[tilespmem:s2+$0xFFFFFFE0] =	vst v5  }
0x464: {  	[tilespmem:s2+$0xFFFFFFF0] =	vst v1;
	v1 =	vadd.f32 v6, v12  }
0x465: {  	[tilespmem:s2+$0x0] =	vst v3;
	v2 =	vadd.f32 v2, v7  }
0x466: {  	[tilespmem:s2+$0x10] =	vst v1  }
0x467: {  	[tilespmem:s2+$0x20] =	vst v2  }
0x468: {  	[hbm4b:s13+s6] =	stream.linear.scatter [tilespmem:s25], [sflag:$0x3], $0x1000, $0x38;
	[tilespmem:$0x13480] =	vst v63  }
0x469: {  	_ =	swait.ge [sflag:s26], $0x8000  }
0x46a: {  	[sflag:s26] =	ssyncset.done $0x0  }
0x46b: {  	[sflag:s26] =	ssyncadd.s32 $0xFFFF8000  }
0x46c: {  	_ =	swait.ge [sflag:s30], $0x1000  }
0x46d: {  	[sflag:s30] =	ssyncset.done $0x0  }
0x46e: {  	s0 =	simm.s32 $0x8200;
	[sflag:s30] =	ssyncadd.s32 $0xFFFFF000  }
0x46f: {  	v1 =	vld [tilespmem:s0+$0xFFFFFE70]  }
0x470: {  	v2 =	vld [tilespmem:s0+$0xFFFFFEF0]  }
0x471: {  	v3 =	vld [tilespmem:s0+$0xFFFFFE80]  }
0x472: {  	v4 =	vld [tilespmem:s0+$0xFFFFFF70]  }
0x473: {  	v5 =	vld [tilespmem:s0+$0xFFFFFE10]  }
0x474: {  	v6 =	vld [tilespmem:s0+$0xFFFFFFF0]  }
0x475: {  	v7 =	vld [tilespmem:s0+$0xFFFFFE90]  }
0x476: {  	v8 =	vld [tilespmem:s0+$0x70]  }
0x477: {  	v9 =	vld [tilespmem:s0+$0xFFFFFE20]  }
0x478: {  	v10 =	vld [tilespmem:s0+$0xFFFFFEA0]  }
0x479: {  	v11 =	vld [tilespmem:s0+$0xFFFFFE30]  }
0x47a: {  	v12 =	vld [tilespmem:s0+$0xFFFFFEB0]  }
0x47b: {  	v13 =	vld [tilespmem:s0+$0xFFFFFEC0];
	v1 =	vmul.f32 v1, v1;
	v2 =	vmul.f32 v2, v2  }
0x47c: {  	v14 =	vld [tilespmem:s0+$0xFFFFFED0]  }
0x47d: {  	v15 =	vld [tilespmem:s0+$0xFFFFFEE0];
	v1 =	vadd.f32 v2, v1;
	v2 =	vmul.f32 v4, v4  }
0x47e: {  	v4 =	vld [tilespmem:s0+$0xF0]  }
0x47f: {  	v16 =	vld [tilespmem:s0+$0xFFFFFF00];
	v1 =	vadd.f32 v2, v1;
	v2 =	vmul.f32 v6, v6  }
0x480: {  	v6 =	vld [tilespmem:s0+$0x170]  }
0x481: {  	v18 =	vld [tilespmem:s0+$0xFFFFFF10];
	v1 =	vadd.f32 v2, v1;
	v2 =	vmul.f32 v8, v8  }
0x482: {  	v8 =	vld [tilespmem:s0+$0x1F0]  }
0x483: {  	v21 =	vld [tilespmem:s0+$0xFFFFFF20];
	v1 =	vadd.f32 v2, v1;
	v2 =	vmul.f32 v4, v4  }
0x484: {  	v22 =	vld [tilespmem:s0+$0xFFFFFF30]  }
0x485: {  	v24 =	vld [tilespmem:s0+$0xFFFFFF40];
	v1 =	vadd.f32 v2, v1;
	v2 =	vmul.f32 v6, v6  }
0x486: {  	v25 =	vld [tilespmem:s0+$0xFFFFFF50]  }
0x487: {  	v26 =	vld [tilespmem:s0+$0xFFFFFF60];
	v1 =	vadd.f32 v2, v1;
	v2 =	vmul.f32 v8, v8  }
0x488: {  	v3 =	vmul.f32 v3, v3;
	v4 =	vld [tilespmem:s0+$0xFFFFFE40]  }
0x489: {  	v27 =	vld [tilespmem:s0+$0xFFFFFF80];
	v5 =	vmul.f32 v5, v5;
	v7 =	vmul.f32 v7, v7;
	v1 =	vadd.f32 v2, v1  }
0x48a: {  	v9 =	vmul.f32 v9, v9;
	v10 =	vmul.f32 v10, v10;
	v8 =	vld [tilespmem:s0+$0xFFFFFE60]  }
0x48b: {  	v11 =	vmul.f32 v11, v11;
	v12 =	vmul.f32 v12, v12;
	v6 =	vld [tilespmem:s0+$0xFFFFFE50];
	v17 =	vmax.f32 v1, $1.000000000e-30  }
0x48c: {  	v5 =	vadd.f32 v7, v5;
	v2 =	vld [tilespmem:s0+$0xFFFFFE00];
	v19 =	vshra.s32 v17, $0x1;
	v20 =	vmul.f32 $5.000000000e-01, v17  }
0x48d: {  	v28 =	vld [tilespmem:s0+$0xFFFFFF90];
	v7 =	vmul.f32 v13, v13;
	v4 =	vmul.f32 v4, v4;
	v19 =	vsub.s32 $0x5F3759DF, v19  }
0x48e: {  	v16 =	vmul.f32 v16, v16;
	v13 =	vld [tilespmem:s0+$0xFFFFFFC0];
	v9 =	vadd.f32 v10, v9;
	v23 =	vmul.f32 v19, v20  }
0x48f: {  	v29 =	vld [tilespmem:s0+$0xFFFFFFA0];
	v10 =	vmul.f32 v14, v14;
	v4 =	vadd.f32 v7, v4;
	v7 =	vmul.f32 v8, v8  }
0x490: {  	s18 =	simm.s32 $0x8600;
	v11 =	vadd.f32 v12, v11;
	v12 =	vld [tilespmem:s0+$0xFFFFFFE0];
	v8 =	vmul.f32 v15, v15;
	v23 =	vmul.f32 v19, v23  }
0x491: {  	v46 =	vld [tilespmem:s18+$0xFFFFFF90];
	v6 =	vmul.f32 v6, v6;
	v2 =	vmul.f32 v2, v2  }
0x492: {  	v14 =	vld [tilespmem:s0+$0xFFFFFFD0];
	v7 =	vadd.f32 v8, v7;
	v8 =	vmul.f32 v18, v18;
	v23 =	vsub.f32 $1.500000000e+00, v23  }
0x493: {  	v13 =	vmul.f32 v13, v13;
	v15 =	vld [tilespmem:s0+$0x0];
	v6 =	vadd.f32 v10, v6;
	v2 =	vadd.f32 v3, v2  }
0x494: {  	v10 =	vld [tilespmem:s0+$0x20];
	v5 =	vadd.f32 v8, v5;
	v8 =	vmul.f32 v22, v22;
	v19 =	vmul.f32 v19, v23  }
0x495: {  	v12 =	vmul.f32 v12, v12;
	v18 =	vmul.f32 v21, v21;
	v3 =	vld [tilespmem:s0+$0x10];
	v2 =	vadd.f32 v16, v2  }
0x496: {  	v16 =	vld [tilespmem:s0+$0x30];
	v8 =	vadd.f32 v8, v11;
	v11 =	vmul.f32 v26, v26;
	v20 =	vmul.f32 v19, v20  }
0x497: {  	v21 =	vld [tilespmem:s0+$0x40];
	v9 =	vadd.f32 v18, v9;
	v18 =	vmul.f32 v25, v25;
	v25 =	vmul.f32 v28, v28  }
0x498: {  	v22 =	vld [tilespmem:s0+$0x50];
	v7 =	vadd.f32 v11, v7;
	v11 =	vmul.f32 v29, v29;
	v20 =	vmul.f32 v20, v19  }
0x499: {  	v15 =	vmul.f32 v15, v15;
	v10 =	vmul.f32 v10, v10;
	v6 =	vadd.f32 v18, v6;
	v18 =	vld [tilespmem:s0+$0x80]  }
0x49a: {  	v26 =	vld [tilespmem:s0+$0x90];
	v3 =	vmul.f32 v3, v3;
	v9 =	vadd.f32 v11, v9;
	v20 =	vsub.f32 $1.500000000e+00, v20  }
0x49b: {  	v23 =	vld [tilespmem:s0+$0xFFFFFFB0];
	v11 =	vmul.f32 v14, v14;
	v7 =	vadd.f32 v12, v7;
	v12 =	vmul.f32 v16, v16  }
0x49c: {  	v5 =	vadd.f32 v25, v5;
	v25 =	vld [tilespmem:s0+$0xB0];
	v19 =	vmul.f32 v20, v19;
	v20 =	vmul.f32 v24, v24  }
0x49d: {  	v14 =	vld [tilespmem:s0+$0xC0];
	v6 =	vadd.f32 v11, v6;
	v9 =	vadd.f32 v10, v9;
	v10 =	vmul.f32 v22, v22  }
0x49e: {  	v16 =	vld [tilespmem:s0+$0x110];
	v3 =	vadd.f32 v3, v5;
	v4 =	vadd.f32 v20, v4;
	v20 =	vmul.f32 v27, v27  }
0x49f: {  	v5 =	vmul.f32 v21, v21;
	v6 =	vadd.f32 v10, v6;
	v17 =	vmul.f32 v19, v17;
	v19 =	vld [tilespmem:s0+$0x60]  }
0x4a0: {  	v11 =	vld [tilespmem:s0+$0x100];
	v10 =	vmul.f32 v26, v26;
	v2 =	vadd.f32 v20, v2;
	v20 =	vmul.f32 v23, v23  }
0x4a1: {  	v18 =	vmul.f32 v18, v18;
	v24 =	vmul.f32 v17, v0;
	v23 =	vld [tilespmem:s0+$0xA0];
	v4 =	vadd.f32 v13, v4  }
0x4a2: {  	v3 =	vadd.f32 v10, v3;
	v10 =	vmul.f32 v14, v14;
	v13 =	vld [tilespmem:s0+$0xD0];
	v8 =	vadd.f32 v20, v8  }
0x4a3: {  	v24 =	vtrunc.f32 v24;
	v20 =	vld [tilespmem:s0+$0xE0];
	v2 =	vadd.f32 v15, v2;
	v4 =	vadd.f32 v5, v4  }
0x4a4: {  	v15 =	vld [tilespmem:s0+$0x120];
	v24 =	vcvt.f32.s32 v24;
	v5 =	vmul.f32 v19, v19;
	v8 =	vadd.f32 v12, v8  }
0x4a5: {  	v19 =	vld [tilespmem:s0+$0x140];
	v2 =	vadd.f32 v18, v2;
	v4 =	vadd.f32 v10, v4  }
0x4a6: {  	v12 =	vld [tilespmem:s0+$0x130];
	vm0 =	vlt.s32 v24, $0x3FF;
	v5 =	vadd.f32 v5, v7;
	v7 =	vmul.f32 v25, v25  }
0x4a7: {  	v18 =	vld [tilespmem:s0+$0x150];
	v21 =	vmul.f32 v23, v23;
	v24 =	vnsel vm0, $0x3FF, v24;
	vm0 =	vgt.f32 v1, $0.0e+00  }
0x4a8: {  	v7 =	vadd.f32 v7, v8;
	v8 =	vmul.f32 v13, v13;
	v13 =	vmul.f32 v20, v20;
	v20 =	vld [tilespmem:s0+$0x180]  }
0x4a9: {  	v14 =	vld [tilespmem:s0+$0x160];
	v10 =	vmul.f32 v11, v11;
	v11 =	vmul.f32 v16, v16;
	v1 =	vnsel vm0, $0x3FF, v24  }
0x4aa: {  	v16 =	vld [tilespmem:s0+$0x190];
	v9 =	vadd.f32 v21, v9;
	v6 =	vadd.f32 v8, v6;
	v8 =	vmul.f32 v15, v15  }
0x4ab: {  	v2 =	vadd.f32 v10, v2;
	v5 =	vadd.f32 v13, v5;
	v13 =	vld [tilespmem:s0+$0x1A0];
	v10 =	vmul.f32 v12, v12  }
0x4ac: {  	v3 =	vadd.f32 v11, v3;
	v11 =	vld [tilespmem:s0+$0x1B0];
	v8 =	vadd.f32 v8, v9;
	v9 =	vmul.f32 v19, v19  }
0x4ad: {  	v12 =	vmul.f32 v18, v18;
	v15 =	vld [tilespmem:s0+$0x1C0];
	v7 =	vadd.f32 v10, v7;
	v10 =	vmul.f32 v20, v20  }
0x4ae: {  	v22 =	vld.idx.msk [tilespmem:v1+s24+$0x0], $0xffff;
	v4 =	vadd.f32 v9, v4;
	v9 =	vmul.f32 v14, v14  }
0x4af: {  	v18 =	vld [tilespmem:s0+$0x1D0];
	v6 =	vadd.f32 v12, v6;
	v14 =	vmul.f32 v16, v16;
	v12 =	vadd.f32 v10, v2  }
0x4b0: {  	v50 =	vmul.f32 v46, v46;
	v16 =	vld [tilespmem:s0+$0x1E0];
	v2 =	vmul.f32 v13, v13;
	v5 =	vadd.f32 v9, v5  }
0x4b1: {  	v13 =	vadd.f32 v14, v3;
	v3 =	vmul.f32 v11, v11;
	v11 =	vmax.f32 v12, $1.000000000e-30  }
0x4b2: {  	v14 =	vadd.f32 v2, v8;
	v2 =	vmul.f32 v15, v15;
	vm0 =	vgt.f32 v12, $0.0e+00  }
0x4b3: {  	v17 =	vmul.f32 v17, v22;
	v15 =	vmax.f32 v13, $1.000000000e-30;
	v19 =	vadd.f32 v3, v7  }
0x4b4: {  	v3 =	vmul.f32 v18, v18;
	v7 =	vmax.f32 v14, $1.000000000e-30;
	v10 =	vadd.f32 v2, v4  }
0x4b5: {  	v2 =	vmul.f32 v16, v16;
	v4 =	vshra.s32 v11, $0x1;
	v16 =	vmax.f32 v19, $1.000000000e-30  }
0x4b6: {  	v9 =	vadd.f32 v3, v6;
	v3 =	vmul.f32 $5.000000000e-01, v11;
	v18 =	vshra.s32 v7, $0x1  }
0x4b7: {  	v12 =	vld [tilespmem:s18+$0x70];
	v21 =	vmul.f32 $5.000000000e-01, v7;
	v4 =	vsub.s32 $0x5F3759DF, v4;
	v6 =	vmax.f32 v10, $1.000000000e-30  }
0x4b8: {  	v8 =	vadd.f32 v2, v5;
	v2 =	vshra.s32 v15, $0x1;
	v5 =	vmul.f32 $5.000000000e-01, v15  }
0x4b9: {  	v23 =	vshra.s32 v16, $0x1;
	v24 =	vmul.f32 $5.000000000e-01, v16;
	v18 =	vsub.s32 $0x5F3759DF, v18  }
0x4ba: {  	v20 =	vmax.f32 v9, $1.000000000e-30;
	v25 =	vshra.s32 v6, $0x1;
	v26 =	vmul.f32 $5.000000000e-01, v6  }
0x4bb: {  	v2 =	vsub.s32 $0x5F3759DF, v2;
	v23 =	vsub.s32 $0x5F3759DF, v23;
	v31 =	vmul.f32 v4, v3  }
0x4bc: {  	v58 =	vmul.f32 v18, v21;
	v12 =	vmul.f32 v12, v12;
	v22 =	vmax.f32 v8, $1.000000000e-30  }
0x4bd: {  	v27 =	vshra.s32 v20, $0x1;
	v28 =	vmul.f32 $5.000000000e-01, v20;
	v57 =	vmul.f32 v2, v5  }
0x4be: {  	v25 =	vsub.s32 $0x5F3759DF, v25;
	v59 =	vmul.f32 v23, v24;
	v30 =	vmul.f32 $5.000000000e-01, v22  }
0x4bf: {  	v27 =	vsub.s32 $0x5F3759DF, v27;
	v60 =	vmul.f32 v25, v26;
	v31 =	vmul.f32 v4, v31  }
0x4c0: {  	v43 =	vld [tilespmem:s18+$0xFFFFFF20];
	v29 =	vshra.s32 v22, $0x1;
	v33 =	vmul.f32 v18, v58;
	v61 =	vmul.f32 v27, v28  }
0x4c1: {  	v47 =	vld [tilespmem:s18+$0xFFFFFFB0];
	v29 =	vsub.s32 $0x5F3759DF, v29;
	v32 =	vmul.f32 v2, v57;
	v34 =	vmul.f32 v23, v59  }
0x4c2: {  	v62 =	vmul.f32 v29, v30;
	v31 =	vsub.f32 $1.500000000e+00, v31;
	v35 =	vmul.f32 v25, v60  }
0x4c3: {  	v32 =	vsub.f32 $1.500000000e+00, v32;
	v36 =	vmul.f32 v27, v61;
	v63 =	vsub.f32 $1.500000000e+00, v34  }
0x4c4: {  	v37 =	vmul.f32 v29, v62;
	v4 =	vmul.f32 v4, v31;
	v31 =	vsub.f32 $1.500000000e+00, v33  }
0x4c5: {  	v38 =	vsub.f32 $1.500000000e+00, v35;
	v35 =	vmul.f32 v43, v43;
	v2 =	vmul.f32 v2, v32  }
0x4c6: {  	v39 =	vsub.f32 $1.500000000e+00, v36;
	v23 =	vmul.f32 v23, v63;
	v32 =	vmul.f32 v47, v47  }
0x4c7: {  	v18 =	vmul.f32 v18, v31;
	v25 =	vmul.f32 v25, v38  }
0x4c8: {  	v31 =	vsub.f32 $1.500000000e+00, v37;
	v3 =	vmul.f32 v4, v3;
	v27 =	vmul.f32 v27, v39  }
0x4c9: {  	v5 =	vmul.f32 v2, v5;
	v24 =	vmul.f32 v23, v24  }
0x4ca: {  	v29 =	vmul.f32 v29, v31;
	v21 =	vmul.f32 v18, v21  }
0x4cb: {  	v26 =	vmul.f32 v25, v26;
	v3 =	vmul.f32 v3, v4  }
0x4cc: {  	v28 =	vmul.f32 v27, v28;
	v5 =	vmul.f32 v5, v2  }
0x4cd: {  	v24 =	vmul.f32 v24, v23;
	v21 =	vmul.f32 v21, v18  }
0x4ce: {  	v30 =	vmul.f32 v29, v30;
	v3 =	vsub.f32 $1.500000000e+00, v3;
	v26 =	vmul.f32 v26, v25  }
0x4cf: {  	v31 =	vld.idx.msk [tilespmem:v1+s23+$0x0], $0xffff;
	v28 =	vmul.f32 v28, v27;
	v1 =	vsub.f32 $1.500000000e+00, v5;
	v5 =	vsub.f32 $1.500000000e+00, v21  }
0x4d0: {  	v21 =	vmul.f32 v30, v29;
	v3 =	vmul.f32 v3, v4;
	v4 =	vsub.f32 $1.500000000e+00, v24  }
0x4d1: {  	v24 =	vsub.f32 $1.500000000e+00, v26;
	v26 =	vld [tilespmem:s18+$0xFFFFFE70];
	v2 =	vmul.f32 v1, v2;
	v1 =	vsub.f32 $1.500000000e+00, v28  }
0x4d2: {  	v28 =	vld [tilespmem:s18+$0xFFFFFEF0];
	v5 =	vmul.f32 v5, v18;
	v4 =	vmul.f32 v4, v23  }
0x4d3: {  	v18 =	vsub.f32 $1.500000000e+00, v21;
	v21 =	vmul.f32 v24, v25;
	v24 =	vmul.f32 v1, v27  }
0x4d4: {  	v1 =	vmul.f32 v3, v11;
	v11 =	vld [tilespmem:s18+$0xFFFFFF70];
	v2 =	vmul.f32 v2, v15  }
0x4d5: {  	v25 =	vmul.f32 v18, v29;
	v3 =	vmul.f32 v5, v7  }
0x4d6: {  	vm1 =	vgt.f32 v13, $0.0e+00;
	v5 =	vmul.f32 v4, v16;
	v16 =	vld [tilespmem:s18+$0xFFFFFFF0];
	v7 =	vmul.f32 v21, v6  }
0x4d7: {  	vm2 =	vgt.f32 v14, $0.0e+00;
	v23 =	vld [tilespmem:s18+$0xFFFFFE80];
	v26 =	vmul.f32 v26, v26;
	v27 =	vmul.f32 v28, v28  }
0x4d8: {  	vm3 =	vgt.f32 v19, $0.0e+00;
	v15 =	vld [tilespmem:s18+$0xFFFFFE10];
	v6 =	vmul.f32 v24, v20;
	v13 =	vmul.f32 v1, v0  }
0x4d9: {  	v4 =	vmul.f32 v25, v22;
	v21 =	vadd.f32 v27, v26;
	v11 =	vmul.f32 v11, v11  }
0x4da: {  	v18 =	vadd.f32 v17, v31;
	v24 =	vld [tilespmem:s18+$0xF0];
	v22 =	vmul.f32 v2, v0;
	v25 =	vmul.f32 v3, v0  }
0x4db: {  	v17 =	vld [tilespmem:s18+$0xFFFFFE90];
	v14 =	vmul.f32 v5, v0;
	v16 =	vmul.f32 v16, v16;
	v11 =	vadd.f32 v11, v21  }
0x4dc: {  	vm4 =	vgt.f32 v10, $0.0e+00;
	v10 =	vtrunc.f32 v13;
	v21 =	vmul.f32 v23, v23;
	v23 =	vld [tilespmem:s18+$0x170]  }
0x4dd: {  	v40 =	vld [tilespmem:s18+$0xFFFFFF10];
	v27 =	vmul.f32 v7, v0;
	v15 =	vmul.f32 v15, v15;
	v11 =	vadd.f32 v16, v11  }
0x4de: {  	v19 =	vld [tilespmem:s18+$0x1F0];
	vm5 =	vgt.f32 v9, $0.0e+00;
	v29 =	vmul.f32 v4, v0;
	v22 =	vtrunc.f32 v22  }
0x4df: {  	v20 =	vld [tilespmem:s18+$0xFFFFFE20];
	v9 =	vtrunc.f32 v25;
	v11 =	vadd.f32 v12, v11;
	v12 =	vmul.f32 v24, v24  }
0x4e0: {  	v45 =	vld [tilespmem:s18+$0xFFFFFF40];
	v14 =	vtrunc.f32 v14;
	v10 =	vcvt.f32.s32 v10  }
0x4e1: {  	v48 =	vld [tilespmem:s18+$0xFFFFFFC0];
	v13 =	vmul.f32 v17, v17;
	v11 =	vadd.f32 v12, v11;
	v12 =	vmul.f32 v23, v23  }
0x4e2: {  	v49 =	vld [tilespmem:s18+$0xFFFFFFE0];
	v22 =	vcvt.f32.s32 v22;
	v9 =	vcvt.f32.s32 v9  }
0x4e3: {  	v57 =	vld [tilespmem:s18+$0x110];
	v14 =	vcvt.f32.s32 v14;
	v11 =	vadd.f32 v12, v11;
	v12 =	vmul.f32 v19, v19  }
0x4e4: {  	vm6 =	vgt.f32 v8, $0.0e+00;
	v30 =	vld [tilespmem:s18+$0xFFFFFEB0];
	v20 =	vmul.f32 v20, v20;
	v8 =	vtrunc.f32 v27  }
0x4e5: {  	v25 =	vld [tilespmem:s18+$0xFFFFFED0];
	v27 =	vtrunc.f32 v29;
	vm7 =	vlt.s32 v10, $0x3FF;
	v11 =	vadd.f32 v12, v11  }
0x4e6: {  	v26 =	vld [tilespmem:s18+$0xFFFFFEA0];
	v8 =	vcvt.f32.s32 v8;
	vm13 =	vlt.s32 v22, $0x3FF;
	v27 =	vcvt.f32.s32 v27  }
0x4e7: {  	v28 =	vld [tilespmem:s18+$0xFFFFFE30];
	vm12 =	vlt.s32 v9, $0x3FF;
	vm10 =	vlt.s32 v14, $0x3FF;
	v31 =	vmax.f32 v11, $1.000000000e-30  }
0x4e8: {  	v17 =	vld [tilespmem:s18+$0xFFFFFE40];
	v10 =	vnsel vm7, $0x3FF, v10;
	v41 =	vshra.s32 v31, $0x1;
	v42 =	vmul.f32 $5.000000000e-01, v31  }
0x4e9: {  	v16 =	vmul.f32 v6, v0;
	v22 =	vnsel vm13, $0x3FF, v22;
	v24 =	vld [tilespmem:s18+$0xFFFFFEC0];
	v33 =	vsub.s32 $0x5F3759DF, v41  }
0x4ea: {  	v9 =	vnsel vm12, $0x3FF, v9;
	v25 =	vmul.f32 v25, v25;
	v23 =	vld [tilespmem:s18+$0xFFFFFE50];
	v44 =	vmul.f32 v33, v42  }
0x4eb: {  	v60 =	vnsel vm1, $0x3FF, v22;
	v22 =	vmul.f32 v57, v57;
	v19 =	vmul.f32 v26, v26;
	v26 =	vld [tilespmem:s18+$0xFFFFFE60]  }
0x4ec: {  	v29 =	vld [tilespmem:s18+$0xFFFFFEE0];
	v14 =	vnsel vm10, $0x3FF, v14;
	v16 =	vtrunc.f32 v16;
	v36 =	vmul.f32 v33, v44  }
0x4ed: {  	v17 =	vmul.f32 v17, v17;
	v12 =	vadd.f32 v13, v15;
	v13 =	vmul.f32 v28, v28;
	v15 =	vld [tilespmem:s18+$0xFFFFFE00]  }
0x4ee: {  	v51 =	vld [tilespmem:s18+$0x50];
	v19 =	vadd.f32 v19, v20;
	v20 =	vmul.f32 v24, v24;
	v36 =	vsub.f32 $1.500000000e+00, v36  }
0x4ef: {  	vm11 =	vlt.s32 v8, $0x3FF;
	v28 =	vmul.f32 v30, v30;
	v30 =	vld [tilespmem:s18+$0xFFFFFF00];
	v23 =	vmul.f32 v23, v23  }
0x4f0: {  	v17 =	vadd.f32 v20, v17;
	v20 =	vmul.f32 v26, v26;
	v26 =	vld [tilespmem:s18+$0xFFFFFF60];
	v33 =	vmul.f32 v33, v36  }
0x4f1: {  	v16 =	vcvt.f32.s32 v16;
	v23 =	vadd.f32 v25, v23;
	v25 =	vmul.f32 v29, v29;
	v29 =	vld [tilespmem:s18+$0xFFFFFF80]  }
0x4f2: {  	vm9 =	vlt.s32 v27, $0x3FF;
	v24 =	vld [tilespmem:s18+$0xFFFFFF30];
	v15 =	vmul.f32 v15, v15;
	v34 =	vmul.f32 v33, v42  }
0x4f3: {  	vm8 =	vlt.s32 v16, $0x3FF;
	v13 =	vadd.f32 v28, v13;
	v20 =	vadd.f32 v25, v20;
	v25 =	vld [tilespmem:s18+$0xFFFFFFA0]  }
0x4f4: {  	v28 =	vld [tilespmem:s18+$0xFFFFFF50];
	v30 =	vmul.f32 v30, v30;
	v15 =	vadd.f32 v21, v15;
	v34 =	vmul.f32 v34, v33  }
0x4f5: {  	v52 =	vld [tilespmem:s18+$0x60];
	v19 =	vadd.f32 v35, v19;
	v21 =	vmul.f32 v40, v40;
	v26 =	vmul.f32 v26, v26  }
0x4f6: {  	v53 =	vld [tilespmem:s18+$0x80];
	v29 =	vmul.f32 v29, v29;
	v15 =	vadd.f32 v30, v15;
	v34 =	vsub.f32 $1.500000000e+00, v34  }
0x4f7: {  	v12 =	vadd.f32 v21, v12;
	v21 =	vmul.f32 v24, v24;
	v24 =	vld [tilespmem:s18+$0xFFFFFFD0];
	v30 =	vmul.f32 v45, v45  }
0x4f8: {  	v20 =	vadd.f32 v26, v20;
	v26 =	vld [tilespmem:s18+$0x30];
	v25 =	vmul.f32 v25, v25;
	v33 =	vmul.f32 v34, v33  }
0x4f9: {  	v13 =	vadd.f32 v21, v13;
	v21 =	vmul.f32 v28, v28;
	v28 =	vld [tilespmem:s18+$0x0];
	v17 =	vadd.f32 v30, v17  }
0x4fa: {  	v30 =	vld [tilespmem:s18+$0x10];
	v15 =	vadd.f32 v29, v15;
	v12 =	vadd.f32 v50, v12;
	v31 =	vmul.f32 v33, v31  }
0x4fb: {  	v55 =	vld [tilespmem:s18+$0x90];
	v19 =	vadd.f32 v25, v19;
	v25 =	vmul.f32 v48, v48;
	v21 =	vadd.f32 v21, v23  }
0x4fc: {  	v23 =	vld [tilespmem:s18+$0x20];
	v13 =	vadd.f32 v32, v13;
	v24 =	vmul.f32 v24, v24;
	v54 =	vmul.f32 v31, v0  }
0x4fd: {  	v56 =	vld [tilespmem:s18+$0xE0];
	v17 =	vadd.f32 v25, v17;
	v25 =	vmul.f32 v49, v49;
	v26 =	vmul.f32 v26, v26  }
0x4fe: {  	v29 =	vld [tilespmem:s18+$0x40];
	v28 =	vmul.f32 v28, v28;
	v21 =	vadd.f32 v24, v21;
	v36 =	vtrunc.f32 v54  }
0x4ff: {  	v58 =	vld [tilespmem:s18+$0x120];
	v30 =	vmul.f32 v30, v30;
	v20 =	vadd.f32 v25, v20;
	v36 =	vcvt.f32.s32 v36  }
0x500: {  	v24 =	vld [tilespmem:s18+$0xA0];
	v13 =	vadd.f32 v26, v13;
	v26 =	vmul.f32 v51, v51;
	v15 =	vadd.f32 v28, v15  }
0x501: {  	v23 =	vmul.f32 v23, v23;
	v28 =	vld [tilespmem:s18+$0xC0];
	v12 =	vadd.f32 v30, v12;
	vm7 =	vlt.s32 v36, $0x3FF  }
0x502: {  	v25 =	vld [tilespmem:s18+$0xB0];
	v21 =	vadd.f32 v26, v21;
	v26 =	vmul.f32 v55, v55;
	v36 =	vnsel vm7, $0x3FF, v36  }
0x503: {  	v59 =	vld [tilespmem:s18+$0x130];
	vm7 =	vgt.f32 v11, $0.0e+00;
	v11 =	vadd.f32 v23, v19;
	v19 =	vmul.f32 v29, v29  }
0x504: {  	v16 =	vnsel vm8, $0x3FF, v16;
	v30 =	vld [tilespmem:s18+$0xD0];
	v33 =	vmul.f32 v52, v52;
	v12 =	vadd.f32 v26, v12  }
0x505: {  	v24 =	vmul.f32 v24, v24;
	v23 =	vld [tilespmem:s18+$0x100];
	v17 =	vadd.f32 v19, v17;
	v19 =	vmul.f32 v53, v53  }
0x506: {  	v26 =	vmul.f32 v28, v28;
	v12 =	vadd.f32 v22, v12;
	v22 =	vld [tilespmem:s18+$0x1A0];
	v29 =	vnsel vm7, $0x3FF, v36  }
0x507: {  	v36 =	vnsel vm5, $0x3FF, v16;
	v16 =	vld [tilespmem:s18+$0x1C0];
	v15 =	vadd.f32 v19, v15;
	v19 =	vmul.f32 v25, v25  }
0x508: {  	v9 =	vnsel vm2, $0x3FF, v9;
	v20 =	vadd.f32 v33, v20;
	v11 =	vadd.f32 v24, v11;
	v24 =	vld [tilespmem:s18+$0x150]  }
0x509: {  	v25 =	vld [tilespmem:s18+$0x140];
	v17 =	vadd.f32 v26, v17;
	v26 =	vmul.f32 v56, v56;
	v13 =	vadd.f32 v19, v13  }
0x50a: {  	v19 =	vmul.f32 v30, v30;
	v30 =	vnsel vm0, $0x3FF, v10;
	v10 =	vmul.f32 v23, v23;
	v23 =	vld [tilespmem:s18+$0x180]  }
0x50b: {  	v8 =	vnsel vm11, $0x3FF, v8;
	v27 =	vnsel vm9, $0x3FF, v27;
	v20 =	vadd.f32 v26, v20;
	v26 =	vld [tilespmem:s18+$0x190]  }
0x50c: {  	v37 =	vnsel vm6, $0x3FF, v27;
	v32 =	vnsel vm3, $0x3FF, v14;
	v14 =	vmul.f32 v59, v59;
	v28 =	vld.idx.msk [tilespmem:v29+s24+$0x0], $0xffff  }
0x50d: {  	v19 =	vadd.f32 v19, v21;
	v21 =	vld [tilespmem:s18+$0x160];
	v10 =	vadd.f32 v10, v15;
	v15 =	vmul.f32 v58, v58  }
0x50e: {  	v33 =	vnsel vm4, $0x3FF, v8;
	v29 =	vld.idx.msk [tilespmem:v29+s23+$0x0], $0xffff;
	v13 =	vadd.f32 v14, v13;
	v14 =	vmul.f32 v24, v24  }
0x50f: {  	v22 =	vmul.f32 v22, v22;
	v8 =	vadd.f32 v15, v11;
	v11 =	vmul.f32 v25, v25;
	v15 =	vld [tilespmem:s18+$0x1B0]  }
0x510: {  	v14 =	vadd.f32 v14, v19;
	v19 =	vmul.f32 v23, v23;
	v24 =	vmul.f32 v26, v26  }
0x511: {  	v11 =	vadd.f32 v11, v17;
	v17 =	vmul.f32 v31, v28;
	v8 =	vadd.f32 v22, v8  }
0x512: {  	v16 =	vmul.f32 v16, v16;
	v23 =	vld [tilespmem:s18+$0x1D0];
	v21 =	vmul.f32 v21, v21;
	v10 =	vadd.f32 v19, v10  }
0x513: {  	v12 =	vadd.f32 v24, v12;
	v38 =	vadd.f32 v17, v29;
	v25 =	vmax.f32 v8, $1.000000000e-30  }
0x514: {  	v17 =	vld [tilespmem:s18+$0x1E0];
	vm1 =	vgt.f32 v8, $0.0e+00;
	v15 =	vmul.f32 v15, v15;
	v19 =	vadd.f32 v21, v20  }
0x515: {  	v26 =	vmax.f32 v10, $1.000000000e-30;
	v27 =	vmax.f32 v12, $1.000000000e-30;
	v20 =	vadd.f32 v16, v11  }
0x516: {  	v21 =	vmul.f32 $5.000000000e-01, v25;
	vm2 =	vgt.f32 v10, $0.0e+00;
	v16 =	vshra.s32 v26, $0x1  }
0x517: {  	v15 =	vadd.f32 v15, v13;
	v13 =	vmul.f32 v23, v23;
	v22 =	vmax.f32 v20, $1.000000000e-30  }
0x518: {  	v16 =	vsub.s32 $0x5F3759DF, v16;
	v61 =	vshra.s32 v22, $0x1;
	v40 =	vmul.f32 $5.000000000e-01, v22  }
0x519: {  	v11 =	vmul.f32 v17, v17;
	v24 =	vmax.f32 v15, $1.000000000e-30;
	v17 =	vadd.f32 v13, v14  }
0x51a: {  	v13 =	vmul.f32 $5.000000000e-01, v26;
	v14 =	vshra.s32 v25, $0x1;
	v34 =	vsub.s32 $0x5F3759DF, v61  }
0x51b: {  	v28 =	vshra.s32 v24, $0x1;
	v39 =	vmul.f32 $5.000000000e-01, v24;
	v45 =	vsub.s32 $0x5F3759DF, v14  }
0x51c: {  	v49 =	vmul.f32 v34, v40;
	v31 =	vadd.f32 v11, v19;
	v11 =	vshra.s32 v27, $0x1  }
0x51d: {  	v19 =	vmul.f32 $5.000000000e-01, v27;
	v23 =	vmax.f32 v17, $1.000000000e-30;
	v28 =	vsub.s32 $0x5F3759DF, v28  }
0x51e: {  	v14 =	vmul.f32 v16, v13;
	v47 =	vmul.f32 v45, v21;
	v41 =	vshra.s32 v23, $0x1  }
0x51f: {  	v42 =	vmul.f32 $5.000000000e-01, v23;
	v11 =	vsub.s32 $0x5F3759DF, v11;
	v48 =	vmul.f32 v28, v39  }
0x520: {  	v49 =	vmul.f32 v34, v49;
	v29 =	vmax.f32 v31, $1.000000000e-30;
	v46 =	vmul.f32 v11, v19  }
0x521: {  	v41 =	vsub.s32 $0x5F3759DF, v41;
	v14 =	vmul.f32 v16, v14;
	v47 =	vmul.f32 v45, v47  }
0x522: {  	v43 =	vshra.s32 v29, $0x1;
	v44 =	vmul.f32 $5.000000000e-01, v29;
	v50 =	vmul.f32 v41, v42  }
0x523: {  	v48 =	vmul.f32 v28, v48;
	v62 =	vsub.f32 $1.500000000e+00, v49;
	v46 =	vmul.f32 v11, v46  }
0x524: {  	v43 =	vsub.s32 $0x5F3759DF, v43;
	v14 =	vsub.f32 $1.500000000e+00, v14;
	v47 =	vsub.f32 $1.500000000e+00, v47  }
0x525: {  	v51 =	vmul.f32 v43, v44;
	v50 =	vmul.f32 v41, v50;
	v46 =	vsub.f32 $1.500000000e+00, v46  }
0x526: {  	s3 =	simm.s32 $0x11040;
	v52 =	vmul.f32 v16, v14;
	v16 =	vsub.f32 $1.500000000e+00, v48;
	v45 =	vmul.f32 v45, v47  }
0x527: {  	[tilespmem:s3+$0x30] =	vst v18;
	v18 =	vld.idx.msk [tilespmem:v37+s23+$0x0], $0xffff;
	vm0 =	vgt.f32 v12, $0.0e+00;
	v48 =	vmul.f32 v34, v62;
	v51 =	vmul.f32 v43, v51  }
0x528: {  	v10 =	vld.idx.msk [tilespmem:v32+s24+$0x0], $0xffff;
	v63 =	vsub.f32 $1.500000000e+00, v50;
	v46 =	vmul.f32 v11, v46;
	v47 =	vmul.f32 v28, v16  }
0x529: {  	v12 =	vld.idx.msk [tilespmem:v33+s24+$0x0], $0xffff;
	vm4 =	vgt.f32 v20, $0.0e+00;
	v53 =	vmul.f32 v52, v13;
	v8 =	vmul.f32 v45, v21  }
0x52a: {  	v20 =	vld.idx.msk [tilespmem:v60+s23+$0x0], $0xffff;
	v54 =	vmul.f32 v48, v40;
	v28 =	vsub.f32 $1.500000000e+00, v51;
	v41 =	vmul.f32 v41, v63  }
0x52b: {  	vm3 =	vgt.f32 v15, $0.0e+00;
	v15 =	vld.idx.msk [tilespmem:v37+s24+$0x0], $0xffff;
	v19 =	vmul.f32 v46, v19;
	v57 =	vmul.f32 v53, v52  }
0x52c: {  	v14 =	vld.idx.msk [tilespmem:v30+s24+$0x0], $0xffff;
	v58 =	vmul.f32 v54, v48;
	v34 =	vmul.f32 v43, v28  }
0x52d: {  	v11 =	vld.idx.msk [tilespmem:v60+s24+$0x0], $0xffff;
	v28 =	vmul.f32 v47, v39;
	v55 =	vmul.f32 v41, v42  }
0x52e: {  	vm5 =	vgt.f32 v17, $0.0e+00;
	v16 =	vld.idx.msk [tilespmem:v9+s24+$0x0], $0xffff;
	v17 =	vmul.f32 v19, v46;
	v19 =	vmul.f32 v8, v45  }
0x52f: {  	v21 =	vld.idx.msk [tilespmem:v30+s23+$0x0], $0xffff;
	v63 =	vsub.f32 $1.500000000e+00, v58;
	v56 =	vmul.f32 v34, v44;
	v30 =	vmul.f32 v28, v47  }
0x530: {  	v13 =	vld.idx.msk [tilespmem:v36+s24+$0x0], $0xffff;
	v28 =	vsub.f32 $1.500000000e+00, v57;
	v59 =	vmul.f32 v55, v41;
	v60 =	vsub.f32 $1.500000000e+00, v17  }
0x531: {  	v8 =	vld.idx.msk [tilespmem:v9+s23+$0x0], $0xffff;
	v61 =	vsub.f32 $1.500000000e+00, v19;
	v35 =	vmul.f32 v63, v48;
	v42 =	vmul.f32 v56, v34  }
0x532: {  	v9 =	vld.idx.msk [tilespmem:v32+s23+$0x0], $0xffff;
	v28 =	vmul.f32 v28, v52;
	v62 =	vsub.f32 $1.500000000e+00, v30;
	v39 =	vsub.f32 $1.500000000e+00, v59  }
0x533: {  	s0 =	simm.s32 $0x110C0;
	v19 =	vld.idx.msk [tilespmem:v36+s23+$0x0], $0xffff;
	v30 =	vmul.f32 v60, v46;
	v32 =	vmul.f32 v61, v45;
	v36 =	vsub.f32 $1.500000000e+00, v42  }
0x534: {  	s1 =	simm.s32 $0x8;
	s4 =	simm.s32 $0x8A00;
	s2 =	simm.s32 $0x110C0;
	[tilespmem:s0+$0x30] =	vst v38;
	vm6 =	vgt.f32 v31, $0.0e+00;
	v17 =	vld.idx.msk [tilespmem:v33+s23+$0x0], $0xffff;
	v31 =	vmul.f32 v62, v47;
	v33 =	vmul.f32 v39, v41  }
.LBB2_10:
0x535: {  	v37 =	vld [tilespmem:s4+$0xFFFFFE70];
	v28 =	vmul.f32 v28, v26;
	v34 =	vmul.f32 v36, v34  }
0x536: {  	s1 =	sadd.s32 $0x8, s1;
	v27 =	vmul.f32 v30, v27;
	v26 =	vmul.f32 v32, v25;
	v36 =	vld [tilespmem:s4+$0xFFFFFEF0]  }
0x537: {  	v25 =	vmul.f32 v31, v24;
	p0 =	slt.u32 s1, $0xF8;
	v24 =	vmul.f32 v35, v22;
	v30 =	vld [tilespmem:s4+$0xFFFFFE80]  }
0x538: {  	v22 =	vmul.f32 v33, v23;
	v23 =	vmul.f32 v34, v29;
	v31 =	vld [tilespmem:s4+$0xFFFFFF70]  }
0x539: {  	v32 =	vmul.f32 v28, v0;
	v33 =	vmul.f32 v27, v0;
	v29 =	vld [tilespmem:s4+$0xFFFFFE10]  }
0x53a: {  	v35 =	vmul.f32 v26, v0;
	v38 =	vmul.f32 v25, v0;
	v34 =	vld [tilespmem:s4+$0xFFFFFFF0]  }
0x53b: {  	v37 =	vmul.f32 v37, v37;
	v39 =	vld [tilespmem:s4+$0xFFFFFE90];
	v36 =	vmul.f32 v36, v36  }
0x53c: {  	v41 =	vmul.f32 v24, v0;
	v40 =	vmul.f32 v30, v30;
	v30 =	vld [tilespmem:s4+$0x70]  }
0x53d: {  	v42 =	vld [tilespmem:s4+$0xFFFFFE20];
	v36 =	vadd.f32 v36, v37;
	v31 =	vmul.f32 v31, v31;
	v37 =	vmul.f32 v22, v0  }
0x53e: {  	v44 =	vmul.f32 v23, v0;
	v29 =	vmul.f32 v29, v29;
	v43 =	vld [tilespmem:s4+$0xF0]  }
0x53f: {  	v32 =	vtrunc.f32 v32;
	v45 =	vld [tilespmem:s4+$0xFFFFFEA0];
	v31 =	vadd.f32 v31, v36;
	v34 =	vmul.f32 v34, v34  }
0x540: {  	v33 =	vtrunc.f32 v33;
	v36 =	vmul.f32 v39, v39;
	v39 =	vld [tilespmem:s4+$0x170]  }
0x541: {  	v46 =	vld [tilespmem:s4+$0xFFFFFE30];
	v31 =	vadd.f32 v34, v31;
	v30 =	vmul.f32 v30, v30;
	v34 =	vtrunc.f32 v35  }
0x542: {  	v38 =	vtrunc.f32 v38;
	v35 =	vadd.f32 v36, v29;
	v29 =	vmul.f32 v42, v42;
	v36 =	vld [tilespmem:s4+$0x1F0]  }
0x543: {  	v41 =	vtrunc.f32 v41;
	v42 =	vld [tilespmem:s4+$0xFFFFFEB0];
	v30 =	vadd.f32 v30, v31;
	v31 =	vmul.f32 v43, v43  }
0x544: {  	v37 =	vtrunc.f32 v37;
	v43 =	vmul.f32 v45, v45;
	v45 =	vld [tilespmem:s4+$0xFFFFFE40]  }
0x545: {  	v47 =	vld [tilespmem:s4+$0xFFFFFEC0];
	v30 =	vadd.f32 v31, v30;
	v31 =	vmul.f32 v39, v39;
	v39 =	vtrunc.f32 v44  }
0x546: {  	v48 =	vcvt.f32.s32 v32;
	v43 =	vadd.f32 v43, v29;
	v44 =	vmul.f32 v46, v46;
	v46 =	vld [tilespmem:s4+$0xFFFFFE50]  }
0x547: {  	v33 =	vcvt.f32.s32 v33;
	v49 =	vld [tilespmem:s4+$0xFFFFFED0];
	v29 =	vadd.f32 v31, v30;
	v30 =	vmul.f32 v36, v36  }
0x548: {  	vm7 =	vlt.s32 v48, $0x3FF;
	v34 =	vcvt.f32.s32 v34;
	v31 =	vmul.f32 v42, v42;
	v36 =	vld [tilespmem:s4+$0xFFFFFE60]  }
0x549: {  	v38 =	vcvt.f32.s32 v38;
	v42 =	vmul.f32 v45, v45;
	v45 =	vld [tilespmem:s4+$0xFFFFFEE0];
	v29 =	vadd.f32 v30, v29  }
0x54a: {  	v32 =	vcvt.f32.s32 v41;
	v50 =	vld [tilespmem:s4+$0xFFFFFE00];
	v44 =	vadd.f32 v31, v44;
	v31 =	vmul.f32 v47, v47  }
0x54b: {  	v30 =	vcvt.f32.s32 v37;
	v41 =	vld [tilespmem:s4+$0xFFFFFF00];
	v46 =	vmul.f32 v46, v46;
	v47 =	vmax.f32 v29, $1.000000000e-30  }
0x54c: {  	v37 =	vld [tilespmem:s4+$0xFFFFFF10];
	v49 =	vmul.f32 v49, v49;
	v51 =	vshra.s32 v47, $0x1;
	v52 =	vmul.f32 $5.000000000e-01, v47  }
0x54d: {  	v42 =	vadd.f32 v31, v42;
	v53 =	vld [tilespmem:s4+$0xFFFFFF20];
	v36 =	vmul.f32 v36, v36;
	v51 =	vsub.s32 $0x5F3759DF, v51  }
0x54e: {  	v54 =	vld [tilespmem:s4+$0xFFFFFF30];
	v46 =	vadd.f32 v49, v46;
	v45 =	vmul.f32 v45, v45;
	v49 =	vmul.f32 v51, v52  }
0x54f: {  	vm12 =	vlt.s32 v33, $0x3FF;
	v31 =	vcvt.f32.s32 v39;
	v50 =	vmul.f32 v50, v50;
	v55 =	vld [tilespmem:s4+$0xFFFFFF40]  }
0x550: {  	v39 =	vmul.f32 v41, v41;
	v41 =	vld [tilespmem:s4+$0xFFFFFF50];
	v36 =	vadd.f32 v45, v36;
	v45 =	vmul.f32 v51, v49  }
0x551: {  	vm13 =	vlt.s32 v34, $0x3FF;
	v40 =	vadd.f32 v40, v50;
	v37 =	vmul.f32 v37, v37;
	v49 =	vld [tilespmem:s4+$0xFFFFFF60]  }
0x552: {  	vm10 =	vlt.s32 v38, $0x3FF;
	v50 =	vld [tilespmem:s4+$0xFFFFFF80];
	v53 =	vmul.f32 v53, v53;
	v45 =	vsub.f32 $1.500000000e+00, v45  }
0x553: {  	v39 =	vadd.f32 v39, v40;
	v35 =	vadd.f32 v37, v35;
	v37 =	vld [tilespmem:s4+$0xFFFFFF90];
	v40 =	vmul.f32 v54, v54  }
0x554: {  	v43 =	vadd.f32 v53, v43;
	v53 =	vld [tilespmem:s4+$0xFFFFFFA0];
	v54 =	vmul.f32 v55, v55;
	v45 =	vmul.f32 v51, v45  }
0x555: {  	vm11 =	vlt.s32 v32, $0x3FF;
	v40 =	vadd.f32 v40, v44;
	v44 =	vld [tilespmem:s4+$0xFFFFFFB0];
	v41 =	vmul.f32 v41, v41  }
0x556: {  	v42 =	vadd.f32 v54, v42;
	v51 =	vld [tilespmem:s4+$0xFFFFFFC0];
	v49 =	vmul.f32 v49, v49;
	v52 =	vmul.f32 v45, v52  }
0x557: {  	vm8 =	vlt.s32 v30, $0x3FF;
	v50 =	vmul.f32 v50, v50;
	v41 =	vadd.f32 v41, v46;
	v46 =	vld [tilespmem:s4+$0xFFFFFFD0]  }
0x558: {  	v37 =	vmul.f32 v37, v37;
	v36 =	vadd.f32 v49, v36;
	v49 =	vld [tilespmem:s4+$0xFFFFFFE0];
	v52 =	vmul.f32 v52, v45  }
0x559: {  	vm9 =	vlt.s32 v31, $0x3FF;
	v39 =	vadd.f32 v50, v39;
	v50 =	vld [tilespmem:s4+$0x0];
	v53 =	vmul.f32 v53, v53  }
0x55a: {  	v35 =	vadd.f32 v37, v35;
	v37 =	vld [tilespmem:s4+$0x10];
	v44 =	vmul.f32 v44, v44;
	v52 =	vsub.f32 $1.500000000e+00, v52  }
0x55b: {  	v48 =	vnsel vm7, $0x3FF, v48;
	v43 =	vadd.f32 v53, v43;
	v53 =	vld [tilespmem:s4+$0x20];
	v51 =	vmul.f32 v51, v51  }
0x55c: {  	v40 =	vadd.f32 v44, v40;
	v44 =	vld [tilespmem:s4+$0x30];
	v46 =	vmul.f32 v46, v46;
	v45 =	vmul.f32 v52, v45  }
0x55d: {  	v33 =	vnsel vm12, $0x3FF, v33;
	v42 =	vadd.f32 v51, v42;
	v51 =	vld [tilespmem:s4+$0x40];
	v49 =	vmul.f32 v49, v49  }
0x55e: {  	v50 =	vmul.f32 v50, v50;
	v41 =	vadd.f32 v46, v41;
	v46 =	vld [tilespmem:s4+$0x50];
	v45 =	vmul.f32 v45, v47  }
0x55f: {  	v34 =	vnsel vm13, $0x3FF, v34;
	v37 =	vmul.f32 v37, v37;
	v36 =	vadd.f32 v49, v36;
	v47 =	vld [tilespmem:s4+$0x60]  }
0x560: {  	v39 =	vadd.f32 v50, v39;
	v49 =	vld [tilespmem:s4+$0x80];
	v50 =	vmul.f32 v53, v53;
	v52 =	vmul.f32 v45, v0  }
0x561: {  	v38 =	vnsel vm10, $0x3FF, v38;
	v35 =	vadd.f32 v37, v35;
	v37 =	vld [tilespmem:s4+$0x90];
	v44 =	vmul.f32 v44, v44  }
0x562: {  	v43 =	vadd.f32 v50, v43;
	v50 =	vld [tilespmem:s4+$0xA0];
	v51 =	vmul.f32 v51, v51;
	v52 =	vtrunc.f32 v52  }
0x563: {  	v40 =	vadd.f32 v44, v40;
	v44 =	vld [tilespmem:s4+$0xB0];
	v46 =	vmul.f32 v46, v46;
	v52 =	vcvt.f32.s32 v52  }
0x564: {  	v32 =	vnsel vm11, $0x3FF, v32;
	v42 =	vadd.f32 v51, v42;
	v51 =	vld [tilespmem:s4+$0xC0];
	v47 =	vmul.f32 v47, v47  }
0x565: {  	v49 =	vmul.f32 v49, v49;
	v41 =	vadd.f32 v46, v41;
	v46 =	vld [tilespmem:s4+$0xD0];
	vm7 =	vlt.s32 v52, $0x3FF  }
0x566: {  	v36 =	vadd.f32 v47, v36;
	v47 =	vld [tilespmem:s4+$0xE0];
	v52 =	vnsel vm7, $0x3FF, v52;
	vm7 =	vgt.f32 v29, $0.0e+00  }
0x567: {  	v37 =	vmul.f32 v37, v37;
	v29 =	vld [tilespmem:s4+$0x100];
	v50 =	vmul.f32 v50, v50;
	v52 =	vnsel vm7, $0x3FF, v52  }
0x568: {  	v30 =	vnsel vm8, $0x3FF, v30;
	v39 =	vadd.f32 v49, v39;
	v49 =	vld [tilespmem:s4+$0x110];
	v44 =	vmul.f32 v44, v44  }
0x569: {  	v35 =	vadd.f32 v37, v35;
	v37 =	vadd.f32 v50, v43;
	v43 =	vld [tilespmem:s4+$0x120];
	v50 =	vmul.f32 v51, v51  }
0x56a: {  	v31 =	vnsel vm9, $0x3FF, v31;
	v40 =	vadd.f32 v44, v40;
	v44 =	vld [tilespmem:s4+$0x130];
	v46 =	vmul.f32 v46, v46  }
0x56b: {  	v48 =	vnsel vm2, $0x3FF, v48;
	v42 =	vadd.f32 v50, v42;
	v50 =	vld [tilespmem:s4+$0x140];
	v47 =	vmul.f32 v47, v47  }
0x56c: {  	v51 =	vnsel vm0, $0x3FF, v33;
	v29 =	vmul.f32 v29, v29;
	v41 =	vadd.f32 v46, v41;
	v46 =	vld.idx.msk [tilespmem:v52+s24+$0x0], $0xffff  }
0x56d: {  	v34 =	vnsel vm1, $0x3FF, v34;
	v33 =	vmul.f32 v49, v49;
	v49 =	vld [tilespmem:s4+$0x150];
	v36 =	vadd.f32 v47, v36  }
0x56e: {  	v38 =	vnsel vm3, $0x3FF, v38;
	v29 =	vadd.f32 v29, v39;
	v39 =	vmul.f32 v43, v43;
	v43 =	vld.idx.msk [tilespmem:v52+s23+$0x0], $0xffff  }
0x56f: {  	v47 =	vnsel vm4, $0x3FF, v32;
	v33 =	vadd.f32 v33, v35;
	v35 =	vmul.f32 v44, v44;
	v44 =	vld [tilespmem:s4+$0x160]  }
0x570: {  	v32 =	vld [tilespmem:s4+$0x180];
	v37 =	vadd.f32 v39, v37;
	v39 =	vmul.f32 v50, v50;
	v50 =	vnsel vm5, $0x3FF, v30  }
0x571: {  	v14 =	vmul.f32 v1, v14;
	v1 =	vmovc v28;
	v52 =	vld [tilespmem:s4+$0x190];
	v35 =	vadd.f32 v35, v40;
	v40 =	vnsel vm6, $0x3FF, v31  }
0x572: {  	v31 =	vmul.f32 v45, v46;
	v53 =	vld [tilespmem:s4+$0x1A0];
	v39 =	vadd.f32 v39, v42;
	v30 =	vmul.f32 v49, v49  }
0x573: {  	v11 =	vmul.f32 v2, v11;
	v14 =	vadd.f32 v14, v21;
	v28 =	vmul.f32 v3, v16;
	v2 =	vmovc v27;
	v42 =	vld [tilespmem:s4+$0x1B0]  }
0x574: {  	v3 =	vmovc v26;
	v31 =	vadd.f32 v31, v43;
	v16 =	vld [tilespmem:s4+$0x1C0];
	v21 =	vadd.f32 v30, v41;
	v27 =	vmul.f32 v44, v44  }
0x575: {  	s0 =	sadd.s32 $0x80, s0;
	v20 =	vadd.f32 v11, v20;
	v30 =	vmul.f32 v5, v10;
	v26 =	vmul.f32 v32, v32;
	v41 =	vld [tilespmem:s4+$0x1D0];
	[tilespmem:s3+$0xFFFFFFC0] =	vst v14  }
0x576: {  	v5 =	vmul.f32 v52, v52;
	v36 =	vadd.f32 v27, v36;
	v43 =	vld [tilespmem:s4+$0x1E0];
	[tilespmem:s0+$0x30] =	vst v31;
	v31 =	vmul.f32 v7, v12  }
0x577: {  	v32 =	vmul.f32 v6, v13;
	v44 =	vadd.f32 v26, v29;
	v7 =	vmul.f32 v53, v53;
	v14 =	vld.idx.msk [tilespmem:v48+s24+$0x0], $0xffff  }
0x578: {  	v45 =	vadd.f32 v5, v33;
	v12 =	vmul.f32 v42, v42;
	v11 =	vld.idx.msk [tilespmem:v51+s24+$0x0], $0xffff;
	v33 =	vmul.f32 v4, v15  }
0x579: {  	v26 =	vmax.f32 v44, $1.000000000e-30;
	v37 =	vadd.f32 v7, v37;
	v29 =	vmul.f32 v16, v16;
	v16 =	vld.idx.msk [tilespmem:v34+s24+$0x0], $0xffff;
	[tilespmem:s3+$0xFFFFFFD0] =	vst v20  }
0x57a: {  	v27 =	vmax.f32 v45, $1.000000000e-30;
	v35 =	vadd.f32 v12, v35;
	v20 =	vmul.f32 v41, v41;
	v10 =	vld.idx.msk [tilespmem:v38+s24+$0x0], $0xffff;
	v5 =	vmovc v25  }
0x57b: {  	v25 =	vmax.f32 v37, $1.000000000e-30;
	v39 =	vadd.f32 v29, v39;
	v15 =	vmul.f32 v43, v43;
	v12 =	vld.idx.msk [tilespmem:v47+s24+$0x0], $0xffff;
	v7 =	vmovc v24  }
0x57c: {  	v6 =	vmovc v22;
	v4 =	vmovc v23;
	v41 =	vshra.s32 v26, $0x1;
	v24 =	vmax.f32 v35, $1.000000000e-30;
	v42 =	vadd.f32 v20, v21;
	v13 =	vld.idx.msk [tilespmem:v50+s24+$0x0], $0xffff  }
0x57d: {  	v43 =	vmul.f32 $5.000000000e-01, v26;
	v22 =	vmax.f32 v39, $1.000000000e-30;
	v36 =	vadd.f32 v15, v36;
	v15 =	vld.idx.msk [tilespmem:v40+s24+$0x0], $0xffff  }
0x57e: {  	v46 =	vshra.s32 v27, $0x1;
	v49 =	vmul.f32 $5.000000000e-01, v27;
	v23 =	vmax.f32 v42, $1.000000000e-30;
	v21 =	vld.idx.msk [tilespmem:v48+s23+$0x0], $0xffff  }
0x57f: {  	v52 =	vmul.f32 $5.000000000e-01, v25;
	v48 =	vshra.s32 v25, $0x1;
	v29 =	vmax.f32 v36, $1.000000000e-30;
	v20 =	vld.idx.msk [tilespmem:v51+s23+$0x0], $0xffff  }
0x580: {  	v53 =	vmul.f32 $5.000000000e-01, v24;
	v54 =	vshra.s32 v22, $0x1;
	v51 =	vshra.s32 v24, $0x1;
	v55 =	vld.idx.msk [tilespmem:v34+s23+$0x0], $0xffff  }
0x581: {  	v56 =	vmul.f32 $5.000000000e-01, v22;
	v57 =	vmul.f32 $5.000000000e-01, v23;
	v34 =	vshra.s32 v23, $0x1;
	v38 =	vld.idx.msk [tilespmem:v38+s23+$0x0], $0xffff  }
0x582: {  	v41 =	vsub.s32 $0x5F3759DF, v41;
	v58 =	vshra.s32 v29, $0x1;
	v59 =	vmul.f32 $5.000000000e-01, v29;
	v47 =	vld.idx.msk [tilespmem:v47+s23+$0x0], $0xffff  }
0x583: {  	v46 =	vsub.s32 $0x5F3759DF, v46;
	v48 =	vsub.s32 $0x5F3759DF, v48;
	v51 =	vsub.s32 $0x5F3759DF, v51;
	v50 =	vld.idx.msk [tilespmem:v50+s23+$0x0], $0xffff  }
0x584: {  	v54 =	vsub.s32 $0x5F3759DF, v54;
	v34 =	vsub.s32 $0x5F3759DF, v34;
	v58 =	vsub.s32 $0x5F3759DF, v58;
	v40 =	vld.idx.msk [tilespmem:v40+s23+$0x0], $0xffff  }
0x585: {  	vm2 =	vgt.f32 v44, $0.0e+00;
	v60 =	vmul.f32 v41, v43;
	v44 =	vmul.f32 v46, v49  }
0x586: {  	vm0 =	vgt.f32 v45, $0.0e+00;
	v45 =	vmul.f32 v48, v52;
	v61 =	vmul.f32 v51, v53  }
0x587: {  	vm1 =	vgt.f32 v37, $0.0e+00;
	v37 =	vmul.f32 v54, v56;
	v62 =	vmul.f32 v34, v57  }
0x588: {  	vm3 =	vgt.f32 v35, $0.0e+00;
	v60 =	vmul.f32 v41, v60;
	v35 =	vmul.f32 v58, v59  }
0x589: {  	vm4 =	vgt.f32 v39, $0.0e+00;
	v44 =	vmul.f32 v46, v44;
	v45 =	vmul.f32 v48, v45  }
0x58a: {  	v39 =	vsub.f32 $1.500000000e+00, v60;
	v37 =	vmul.f32 v54, v37;
	v60 =	vmul.f32 v51, v61  }
0x58b: {  	v44 =	vsub.f32 $1.500000000e+00, v44;
	v61 =	vmul.f32 v34, v62;
	v35 =	vmul.f32 v58, v35  }
0x58c: {  	v39 =	vmul.f32 v41, v39;
	v41 =	vsub.f32 $1.500000000e+00, v45;
	v45 =	vsub.f32 $1.500000000e+00, v60  }
0x58d: {  	v44 =	vmul.f32 v46, v44;
	v37 =	vsub.f32 $1.500000000e+00, v37;
	v46 =	vsub.f32 $1.500000000e+00, v61  }
0x58e: {  	v41 =	vmul.f32 v48, v41;
	v35 =	vsub.f32 $1.500000000e+00, v35;
	v45 =	vmul.f32 v51, v45  }
0x58f: {  	vm5 =	vgt.f32 v42, $0.0e+00;
	v37 =	vmul.f32 v54, v37;
	v46 =	vmul.f32 v34, v46  }
0x590: {  	vm6 =	vgt.f32 v36, $0.0e+00;
	v42 =	vmul.f32 v39, v43;
	v34 =	vmul.f32 v58, v35  }
0x591: {  	v28 =	vadd.f32 v28, v8;
	v8 =	vmovc v55;
	v35 =	vmul.f32 v44, v49;
	v36 =	vmul.f32 v41, v52  }
0x592: {  	v30 =	vadd.f32 v30, v9;
	v9 =	vmovc v38;
	v48 =	vmul.f32 v37, v56;
	v43 =	vmul.f32 v45, v53  }
0x593: {  	v51 =	vadd.f32 v31, v17;
	v38 =	vmul.f32 v46, v57;
	v49 =	vmul.f32 v34, v59;
	[tilespmem:s3+$0xFFFFFFE0] =	vst v28  }
0x594: {  	v31 =	vmul.f32 v35, v44;
	v28 =	vmul.f32 v42, v39;
	v42 =	vadd.f32 v32, v19;
	[tilespmem:s3+$0xFFFFFFF0] =	vst v30  }
0x595: {  	v32 =	vmul.f32 v43, v45;
	v43 =	vadd.f32 v33, v18;
	v30 =	vmul.f32 v36, v41;
	[tilespmem:s3+$0x0] =	vst v51  }
0x596: {  	v17 =	vmovc v47;
	v35 =	vmul.f32 v38, v46;
	v33 =	vmul.f32 v48, v37;
	v28 =	vsub.f32 $1.500000000e+00, v28;
	[tilespmem:s3+$0x10] =	vst v42  }
.Ltmp4:
0x597: {  	v31 =	vsub.f32 $1.500000000e+00, v31;
	v19 =	vmovc v50;
	v18 =	vmovc v40;
	v36 =	vmul.f32 v49, v34;
	v38 =	vsub.f32 $1.500000000e+00, v30;
	[tilespmem:s3+$0x20] =	vst v43;
	s3 =	smov.u32 s2;
	s2 =	smov.u32 s0;
	(pc) =	sbr.rel @p0 .LBB2_10-.Ltmp4, $4  }
0x598: {  	v33 =	vsub.f32 $1.500000000e+00, v33;
	v28 =	vmul.f32 v28, v39;
	v39 =	vsub.f32 $1.500000000e+00, v32  }
0x599: {  	v40 =	vsub.f32 $1.500000000e+00, v35;
	v30 =	vmul.f32 v31, v44;
	v36 =	vsub.f32 $1.500000000e+00, v36  }
0x59a: {  	v32 =	vmul.f32 v38, v41;
	v31 =	vmul.f32 v39, v45  }
0x59b: {  	s4 =	sadd.s32 $0x400, s4;
	v35 =	vmul.f32 v33, v37;
	v33 =	vmul.f32 v40, v46  }
0x59c: {  	v26 =	vmul.f32 v28, v26;
	v55 =	vmul.f32 v36, v34  }
0x59d: {  	v27 =	vmul.f32 v30, v27;
	v25 =	vmul.f32 v32, v25  }
0x59e: {  	v24 =	vmul.f32 v31, v24;
	v22 =	vmul.f32 v35, v22  }
0x59f: {  	v23 =	vmul.f32 v33, v23;
	v28 =	vmul.f32 v55, v29  }
0x5a0: {  	v56 =	vmul.f32 v26, v0;
	v30 =	vmul.f32 v27, v0  }
0x5a1: {  	v57 =	vmul.f32 v25, v0;
	v58 =	vmul.f32 v24, v0  }
0x5a2: {  	v59 =	vmul.f32 v22, v0;
	v29 =	vtrunc.f32 v56  }
0x5a3: {  	v30 =	vtrunc.f32 v30;
	v29 =	vcvt.f32.s32 v29  }
0x5a4: {  	v31 =	vtrunc.f32 v57;
	v30 =	vcvt.f32.s32 v30  }
0x5a5: {  	v32 =	vtrunc.f32 v58;
	v31 =	vcvt.f32.s32 v31;
	vm7 =	vlt.s32 v29, $0x3FF  }
0x5a6: {  	v32 =	vcvt.f32.s32 v32;
	vm8 =	vlt.s32 v30, $0x3FF;
	v29 =	vnsel vm7, $0x3FF, v29  }
0x5a7: {  	vm11 =	vlt.s32 v31, $0x3FF;
	v30 =	vnsel vm8, $0x3FF, v30;
	v29 =	vnsel vm2, $0x3FF, v29  }
0x5a8: {  	vm12 =	vlt.s32 v32, $0x3FF;
	v31 =	vnsel vm11, $0x3FF, v31;
	v30 =	vnsel vm0, $0x3FF, v30  }
0x5a9: {  	v60 =	vmul.f32 v23, v0;
	v32 =	vnsel vm12, $0x3FF, v32;
	v31 =	vnsel vm1, $0x3FF, v31  }
0x5aa: {  	v61 =	vmul.f32 v28, v0;
	v33 =	vtrunc.f32 v59;
	v32 =	vnsel vm3, $0x3FF, v32  }
0x5ab: {  	v34 =	vtrunc.f32 v60;
	v33 =	vcvt.f32.s32 v33  }
0x5ac: {  	v34 =	vcvt.f32.s32 v34;
	v62 =	vld.idx.msk [tilespmem:v29+s24+$0x0], $0xffff  }
0x5ad: {  	v0 =	vtrunc.f32 v61;
	vm13 =	vlt.s32 v33, $0x3FF;
	v63 =	vld.idx.msk [tilespmem:v30+s24+$0x0], $0xffff  }
0x5ae: {  	v0 =	vcvt.f32.s32 v0;
	vm14 =	vlt.s32 v34, $0x3FF;
	v33 =	vnsel vm13, $0x3FF, v33;
	v37 =	vld.idx.msk [tilespmem:v31+s24+$0x0], $0xffff  }
0x5af: {  	v1 =	vmul.f32 v1, v14;
	v34 =	vnsel vm14, $0x3FF, v34;
	v33 =	vnsel vm4, $0x3FF, v33;
	v38 =	vld.idx.msk [tilespmem:v32+s24+$0x0], $0xffff  }
0x5b0: {  	v2 =	vmul.f32 v2, v11;
	vm15 =	vlt.s32 v0, $0x3FF;
	v34 =	vnsel vm5, $0x3FF, v34;
	v43 =	vld.idx.msk [tilespmem:v29+s23+$0x0], $0xffff  }
0x5b1: {  	v3 =	vmul.f32 v3, v16;
	v1 =	vadd.f32 v1, v21;
	v0 =	vnsel vm15, $0x3FF, v0;
	v44 =	vld.idx.msk [tilespmem:v30+s23+$0x0], $0xffff  }
0x5b2: {  	v5 =	vmul.f32 v5, v10;
	v2 =	vadd.f32 v2, v20;
	v0 =	vnsel vm6, $0x3FF, v0;
	v45 =	vld.idx.msk [tilespmem:v31+s23+$0x0], $0xffff  }
0x5b3: {  	v6 =	vmul.f32 v6, v13;
	v3 =	vadd.f32 v3, v8;
	[tilespmem:s3+$0xFFFFFFC0] =	vst v1;
	v46 =	vld.idx.msk [tilespmem:v32+s23+$0x0], $0xffff  }
0x5b4: {  	v4 =	vmul.f32 v4, v15;
	v5 =	vadd.f32 v5, v9;
	[tilespmem:s3+$0xFFFFFFD0] =	vst v2;
	v39 =	vld.idx.msk [tilespmem:v33+s24+$0x0], $0xffff  }
0x5b5: {  	v42 =	vmul.f32 v7, v12;
	v47 =	vadd.f32 v6, v19;
	[tilespmem:s3+$0xFFFFFFE0] =	vst v3;
	v40 =	vld.idx.msk [tilespmem:v34+s24+$0x0], $0xffff  }
0x5b6: {  	v50 =	vadd.f32 v4, v18;
	[tilespmem:s3+$0xFFFFFFF0] =	vst v5;
	v49 =	vld.idx.msk [tilespmem:v33+s23+$0x0], $0xffff;
	v48 =	vmul.f32 v26, v62  }
0x5b7: {  	v1 =	vadd.f32 v42, v17;
	[tilespmem:s3+$0x10] =	vst v47;
	v41 =	vld.idx.msk [tilespmem:v0+s24+$0x0], $0xffff;
	v51 =	vmul.f32 v27, v63  }
0x5b8: {  	[tilespmem:s3+$0x20] =	vst v50;
	v52 =	vld.idx.msk [tilespmem:v34+s23+$0x0], $0xffff;
	v54 =	vmul.f32 v25, v37;
	v53 =	vadd.f32 v48, v43  }
0x5b9: {  	[tilespmem:s3+$0x0] =	vst v1;
	v0 =	vld.idx.msk [tilespmem:v0+s23+$0x0], $0xffff;
	v56 =	vmul.f32 v24, v38;
	v55 =	vadd.f32 v51, v44  }
0x5ba: {  	v57 =	vmul.f32 v22, v39;
	v58 =	vadd.f32 v54, v45;
	[tilespmem:s2+$0xFFFFFFC0] =	vst v53  }
0x5bb: {  	v59 =	vmul.f32 v23, v40;
	v60 =	vadd.f32 v56, v46;
	[tilespmem:s2+$0xFFFFFFD0] =	vst v55  }
0x5bc: {  	v61 =	vmul.f32 v28, v41;
	v62 =	vadd.f32 v57, v49;
	[tilespmem:s2+$0xFFFFFFE0] =	vst v58  }
0x5bd: {  	v63 =	vadd.f32 v59, v52;
	[tilespmem:s2+$0xFFFFFFF0] =	vst v60  }
0x5be: {  	v0 =	vadd.f32 v61, v0;
	[tilespmem:s2+$0x0] =	vst v62  }
0x5bf: {  	[tilespmem:s2+$0x10] =	vst v63  }
0x5c0: {  	s31 =	sadd.s32 $0x1, s31;
	[tilespmem:s2+$0x20] =	vst v0  }
0x5c1: {  	[hbm4b:s14+s6] =	stream.linear.scatter [tilespmem:s28], [sflag:$0x4], $0x1000, $0x38;
	[tilespmem:$0x13480] =	vst v63  }
0x5c2: {  	p0 =	sne.s32 s31, s15;
	_ =	swait.ge [sflag:s29], $0x1000  }
.Ltmp5:
0x5c3: {  	[sflag:s29] =	ssyncset.done $0x0;
	(pc) =	sbr.rel @p0 .LBB2_1-.Ltmp5, $4  }
0x5c4: {  	[sflag:s29] =	ssyncadd.s32 $0xFFFFF000  }
0x5c5: {  	_ =	swait.ge [sflag:s30], $0x1000  }
0x5c6: {  	[sflag:s30] =	ssyncset.done $0x0  }
0x5c7: {  	[sflag:s30] =	ssyncadd.s32 $0xFFFFF000  }
0x5c8: {  	_ =	sfence.sel $0x180000  }
0x5c9: {  	[bflag:$0x0] =	sbarrier.arrive $0xFFFF  }
0x5ca: {  	_ =	strace $0x90000047  }
0x5cb: {  	s0 =	stileid.u32;
	[bflag:$0x2] =	sbarrier.arrive $0xFFFF  }
0x5cc: {  	p0 =	sne.s32 s0, $0x0;
	s0 =	rddreg [dreg:$0x6]  }
0x5cd: {  	s0 =	sadd.s32 @!p0 $0x100000, s0  }
0x5ce: {  	[sflag:s0] =	ssyncadd.tile.s32 @!p0 $0x1;
	_ =	shalt  }
.Lfunc_end2:
_tile_overlayer_lowered:
.L_overlay_start_2:
0x5cf: {  	(tag) =	ssettag $0x2  }
0x5d0: {  	s0 =	rddreg [dreg:$0x0];
	s2 =	stileid.u32  }
0x5d1: {  	s1 =	rddreg [dreg:$0x1];
	p0 =	sne.s32 s2, $0x0  }
0x5d2: {  	s3 =	rddreg [dreg:$0x2];
	[bflag:$0x3] =	sbarrier.arrive $0xFFFF;
	s2 =	simm.s32 @!p0 $0x1C05  }
0x5d3: {  	[timem:s3], [sflag:s2] =	dma.local @!p0 [hbm:s0], s1  }
0x5d4: {  	s0 =	simm.s32 @!p0 $0x5  }
0x5d5: {  	_ =	swait.ge @!p0 [sflag:s0], s1  }
0x5d6: {  	s1 =	ssub.s32 @!p0 $0x0, s1;
	[sflag:s0] =	ssyncset.done @!p0 $0x0  }
0x5d7: {  	[sflag:s0] =	ssyncadd.s32 @!p0 s1  }
0x5d8: {  	[bflag:$0x3] =	sbarrier.arrive $0xFFFF  }
0x5d9: {  	_ =	shalt  }

</sc_bundles>
